<compile_context>
chip_gen: v7x
topology: tpu7x:2x2x1
jax: 0.10.2.dev20260603
libtpu: 0.0.44.dev20260713+nightly
codegen_flags: <defaults>
</compile_context>

<pallas_src>
import jax
import jax.numpy as jnp
from jax import lax
from jax.experimental import pallas as pl
from jax.experimental.pallas import tpu as pltpu
from jax.experimental.pallas import tpu_sc as plsc

N = 10000
E = 320000
D = 128
H1 = 256

NUM_TILES = 16
N_PAD = 10112
ROWS_PER_TILE = N_PAD // NUM_TILES
CHUNK = 128
NUM_CHUNKS = E // CHUNK
CHUNKS_PER_TILE = NUM_CHUNKS // NUM_TILES
NBUF = 3


def _spmm_body(m1_hbm, m2_hbm, src1_hbm, dst1_hbm, src2_hbm, dst2_hbm,
               zeros_hbm, out1_hbm, out2_hbm,
               acc_sh, rows0, rows1, rows2, sidx0, sidx1, sidx2,
               didx0, didx1, didx2,
               gsem0, gsem1, gsem2, ssem0, ssem1, ssem2,
               dsem0, dsem1, dsem2, xsem0, xsem1, xsem2, zsem):
  c = lax.axis_index("c")
  s = lax.axis_index("s")
  row_base = s * ROWS_PER_TILE
  rows = (rows0, rows1, rows2)
  sidx = (sidx0, sidx1, sidx2)
  didx = (didx0, didx1, didx2)
  gsem = (gsem0, gsem1, gsem2)
  ssem = (ssem0, ssem1, ssem2)
  dsem = (dsem0, dsem1, dsem2)
  xsem = (xsem0, xsem1, xsem2)
  NC = CHUNKS_PER_TILE

  pltpu.async_copy(zeros_hbm, acc_sh.at[pl.ds(row_base, ROWS_PER_TILE)], zsem)

  def do_edges(m_hbm, src_hbm, dst_hbm):
    base_e = s * CHUNKS_PER_TILE * CHUNK

    def idx_wait(buf, sem):
      pltpu.make_async_copy(src_hbm.at[pl.ds(0, CHUNK)], buf, sem).wait()

    def row_wait(buf, sem):
      pltpu.make_async_copy(m_hbm.at[sidx0], buf, sem).wait()

    def scat_wait(k):
      pltpu.make_async_copy(rows[k], acc_sh.at[didx[k]], xsem[k]).wait()

    def load_sidx(i, k):
      pltpu.async_copy(src_hbm.at[pl.ds(base_e + i * CHUNK, CHUNK)],
                       sidx[k], ssem[k])

    def load_didx(i, k):
      pltpu.async_copy(dst_hbm.at[pl.ds(base_e + i * CHUNK, CHUNK)],
                       didx[k], dsem[k])

    def issue_gather(k):
      pltpu.async_copy(m_hbm.at[sidx[k]], rows[k], gsem[k])

    for k in range(NBUF):
      load_sidx(k, k)
      if k < NBUF - 1:
        load_didx(k, k)
    for k in range(NBUF - 1):
      idx_wait(sidx[k], ssem[k])
      issue_gather(k)

    pltpu.make_async_copy(zeros_hbm, acc_sh.at[pl.ds(0, ROWS_PER_TILE)],
                          zsem).wait()
    plsc.subcore_barrier()

    def step(i, k):
      o = (k + 2) % NBUF
      row_wait(rows[k], gsem[k])

      @pl.when(i >= 1)
      def _():
        scat_wait(o)

      @pl.when(i + 2 < NC)
      def _():
        idx_wait(sidx[o], ssem[o])
        issue_gather(o)

      @pl.when(i + 3 < NC)
      def _():
        load_sidx(i + 3, k)

      @pl.when(i + 2 < NC)
      def _():
        load_didx(i + 2, o)

      idx_wait(didx[k], dsem[k])
      pltpu.async_copy(rows[k], acc_sh.at[didx[k]], xsem[k], add=True)

      tail_off = (NC * NUM_TILES + s) * CHUNK

      @pl.when((i == NC - 2) & (s < NUM_CHUNKS - NC * NUM_TILES))
      def _():
        pltpu.async_copy(src_hbm.at[pl.ds(tail_off, CHUNK)], sidx[0], ssem[0])
        pltpu.async_copy(dst_hbm.at[pl.ds(tail_off, CHUNK)], didx[0], dsem[0])

      @pl.when((i == NC - 1) & (s < NUM_CHUNKS - NC * NUM_TILES))
      def _():
        idx_wait(sidx[0], ssem[0])
        issue_gather(0)

    def body3(j, carry):
      i = j * NBUF
      for k in range(NBUF):
        step(i + k, k)
      return carry

    lax.fori_loop(0, NC // NBUF, body3, 0)
    scat_wait((NC - 1) % NBUF)

    @pl.when(s < NUM_CHUNKS - NC * NUM_TILES)
    def _():
      row_wait(rows[0], gsem[0])
      idx_wait(didx[0], dsem[0])
      pltpu.sync_copy(rows[0], acc_sh.at[didx[0]], add=True)

  @pl.when(c == 0)
  def _():
    do_edges(m1_hbm, src1_hbm, dst1_hbm)

  @pl.when(c == 1)
  def _():
    do_edges(m2_hbm, src2_hbm, dst2_hbm)

  plsc.subcore_barrier()

  @pl.when(c == 0)
  def _():
    pltpu.sync_copy(acc_sh.at[pl.ds(row_base, ROWS_PER_TILE)],
                    out1_hbm.at[pl.ds(row_base, ROWS_PER_TILE)])

  @pl.when(c == 1)
  def _():
    pltpu.sync_copy(acc_sh.at[pl.ds(row_base, ROWS_PER_TILE)],
                    out2_hbm.at[pl.ds(row_base, ROWS_PER_TILE)])


_spmm = pl.kernel(
    _spmm_body,
    out_type=(jax.ShapeDtypeStruct((N_PAD, D), jnp.float32),
              jax.ShapeDtypeStruct((N_PAD, D), jnp.float32)),
    mesh=plsc.VectorSubcoreMesh(core_axis_name="c", subcore_axis_name="s"),
    scratch_types=(
        [pltpu.VMEM_SHARED((N_PAD, D), jnp.float32)]
        + [pltpu.VMEM((CHUNK, D), jnp.float32)] * NBUF
        + [pltpu.VMEM((CHUNK,), jnp.int32)] * (2 * NBUF)
        + [pltpu.SemaphoreType.DMA] * (4 * NBUF + 1)
    ),
)


ROW_BLK = 2000


def _dense1_body(s1_ref, s2_ref, w11_ref, w12_ref, w21_ref, w22_ref,
                 m1_ref, m2_ref):
  h = jnp.maximum(
      jnp.dot(s1_ref[...], w11_ref[...], preferred_element_type=jnp.float32)
      + jnp.dot(s2_ref[...], w12_ref[...], preferred_element_type=jnp.float32),
      0.0)
  m1_ref[...] = jnp.dot(h, w21_ref[...], preferred_element_type=jnp.float32)
  m2_ref[...] = jnp.dot(h, w22_ref[...], preferred_element_type=jnp.float32)


def _dense1(s1, s2, w11, w12, w21, w22):
  grid = N // ROW_BLK
  return pl.pallas_call(
      _dense1_body,
      grid=(grid,),
      in_specs=[
          pl.BlockSpec((ROW_BLK, D), lambda i: (i, 0)),
          pl.BlockSpec((ROW_BLK, D), lambda i: (i, 0)),
          pl.BlockSpec((D, H1), lambda i: (0, 0)),
          pl.BlockSpec((D, H1), lambda i: (0, 0)),
          pl.BlockSpec((H1, D), lambda i: (0, 0)),
          pl.BlockSpec((H1, D), lambda i: (0, 0)),
      ],
      out_specs=[
          pl.BlockSpec((ROW_BLK, D), lambda i: (i, 0)),
          pl.BlockSpec((ROW_BLK, D), lambda i: (i, 0)),
      ],
      out_shape=[
          jax.ShapeDtypeStruct((N, D), jnp.float32),
          jax.ShapeDtypeStruct((N, D), jnp.float32),
      ],
  )(s1, s2, w11, w12, w21, w22)


def _dense2_body(t1_ref, t2_ref, out_ref):
  @pl.when(pl.program_id(0) == 0)
  def _():
    out_ref[...] = jnp.zeros_like(out_ref)

  h2 = jnp.maximum(t1_ref[...] + t2_ref[...], 0.0)
  out_ref[...] += jnp.sum(h2, axis=0, keepdims=True)

  @pl.when(pl.program_id(0) == pl.num_programs(0) - 1)
  def _():
    out_ref[...] *= (1.0 / N)


def _dense2(t1, t2):
  grid = N // ROW_BLK
  return pl.pallas_call(
      _dense2_body,
      grid=(grid,),
      in_specs=[
          pl.BlockSpec((ROW_BLK, D), lambda i: (i, 0)),
          pl.BlockSpec((ROW_BLK, D), lambda i: (i, 0)),
      ],
      out_specs=pl.BlockSpec((1, D), lambda i: (0, 0)),
      out_shape=jax.ShapeDtypeStruct((1, D), jnp.float32),
  )(t1, t2)


def kernel(x, edge_index_1, edge_index_2, W1_r1, W1_r2, W2_r1, W2_r2):
  src1, dst1 = edge_index_1[0], edge_index_1[1]
  src2, dst2 = edge_index_2[0], edge_index_2[1]
  zeros = jnp.zeros((ROWS_PER_TILE, D), jnp.float32)

  s1, s2 = _spmm(x, x, src1, dst1, src2, dst2, zeros)
  m1, m2 = _dense1(s1, s2, W1_r1, W1_r2, W2_r1, W2_r2)
  t1, t2 = _spmm(m1, m2, src1, dst1, src2, dst2, zeros)
  return _dense2(t1, t2)

# --- scband reference (transcript-rebuilt; emitter-appended) ---
"""Pipeline reference for scband-rgcn-57655640981729 (READ-ONLY COPY).

The authoritative reference and input builder live on the scoring server;
editing this copy changes nothing except your own understanding.
"""

import jax, jax.numpy as jnp
import numpy as np

N = 10000
E = 320000
D_IN = 128
H1 = 256
H2 = 128


def setup_inputs(seed: int = 0) -> dict:
    key = jax.random.key(seed)
    k1, k2, k3, k4, k5, k6, k7 = jax.random.split(key, 7)
    x = jax.random.normal(k1, (N, D_IN), dtype=jnp.float32)
    edge_index_1 = jax.random.randint(k2, (2, E), 0, N, dtype=jnp.int32)
    edge_index_2 = jax.random.randint(k3, (2, E), 0, N, dtype=jnp.int32)
    W1_r1 = jax.random.normal(k4, (D_IN, H1), dtype=jnp.float32) * (1.0 / np.sqrt(D_IN))
    W1_r2 = jax.random.normal(k5, (D_IN, H1), dtype=jnp.float32) * (1.0 / np.sqrt(D_IN))
    W2_r1 = jax.random.normal(k6, (H1, H2), dtype=jnp.float32) * (1.0 / np.sqrt(H1))
    W2_r2 = jax.random.normal(k7, (H1, H2), dtype=jnp.float32) * (1.0 / np.sqrt(H1))
    return {
        "x": x,
        "edge_index_1": edge_index_1,
        "edge_index_2": edge_index_2,
        "W1_r1": W1_r1,
        "W1_r2": W1_r2,
        "W2_r1": W2_r1,
        "W2_r2": W2_r2,
    }


def _rel_gcn_layer(h, edge_index_1, edge_index_2, W_r1, W_r2):
    # Relational graph convolution: act( A_1 @ (h W_r1) + A_2 @ (h W_r2) )
    # Sparse adj matmul implemented as gather-by-src + scatter-add-by-dst.
    hW1 = h @ W_r1
    msgs1 = jnp.take(hW1, edge_index_1[0], axis=0)
    agg1 = jax.ops.segment_sum(msgs1, edge_index_1[1], num_segments=N)
    hW2 = h @ W_r2
    msgs2 = jnp.take(hW2, edge_index_2[0], axis=0)
    agg2 = jax.ops.segment_sum(msgs2, edge_index_2[1], num_segments=N)
    return jax.nn.relu(agg1 + agg2)


def reference(x, edge_index_1, edge_index_2, W1_r1, W1_r2, W2_r1, W2_r2):
    # dropout=0.0 (eval mode)
    hidden1 = _rel_gcn_layer(x, edge_index_1, edge_index_2, W1_r1, W1_r2)
    hidden2 = _rel_gcn_layer(hidden1, edge_index_1, edge_index_2, W2_r1, W2_r2)
    outputs = jnp.mean(hidden2, axis=0, keepdims=True)
    return outputs

if __name__ == "__main__":
    import jax
    _d = setup_inputs()
    print(jax.jit(kernel)(*tuple(_d.values())))

</pallas_src>

<mosaic_0001>
#map = affine_map<(d0, d1) -> (0, 0)>
#map1 = affine_map<(d0, d1) -> (0)>
module attributes {stable_mosaic.version = 14 : i64} {
  func.func @_spmm_body(%arg0: i32, %arg1: i32, %arg2: memref<10000x128xf32, #tpu.memory_space<hbm>>, %arg3: memref<10000x128xf32, #tpu.memory_space<hbm>>, %arg4: memref<320000xi32, #tpu.memory_space<hbm>>, %arg5: memref<320000xi32, #tpu.memory_space<hbm>>, %arg6: memref<320000xi32, #tpu.memory_space<hbm>>, %arg7: memref<320000xi32, #tpu.memory_space<hbm>>, %arg8: memref<632x128xf32, #tpu.memory_space<hbm>>, %arg9: memref<10112x128xf32, #tpu.memory_space<hbm>>, %arg10: memref<10112x128xf32, #tpu.memory_space<hbm>>, %arg11: memref<10112x128xf32, #tpu.memory_space<vmem_shared>>, %arg12: memref<128x128xf32, #tpu.memory_space<vmem>>, %arg13: memref<128x128xf32, #tpu.memory_space<vmem>>, %arg14: memref<128x128xf32, #tpu.memory_space<vmem>>, %arg15: memref<128xi32, #tpu.memory_space<vmem>>, %arg16: memref<128xi32, #tpu.memory_space<vmem>>, %arg17: memref<128xi32, #tpu.memory_space<vmem>>, %arg18: memref<128xi32, #tpu.memory_space<vmem>>, %arg19: memref<128xi32, #tpu.memory_space<vmem>>, %arg20: memref<128xi32, #tpu.memory_space<vmem>>, %arg21: memref<!tpu.dma_semaphore, #tpu.memory_space<semaphore_mem>>, %arg22: memref<!tpu.dma_semaphore, #tpu.memory_space<semaphore_mem>>, %arg23: memref<!tpu.dma_semaphore, #tpu.memory_space<semaphore_mem>>, %arg24: memref<!tpu.dma_semaphore, #tpu.memory_space<semaphore_mem>>, %arg25: memref<!tpu.dma_semaphore, #tpu.memory_space<semaphore_mem>>, %arg26: memref<!tpu.dma_semaphore, #tpu.memory_space<semaphore_mem>>, %arg27: memref<!tpu.dma_semaphore, #tpu.memory_space<semaphore_mem>>, %arg28: memref<!tpu.dma_semaphore, #tpu.memory_space<semaphore_mem>>, %arg29: memref<!tpu.dma_semaphore, #tpu.memory_space<semaphore_mem>>, %arg30: memref<!tpu.dma_semaphore, #tpu.memory_space<semaphore_mem>>, %arg31: memref<!tpu.dma_semaphore, #tpu.memory_space<semaphore_mem>>, %arg32: memref<!tpu.dma_semaphore, #tpu.memory_space<semaphore_mem>>, %arg33: memref<!tpu.dma_semaphore, #tpu.memory_space<semaphore_mem>>) attributes {dimension_semantics = [#tpu.dimension_semantics<core_parallel>, #tpu.dimension_semantics<subcore_parallel>], iteration_bounds = array<i64: 2, 16>, scalar_prefetch = 0 : i64, scratch_operands = 23 : i64, tpu.core_type = #tpu.core_type<sc_vector_subcore>, window_params = [{transform_indices = #map}, {transform_indices = #map}, {transform_indices = #map1}, {transform_indices = #map1}, {transform_indices = #map1}, {transform_indices = #map1}, {transform_indices = #map}, {transform_indices = #map}, {transform_indices = #map}]} {
    %mul3A = arith.constant 632 : i32
    %mul3A_0 = arith.muli %arg1, %mul3A : i32
    %dma_start3A = arith.constant 0 : i32
    %dma_start3A_1 = tpu.memref_slice %arg11[%mul3A_0, %dma_start3A] : memref<10112x128xf32, #tpu.memory_space<vmem_shared>> -> memref<632x128xf32, #tpu.memory_space<vmem_shared>>
    tpu.enqueue_dma source(%arg8 : memref<632x128xf32, #tpu.memory_space<hbm>>) target(%dma_start3A_1 : memref<632x128xf32, #tpu.memory_space<vmem_shared>>) target_semaphore(%arg33 : memref<!tpu.dma_semaphore, #tpu.memory_space<semaphore_mem>>)
    %eq3A = arith.constant 0 : i32
    %eq3A_2 = arith.cmpi eq, %arg0, %eq3A : i32
    %convert_element_type3A = arith.extui %eq3A_2 : i1 to i32
    %cond3A = arith.constant 0 : i32
    %cond3A_3 = arith.cmpi ne, %convert_element_type3A, %cond3A : i32
    scf.if %cond3A_3 {
      %mul3A_19 = arith.constant 156 : i32
      %mul3A_20 = arith.muli %arg1, %mul3A_19 : i32
      %mul3A_21 = arith.constant 128 : i32
      %mul3A_22 = arith.muli %mul3A_20, %mul3A_21 : i32
      %add3A = arith.constant 0 : i32
      %add3A_23 = arith.addi %mul3A_22, %add3A : i32
      %dma_start3A_24 = tpu.memref_slice %arg4[%add3A_23] : memref<320000xi32, #tpu.memory_space<hbm>> -> memref<128xi32, #tpu.memory_space<hbm>>
      %dma_start3A_25 = tpu.memref_slice %arg4[%add3A_23] : memref<320000xi32, #tpu.memory_space<hbm>> -> memref<128xi32, #tpu.memory_space<hbm>>
      tpu.enqueue_dma source(%dma_start3A_25 : memref<128xi32, #tpu.memory_space<hbm>>) target(%arg15 : memref<128xi32, #tpu.memory_space<vmem>>) target_semaphore(%arg24 : memref<!tpu.dma_semaphore, #tpu.memory_space<semaphore_mem>>)
      %add3A_26 = arith.constant 0 : i32
      %add3A_27 = arith.addi %mul3A_22, %add3A_26 : i32
      %dma_start3A_28 = tpu.memref_slice %arg5[%add3A_27] : memref<320000xi32, #tpu.memory_space<hbm>> -> memref<128xi32, #tpu.memory_space<hbm>>
      %dma_start3A_29 = tpu.memref_slice %arg5[%add3A_27] : memref<320000xi32, #tpu.memory_space<hbm>> -> memref<128xi32, #tpu.memory_space<hbm>>
      tpu.enqueue_dma source(%dma_start3A_29 : memref<128xi32, #tpu.memory_space<hbm>>) target(%arg18 : memref<128xi32, #tpu.memory_space<vmem>>) target_semaphore(%arg27 : memref<!tpu.dma_semaphore, #tpu.memory_space<semaphore_mem>>)
      %add3A_30 = arith.constant 128 : i32
      %add3A_31 = arith.addi %mul3A_22, %add3A_30 : i32
      %dma_start3A_32 = tpu.memref_slice %arg4[%add3A_31] : memref<320000xi32, #tpu.memory_space<hbm>> -> memref<128xi32, #tpu.memory_space<hbm>>
      %dma_start3A_33 = tpu.memref_slice %arg4[%add3A_31] : memref<320000xi32, #tpu.memory_space<hbm>> -> memref<128xi32, #tpu.memory_space<hbm>>
      tpu.enqueue_dma source(%dma_start3A_33 : memref<128xi32, #tpu.memory_space<hbm>>) target(%arg16 : memref<128xi32, #tpu.memory_space<vmem>>) target_semaphore(%arg25 : memref<!tpu.dma_semaphore, #tpu.memory_space<semaphore_mem>>)
      %add3A_34 = arith.constant 128 : i32
      %add3A_35 = arith.addi %mul3A_22, %add3A_34 : i32
      %dma_start3A_36 = tpu.memref_slice %arg5[%add3A_35] : memref<320000xi32, #tpu.memory_space<hbm>> -> memref<128xi32, #tpu.memory_space<hbm>>
      %dma_start3A_37 = tpu.memref_slice %arg5[%add3A_35] : memref<320000xi32, #tpu.memory_space<hbm>> -> memref<128xi32, #tpu.memory_space<hbm>>
      tpu.enqueue_dma source(%dma_start3A_37 : memref<128xi32, #tpu.memory_space<hbm>>) target(%arg19 : memref<128xi32, #tpu.memory_space<vmem>>) target_semaphore(%arg28 : memref<!tpu.dma_semaphore, #tpu.memory_space<semaphore_mem>>)
      %add3A_38 = arith.constant 256 : i32
      %add3A_39 = arith.addi %mul3A_22, %add3A_38 : i32
      %dma_start3A_40 = tpu.memref_slice %arg4[%add3A_39] : memref<320000xi32, #tpu.memory_space<hbm>> -> memref<128xi32, #tpu.memory_space<hbm>>
      %dma_start3A_41 = tpu.memref_slice %arg4[%add3A_39] : memref<320000xi32, #tpu.memory_space<hbm>> -> memref<128xi32, #tpu.memory_space<hbm>>
      tpu.enqueue_dma source(%dma_start3A_41 : memref<128xi32, #tpu.memory_space<hbm>>) target(%arg17 : memref<128xi32, #tpu.memory_space<vmem>>) target_semaphore(%arg26 : memref<!tpu.dma_semaphore, #tpu.memory_space<semaphore_mem>>)
      %dma_wait3A = arith.constant 0 : i32
      %dma_wait3A_42 = tpu.memref_slice %arg4[%dma_wait3A] : memref<320000xi32, #tpu.memory_space<hbm>> -> memref<128xi32, #tpu.memory_space<hbm>>
      %dma_wait3A_43 = arith.constant 0 : i32
      %dma_wait3A_44 = tpu.memref_slice %arg4[%dma_wait3A_43] : memref<320000xi32, #tpu.memory_space<hbm>> -> memref<128xi32, #tpu.memory_space<hbm>>
      tpu.wait_dma2 semaphore(%arg24 : memref<!tpu.dma_semaphore, #tpu.memory_space<semaphore_mem>>) src(%dma_wait3A_44 : memref<128xi32, #tpu.memory_space<hbm>>) dst(%arg15 : memref<128xi32, #tpu.memory_space<vmem>>)
      %dma_start3A_45 = arith.constant 0 : i32
      %dma_start3A_46 = arith.constant 0 : i32
      %dma_start3A_47 = tpu.memref_slice %arg2[%dma_start3A_45, %dma_start3A_46] : memref<10000x128xf32, #tpu.memory_space<hbm>> -> memref<10000x128xf32, #tpu.memory_space<hbm>>
      tpu.enqueue_indirect_dma source(%dma_start3A_47 : memref<10000x128xf32, #tpu.memory_space<hbm>>) target(%arg12 : memref<128x128xf32, #tpu.memory_space<vmem>>) offsets(%arg15 : memref<128xi32, #tpu.memory_space<vmem>>) semaphore(%arg21 : memref<!tpu.dma_semaphore, #tpu.memory_space<semaphore_mem>>)
      %dma_wait3A_48 = arith.constant 0 : i32
      %dma_wait3A_49 = tpu.memref_slice %arg4[%dma_wait3A_48] : memref<320000xi32, #tpu.memory_space<hbm>> -> memref<128xi32, #tpu.memory_space<hbm>>
      %dma_wait3A_50 = arith.constant 0 : i32
      %dma_wait3A_51 = tpu.memref_slice %arg4[%dma_wait3A_50] : memref<320000xi32, #tpu.memory_space<hbm>> -> memref<128xi32, #tpu.memory_space<hbm>>
      tpu.wait_dma2 semaphore(%arg25 : memref<!tpu.dma_semaphore, #tpu.memory_space<semaphore_mem>>) src(%dma_wait3A_51 : memref<128xi32, #tpu.memory_space<hbm>>) dst(%arg16 : memref<128xi32, #tpu.memory_space<vmem>>)
      %dma_start3A_52 = arith.constant 0 : i32
      %dma_start3A_53 = arith.constant 0 : i32
      %dma_start3A_54 = tpu.memref_slice %arg2[%dma_start3A_52, %dma_start3A_53] : memref<10000x128xf32, #tpu.memory_space<hbm>> -> memref<10000x128xf32, #tpu.memory_space<hbm>>
      tpu.enqueue_indirect_dma source(%dma_start3A_54 : memref<10000x128xf32, #tpu.memory_space<hbm>>) target(%arg13 : memref<128x128xf32, #tpu.memory_space<vmem>>) offsets(%arg16 : memref<128xi32, #tpu.memory_space<vmem>>) semaphore(%arg22 : memref<!tpu.dma_semaphore, #tpu.memory_space<semaphore_mem>>)
      %dma_wait3A_55 = arith.constant 0 : i32
      %dma_wait3A_56 = arith.constant 0 : i32
      %dma_wait3A_57 = tpu.memref_slice %arg11[%dma_wait3A_55, %dma_wait3A_56] : memref<10112x128xf32, #tpu.memory_space<vmem_shared>> -> memref<632x128xf32, #tpu.memory_space<vmem_shared>>
      tpu.wait_dma2 semaphore(%arg33 : memref<!tpu.dma_semaphore, #tpu.memory_space<semaphore_mem>>) src(%arg8 : memref<632x128xf32, #tpu.memory_space<hbm>>) dst(%dma_wait3A_57 : memref<632x128xf32, #tpu.memory_space<vmem_shared>>)
      %barrier3A_58 = arith.constant 0 : index
      tpu.barrier barrier_id(%barrier3A_58)
      %scan3A = arith.constant 0 : i32
      %scan3A_59 = arith.constant 0 : i32
      %scan3A_60 = arith.constant 52 : i32
      %scan3A_61 = arith.addi %scan3A_59, %scan3A_60 : i32
      %scan3A_62 = arith.constant 1 : i32
      scf.for %scan3A_71 = %scan3A_59 to %scan3A_61 step %scan3A_62  : i32 {
        %mul3A_72 = arith.constant 3 : i32
        %mul3A_73 = arith.muli %scan3A_71, %mul3A_72 : i32
        %add3A_74 = arith.constant 0 : i32
        %add3A_75 = arith.addi %mul3A_73, %add3A_74 : i32
        %dma_wait3A_76 = arith.constant 0 : i32
        %dma_wait3A_77 = arith.constant 0 : i32
        %dma_wait3A_78 = tpu.memref_slice %arg2[%dma_wait3A_76, %dma_wait3A_77] : memref<10000x128xf32, #tpu.memory_space<hbm>> -> memref<10000x128xf32, #tpu.memory_space<hbm>>
        tpu.wait_indirect_dma semaphore(%arg21 : memref<!tpu.dma_semaphore, #tpu.memory_space<semaphore_mem>>) src(%dma_wait3A_78 : memref<10000x128xf32, #tpu.memory_space<hbm>>) dst(%arg12 : memref<128x128xf32, #tpu.memory_space<vmem>>)
        %ge3A = arith.constant 1 : i32
        %ge3A_79 = arith.cmpi sge, %add3A_75, %ge3A : i32
        %convert_element_type3A_80 = arith.extui %ge3A_79 : i1 to i32
        %cond3A_81 = arith.constant 0 : i32
        %cond3A_82 = arith.cmpi ne, %convert_element_type3A_80, %cond3A_81 : i32
        scf.if %cond3A_82 {
          %dma_wait3A_246 = arith.constant 0 : i32
          %dma_wait3A_247 = arith.constant 0 : i32
          %dma_wait3A_248 = tpu.memref_slice %arg11[%dma_wait3A_246, %dma_wait3A_247] : memref<10112x128xf32, #tpu.memory_space<vmem_shared>> -> memref<10112x128xf32, #tpu.memory_space<vmem_shared>>
          tpu.wait_indirect_dma semaphore(%arg32 : memref<!tpu.dma_semaphore, #tpu.memory_space<semaphore_mem>>) src(%arg14 : memref<128x128xf32, #tpu.memory_space<vmem>>) dst(%dma_wait3A_248 : memref<10112x128xf32, #tpu.memory_space<vmem_shared>>)
        } else {
        }
        %add3A_83 = arith.constant 2 : i32
        %add3A_84 = arith.addi %add3A_75, %add3A_83 : i32
        %lt3A_85 = arith.constant 156 : i32
        %lt3A_86 = arith.cmpi slt, %add3A_84, %lt3A_85 : i32
        %convert_element_type3A_87 = arith.extui %lt3A_86 : i1 to i32
        %cond3A_88 = arith.constant 0 : i32
        %cond3A_89 = arith.cmpi ne, %convert_element_type3A_87, %cond3A_88 : i32
        scf.if %cond3A_89 {
          %dma_wait3A_246 = arith.constant 0 : i32
          %dma_wait3A_247 = tpu.memref_slice %arg4[%dma_wait3A_246] : memref<320000xi32, #tpu.memory_space<hbm>> -> memref<128xi32, #tpu.memory_space<hbm>>
          %dma_wait3A_248 = arith.constant 0 : i32
          %dma_wait3A_249 = tpu.memref_slice %arg4[%dma_wait3A_248] : memref<320000xi32, #tpu.memory_space<hbm>> -> memref<128xi32, #tpu.memory_space<hbm>>
          tpu.wait_dma2 semaphore(%arg26 : memref<!tpu.dma_semaphore, #tpu.memory_space<semaphore_mem>>) src(%dma_wait3A_249 : memref<128xi32, #tpu.memory_space<hbm>>) dst(%arg17 : memref<128xi32, #tpu.memory_space<vmem>>)
          %dma_start3A_250 = arith.constant 0 : i32
          %dma_start3A_251 = arith.constant 0 : i32
          %dma_start3A_252 = tpu.memref_slice %arg2[%dma_start3A_250, %dma_start3A_251] : memref<10000x128xf32, #tpu.memory_space<hbm>> -> memref<10000x128xf32, #tpu.memory_space<hbm>>
          tpu.enqueue_indirect_dma source(%dma_start3A_252 : memref<10000x128xf32, #tpu.memory_space<hbm>>) target(%arg14 : memref<128x128xf32, #tpu.memory_space<vmem>>) offsets(%arg17 : memref<128xi32, #tpu.memory_space<vmem>>) semaphore(%arg23 : memref<!tpu.dma_semaphore, #tpu.memory_space<semaphore_mem>>)
        } else {
        }
        %add3A_90 = arith.constant 3 : i32
        %add3A_91 = arith.addi %add3A_75, %add3A_90 : i32
        %lt3A_92 = arith.constant 156 : i32
        %lt3A_93 = arith.cmpi slt, %add3A_91, %lt3A_92 : i32
        %convert_element_type3A_94 = arith.extui %lt3A_93 : i1 to i32
        %cond3A_95 = arith.constant 0 : i32
        %cond3A_96 = arith.cmpi ne, %convert_element_type3A_94, %cond3A_95 : i32
        scf.if %cond3A_96 {
          %add3A_246 = arith.constant 3 : i32
          %add3A_247 = arith.addi %add3A_75, %add3A_246 : i32
          %mul3A_248 = arith.constant 128 : i32
          %mul3A_249 = arith.muli %add3A_247, %mul3A_248 : i32
          %add3A_250 = arith.addi %mul3A_22, %mul3A_249 : i32
          %dma_start3A_251 = tpu.memref_slice %arg4[%add3A_250] : memref<320000xi32, #tpu.memory_space<hbm>> -> memref<128xi32, #tpu.memory_space<hbm>>
          %dma_start3A_252 = tpu.memref_slice %arg4[%add3A_250] : memref<320000xi32, #tpu.memory_space<hbm>> -> memref<128xi32, #tpu.memory_space<hbm>>
          tpu.enqueue_dma source(%dma_start3A_252 : memref<128xi32, #tpu.memory_space<hbm>>) target(%arg15 : memref<128xi32, #tpu.memory_space<vmem>>) target_semaphore(%arg24 : memref<!tpu.dma_semaphore, #tpu.memory_space<semaphore_mem>>)
        } else {
        }
        %add3A_97 = arith.constant 2 : i32
        %add3A_98 = arith.addi %add3A_75, %add3A_97 : i32
        %lt3A_99 = arith.constant 156 : i32
        %lt3A_100 = arith.cmpi slt, %add3A_98, %lt3A_99 : i32
        %convert_element_type3A_101 = arith.extui %lt3A_100 : i1 to i32
        %cond3A_102 = arith.constant 0 : i32
        %cond3A_103 = arith.cmpi ne, %convert_element_type3A_101, %cond3A_102 : i32
        scf.if %cond3A_103 {
          %add3A_246 = arith.constant 2 : i32
          %add3A_247 = arith.addi %add3A_75, %add3A_246 : i32
          %mul3A_248 = arith.constant 128 : i32
          %mul3A_249 = arith.muli %add3A_247, %mul3A_248 : i32
          %add3A_250 = arith.addi %mul3A_22, %mul3A_249 : i32
          %dma_start3A_251 = tpu.memref_slice %arg5[%add3A_250] : memref<320000xi32, #tpu.memory_space<hbm>> -> memref<128xi32, #tpu.memory_space<hbm>>
          %dma_start3A_252 = tpu.memref_slice %arg5[%add3A_250] : memref<320000xi32, #tpu.memory_space<hbm>> -> memref<128xi32, #tpu.memory_space<hbm>>
          tpu.enqueue_dma source(%dma_start3A_252 : memref<128xi32, #tpu.memory_space<hbm>>) target(%arg20 : memref<128xi32, #tpu.memory_space<vmem>>) target_semaphore(%arg29 : memref<!tpu.dma_semaphore, #tpu.memory_space<semaphore_mem>>)
        } else {
        }
        %dma_wait3A_104 = arith.constant 0 : i32
        %dma_wait3A_105 = tpu.memref_slice %arg4[%dma_wait3A_104] : memref<320000xi32, #tpu.memory_space<hbm>> -> memref<128xi32, #tpu.memory_space<hbm>>
        %dma_wait3A_106 = arith.constant 0 : i32
        %dma_wait3A_107 = tpu.memref_slice %arg4[%dma_wait3A_106] : memref<320000xi32, #tpu.memory_space<hbm>> -> memref<128xi32, #tpu.memory_space<hbm>>
        tpu.wait_dma2 semaphore(%arg27 : memref<!tpu.dma_semaphore, #tpu.memory_space<semaphore_mem>>) src(%dma_wait3A_107 : memref<128xi32, #tpu.memory_space<hbm>>) dst(%arg18 : memref<128xi32, #tpu.memory_space<vmem>>)
        %dma_start3A_108 = arith.constant 0 : i32
        %dma_start3A_109 = arith.constant 0 : i32
        %dma_start3A_110 = tpu.memref_slice %arg11[%dma_start3A_108, %dma_start3A_109] : memref<10112x128xf32, #tpu.memory_space<vmem_shared>> -> memref<10112x128xf32, #tpu.memory_space<vmem_shared>>
        tpu.enqueue_indirect_dma source(%arg12 : memref<128x128xf32, #tpu.memory_space<vmem>>) target(%dma_start3A_110 : memref<10112x128xf32, #tpu.memory_space<vmem_shared>>) offsets(%arg18 : memref<128xi32, #tpu.memory_space<vmem>>) semaphore(%arg30 : memref<!tpu.dma_semaphore, #tpu.memory_space<semaphore_mem>>) {add = true}
        %add3A_111 = arith.constant 2496 : i32
        %add3A_112 = arith.addi %add3A_111, %arg1 : i32
        %mul3A_113 = arith.constant 128 : i32
        %mul3A_114 = arith.muli %add3A_112, %mul3A_113 : i32
        %eq3A_115 = arith.constant 154 : i32
        %eq3A_116 = arith.cmpi eq, %add3A_75, %eq3A_115 : i32
        %lt3A_117 = arith.constant 4 : i32
        %lt3A_118 = arith.cmpi slt, %arg1, %lt3A_117 : i32
        %and3A = arith.andi %eq3A_116, %lt3A_118 : i1
        %convert_element_type3A_119 = arith.extui %and3A : i1 to i32
        %cond3A_120 = arith.constant 0 : i32
        %cond3A_121 = arith.cmpi ne, %convert_element_type3A_119, %cond3A_120 : i32
        scf.if %cond3A_121 {
          %dma_start3A_246 = tpu.memref_slice %arg4[%mul3A_114] : memref<320000xi32, #tpu.memory_space<hbm>> -> memref<128xi32, #tpu.memory_space<hbm>>
          %dma_start3A_247 = tpu.memref_slice %arg4[%mul3A_114] : memref<320000xi32, #tpu.memory_space<hbm>> -> memref<128xi32, #tpu.memory_space<hbm>>
          tpu.enqueue_dma source(%dma_start3A_247 : memref<128xi32, #tpu.memory_space<hbm>>) target(%arg15 : memref<128xi32, #tpu.memory_space<vmem>>) target_semaphore(%arg24 : memref<!tpu.dma_semaphore, #tpu.memory_space<semaphore_mem>>)
          %dma_start3A_248 = tpu.memref_slice %arg5[%mul3A_114] : memref<320000xi32, #tpu.memory_space<hbm>> -> memref<128xi32, #tpu.memory_space<hbm>>
          %dma_start3A_249 = tpu.memref_slice %arg5[%mul3A_114] : memref<320000xi32, #tpu.memory_space<hbm>> -> memref<128xi32, #tpu.memory_space<hbm>>
          tpu.enqueue_dma source(%dma_start3A_249 : memref<128xi32, #tpu.memory_space<hbm>>) target(%arg18 : memref<128xi32, #tpu.memory_space<vmem>>) target_semaphore(%arg27 : memref<!tpu.dma_semaphore, #tpu.memory_space<semaphore_mem>>)
        } else {
        }
        %eq3A_122 = arith.constant 155 : i32
        %eq3A_123 = arith.cmpi eq, %add3A_75, %eq3A_122 : i32
        %lt3A_124 = arith.constant 4 : i32
        %lt3A_125 = arith.cmpi slt, %arg1, %lt3A_124 : i32
        %and3A_126 = arith.andi %eq3A_123, %lt3A_125 : i1
        %convert_element_type3A_127 = arith.extui %and3A_126 : i1 to i32
        %cond3A_128 = arith.constant 0 : i32
        %cond3A_129 = arith.cmpi ne, %convert_element_type3A_127, %cond3A_128 : i32
        scf.if %cond3A_129 {
          %dma_wait3A_246 = arith.constant 0 : i32
          %dma_wait3A_247 = tpu.memref_slice %arg4[%dma_wait3A_246] : memref<320000xi32, #tpu.memory_space<hbm>> -> memref<128xi32, #tpu.memory_space<hbm>>
          %dma_wait3A_248 = arith.constant 0 : i32
          %dma_wait3A_249 = tpu.memref_slice %arg4[%dma_wait3A_248] : memref<320000xi32, #tpu.memory_space<hbm>> -> memref<128xi32, #tpu.memory_space<hbm>>
          tpu.wait_dma2 semaphore(%arg24 : memref<!tpu.dma_semaphore, #tpu.memory_space<semaphore_mem>>) src(%dma_wait3A_249 : memref<128xi32, #tpu.memory_space<hbm>>) dst(%arg15 : memref<128xi32, #tpu.memory_space<vmem>>)
          %dma_start3A_250 = arith.constant 0 : i32
          %dma_start3A_251 = arith.constant 0 : i32
          %dma_start3A_252 = tpu.memref_slice %arg2[%dma_start3A_250, %dma_start3A_251] : memref<10000x128xf32, #tpu.memory_space<hbm>> -> memref<10000x128xf32, #tpu.memory_space<hbm>>
          tpu.enqueue_indirect_dma source(%dma_start3A_252 : memref<10000x128xf32, #tpu.memory_space<hbm>>) target(%arg12 : memref<128x128xf32, #tpu.memory_space<vmem>>) offsets(%arg15 : memref<128xi32, #tpu.memory_space<vmem>>) semaphore(%arg21 : memref<!tpu.dma_semaphore, #tpu.memory_space<semaphore_mem>>)
        } else {
        }
        %add3A_130 = arith.constant 1 : i32
        %add3A_131 = arith.addi %mul3A_73, %add3A_130 : i32
        %dma_wait3A_132 = arith.constant 0 : i32
        %dma_wait3A_133 = arith.constant 0 : i32
        %dma_wait3A_134 = tpu.memref_slice %arg2[%dma_wait3A_132, %dma_wait3A_133] : memref<10000x128xf32, #tpu.memory_space<hbm>> -> memref<10000x128xf32, #tpu.memory_space<hbm>>
        tpu.wait_indirect_dma semaphore(%arg22 : memref<!tpu.dma_semaphore, #tpu.memory_space<semaphore_mem>>) src(%dma_wait3A_134 : memref<10000x128xf32, #tpu.memory_space<hbm>>) dst(%arg13 : memref<128x128xf32, #tpu.memory_space<vmem>>)
        %ge3A_135 = arith.constant 1 : i32
        %ge3A_136 = arith.cmpi sge, %add3A_131, %ge3A_135 : i32
        %convert_element_type3A_137 = arith.extui %ge3A_136 : i1 to i32
        %cond3A_138 = arith.constant 0 : i32
        %cond3A_139 = arith.cmpi ne, %convert_element_type3A_137, %cond3A_138 : i32
        scf.if %cond3A_139 {
          %dma_wait3A_246 = arith.constant 0 : i32
          %dma_wait3A_247 = arith.constant 0 : i32
          %dma_wait3A_248 = tpu.memref_slice %arg11[%dma_wait3A_246, %dma_wait3A_247] : memref<10112x128xf32, #tpu.memory_space<vmem_shared>> -> memref<10112x128xf32, #tpu.memory_space<vmem_shared>>
          tpu.wait_indirect_dma semaphore(%arg30 : memref<!tpu.dma_semaphore, #tpu.memory_space<semaphore_mem>>) src(%arg12 : memref<128x128xf32, #tpu.memory_space<vmem>>) dst(%dma_wait3A_248 : memref<10112x128xf32, #tpu.memory_space<vmem_shared>>)
        } else {
        }
        %add3A_140 = arith.constant 2 : i32
        %add3A_141 = arith.addi %add3A_131, %add3A_140 : i32
        %lt3A_142 = arith.constant 156 : i32
        %lt3A_143 = arith.cmpi slt, %add3A_141, %lt3A_142 : i32
        %convert_element_type3A_144 = arith.extui %lt3A_143 : i1 to i32
        %cond3A_145 = arith.constant 0 : i32
        %cond3A_146 = arith.cmpi ne, %convert_element_type3A_144, %cond3A_145 : i32
        scf.if %cond3A_146 {
          %dma_wait3A_246 = arith.constant 0 : i32
          %dma_wait3A_247 = tpu.memref_slice %arg4[%dma_wait3A_246] : memref<320000xi32, #tpu.memory_space<hbm>> -> memref<128xi32, #tpu.memory_space<hbm>>
          %dma_wait3A_248 = arith.constant 0 : i32
          %dma_wait3A_249 = tpu.memref_slice %arg4[%dma_wait3A_248] : memref<320000xi32, #tpu.memory_space<hbm>> -> memref<128xi32, #tpu.memory_space<hbm>>
          tpu.wait_dma2 semaphore(%arg24 : memref<!tpu.dma_semaphore, #tpu.memory_space<semaphore_mem>>) src(%dma_wait3A_249 : memref<128xi32, #tpu.memory_space<hbm>>) dst(%arg15 : memref<128xi32, #tpu.memory_space<vmem>>)
          %dma_start3A_250 = arith.constant 0 : i32
          %dma_start3A_251 = arith.constant 0 : i32
          %dma_start3A_252 = tpu.memref_slice %arg2[%dma_start3A_250, %dma_start3A_251] : memref<10000x128xf32, #tpu.memory_space<hbm>> -> memref<10000x128xf32, #tpu.memory_space<hbm>>
          tpu.enqueue_indirect_dma source(%dma_start3A_252 : memref<10000x128xf32, #tpu.memory_space<hbm>>) target(%arg12 : memref<128x128xf32, #tpu.memory_space<vmem>>) offsets(%arg15 : memref<128xi32, #tpu.memory_space<vmem>>) semaphore(%arg21 : memref<!tpu.dma_semaphore, #tpu.memory_space<semaphore_mem>>)
        } else {
        }
        %add3A_147 = arith.constant 3 : i32
        %add3A_148 = arith.addi %add3A_131, %add3A_147 : i32
        %lt3A_149 = arith.constant 156 : i32
        %lt3A_150 = arith.cmpi slt, %add3A_148, %lt3A_149 : i32
        %convert_element_type3A_151 = arith.extui %lt3A_150 : i1 to i32
        %cond3A_152 = arith.constant 0 : i32
        %cond3A_153 = arith.cmpi ne, %convert_element_type3A_151, %cond3A_152 : i32
        scf.if %cond3A_153 {
          %add3A_246 = arith.constant 3 : i32
          %add3A_247 = arith.addi %add3A_131, %add3A_246 : i32
          %mul3A_248 = arith.constant 128 : i32
          %mul3A_249 = arith.muli %add3A_247, %mul3A_248 : i32
          %add3A_250 = arith.addi %mul3A_22, %mul3A_249 : i32
          %dma_start3A_251 = tpu.memref_slice %arg4[%add3A_250] : memref<320000xi32, #tpu.memory_space<hbm>> -> memref<128xi32, #tpu.memory_space<hbm>>
          %dma_start3A_252 = tpu.memref_slice %arg4[%add3A_250] : memref<320000xi32, #tpu.memory_space<hbm>> -> memref<128xi32, #tpu.memory_space<hbm>>
          tpu.enqueue_dma source(%dma_start3A_252 : memref<128xi32, #tpu.memory_space<hbm>>) target(%arg16 : memref<128xi32, #tpu.memory_space<vmem>>) target_semaphore(%arg25 : memref<!tpu.dma_semaphore, #tpu.memory_space<semaphore_mem>>)
        } else {
        }
        %add3A_154 = arith.constant 2 : i32
        %add3A_155 = arith.addi %add3A_131, %add3A_154 : i32
        %lt3A_156 = arith.constant 156 : i32
        %lt3A_157 = arith.cmpi slt, %add3A_155, %lt3A_156 : i32
        %convert_element_type3A_158 = arith.extui %lt3A_157 : i1 to i32
        %cond3A_159 = arith.constant 0 : i32
        %cond3A_160 = arith.cmpi ne, %convert_element_type3A_158, %cond3A_159 : i32
        scf.if %cond3A_160 {
          %add3A_246 = arith.constant 2 : i32
          %add3A_247 = arith.addi %add3A_131, %add3A_246 : i32
          %mul3A_248 = arith.constant 128 : i32
          %mul3A_249 = arith.muli %add3A_247, %mul3A_248 : i32
          %add3A_250 = arith.addi %mul3A_22, %mul3A_249 : i32
          %dma_start3A_251 = tpu.memref_slice %arg5[%add3A_250] : memref<320000xi32, #tpu.memory_space<hbm>> -> memref<128xi32, #tpu.memory_space<hbm>>
          %dma_start3A_252 = tpu.memref_slice %arg5[%add3A_250] : memref<320000xi32, #tpu.memory_space<hbm>> -> memref<128xi32, #tpu.memory_space<hbm>>
          tpu.enqueue_dma source(%dma_start3A_252 : memref<128xi32, #tpu.memory_space<hbm>>) target(%arg18 : memref<128xi32, #tpu.memory_space<vmem>>) target_semaphore(%arg27 : memref<!tpu.dma_semaphore, #tpu.memory_space<semaphore_mem>>)
        } else {
        }
        %dma_wait3A_161 = arith.constant 0 : i32
        %dma_wait3A_162 = tpu.memref_slice %arg4[%dma_wait3A_161] : memref<320000xi32, #tpu.memory_space<hbm>> -> memref<128xi32, #tpu.memory_space<hbm>>
        %dma_wait3A_163 = arith.constant 0 : i32
        %dma_wait3A_164 = tpu.memref_slice %arg4[%dma_wait3A_163] : memref<320000xi32, #tpu.memory_space<hbm>> -> memref<128xi32, #tpu.memory_space<hbm>>
        tpu.wait_dma2 semaphore(%arg28 : memref<!tpu.dma_semaphore, #tpu.memory_space<semaphore_mem>>) src(%dma_wait3A_164 : memref<128xi32, #tpu.memory_space<hbm>>) dst(%arg19 : memref<128xi32, #tpu.memory_space<vmem>>)
        %dma_start3A_165 = arith.constant 0 : i32
        %dma_start3A_166 = arith.constant 0 : i32
        %dma_start3A_167 = tpu.memref_slice %arg11[%dma_start3A_165, %dma_start3A_166] : memref<10112x128xf32, #tpu.memory_space<vmem_shared>> -> memref<10112x128xf32, #tpu.memory_space<vmem_shared>>
        tpu.enqueue_indirect_dma source(%arg13 : memref<128x128xf32, #tpu.memory_space<vmem>>) target(%dma_start3A_167 : memref<10112x128xf32, #tpu.memory_space<vmem_shared>>) offsets(%arg19 : memref<128xi32, #tpu.memory_space<vmem>>) semaphore(%arg31 : memref<!tpu.dma_semaphore, #tpu.memory_space<semaphore_mem>>) {add = true}
        %add3A_168 = arith.constant 2496 : i32
        %add3A_169 = arith.addi %add3A_168, %arg1 : i32
        %mul3A_170 = arith.constant 128 : i32
        %mul3A_171 = arith.muli %add3A_169, %mul3A_170 : i32
        %eq3A_172 = arith.constant 154 : i32
        %eq3A_173 = arith.cmpi eq, %add3A_131, %eq3A_172 : i32
        %lt3A_174 = arith.constant 4 : i32
        %lt3A_175 = arith.cmpi slt, %arg1, %lt3A_174 : i32
        %and3A_176 = arith.andi %eq3A_173, %lt3A_175 : i1
        %convert_element_type3A_177 = arith.extui %and3A_176 : i1 to i32
        %cond3A_178 = arith.constant 0 : i32
        %cond3A_179 = arith.cmpi ne, %convert_element_type3A_177, %cond3A_178 : i32
        scf.if %cond3A_179 {
          %dma_start3A_246 = tpu.memref_slice %arg4[%mul3A_171] : memref<320000xi32, #tpu.memory_space<hbm>> -> memref<128xi32, #tpu.memory_space<hbm>>
          %dma_start3A_247 = tpu.memref_slice %arg4[%mul3A_171] : memref<320000xi32, #tpu.memory_space<hbm>> -> memref<128xi32, #tpu.memory_space<hbm>>
          tpu.enqueue_dma source(%dma_start3A_247 : memref<128xi32, #tpu.memory_space<hbm>>) target(%arg15 : memref<128xi32, #tpu.memory_space<vmem>>) target_semaphore(%arg24 : memref<!tpu.dma_semaphore, #tpu.memory_space<semaphore_mem>>)
          %dma_start3A_248 = tpu.memref_slice %arg5[%mul3A_171] : memref<320000xi32, #tpu.memory_space<hbm>> -> memref<128xi32, #tpu.memory_space<hbm>>
          %dma_start3A_249 = tpu.memref_slice %arg5[%mul3A_171] : memref<320000xi32, #tpu.memory_space<hbm>> -> memref<128xi32, #tpu.memory_space<hbm>>
          tpu.enqueue_dma source(%dma_start3A_249 : memref<128xi32, #tpu.memory_space<hbm>>) target(%arg18 : memref<128xi32, #tpu.memory_space<vmem>>) target_semaphore(%arg27 : memref<!tpu.dma_semaphore, #tpu.memory_space<semaphore_mem>>)
        } else {
        }
        %eq3A_180 = arith.constant 155 : i32
        %eq3A_181 = arith.cmpi eq, %add3A_131, %eq3A_180 : i32
        %lt3A_182 = arith.constant 4 : i32
        %lt3A_183 = arith.cmpi slt, %arg1, %lt3A_182 : i32
        %and3A_184 = arith.andi %eq3A_181, %lt3A_183 : i1
        %convert_element_type3A_185 = arith.extui %and3A_184 : i1 to i32
        %cond3A_186 = arith.constant 0 : i32
        %cond3A_187 = arith.cmpi ne, %convert_element_type3A_185, %cond3A_186 : i32
        scf.if %cond3A_187 {
          %dma_wait3A_246 = arith.constant 0 : i32
          %dma_wait3A_247 = tpu.memref_slice %arg4[%dma_wait3A_246] : memref<320000xi32, #tpu.memory_space<hbm>> -> memref<128xi32, #tpu.memory_space<hbm>>
          %dma_wait3A_248 = arith.constant 0 : i32
          %dma_wait3A_249 = tpu.memref_slice %arg4[%dma_wait3A_248] : memref<320000xi32, #tpu.memory_space<hbm>> -> memref<128xi32, #tpu.memory_space<hbm>>
          tpu.wait_dma2 semaphore(%arg24 : memref<!tpu.dma_semaphore, #tpu.memory_space<semaphore_mem>>) src(%dma_wait3A_249 : memref<128xi32, #tpu.memory_space<hbm>>) dst(%arg15 : memref<128xi32, #tpu.memory_space<vmem>>)
          %dma_start3A_250 = arith.constant 0 : i32
          %dma_start3A_251 = arith.constant 0 : i32
          %dma_start3A_252 = tpu.memref_slice %arg2[%dma_start3A_250, %dma_start3A_251] : memref<10000x128xf32, #tpu.memory_space<hbm>> -> memref<10000x128xf32, #tpu.memory_space<hbm>>
          tpu.enqueue_indirect_dma source(%dma_start3A_252 : memref<10000x128xf32, #tpu.memory_space<hbm>>) target(%arg12 : memref<128x128xf32, #tpu.memory_space<vmem>>) offsets(%arg15 : memref<128xi32, #tpu.memory_space<vmem>>) semaphore(%arg21 : memref<!tpu.dma_semaphore, #tpu.memory_space<semaphore_mem>>)
        } else {
        }
        %add3A_188 = arith.constant 2 : i32
        %add3A_189 = arith.addi %mul3A_73, %add3A_188 : i32
        %dma_wait3A_190 = arith.constant 0 : i32
        %dma_wait3A_191 = arith.constant 0 : i32
        %dma_wait3A_192 = tpu.memref_slice %arg2[%dma_wait3A_190, %dma_wait3A_191] : memref<10000x128xf32, #tpu.memory_space<hbm>> -> memref<10000x128xf32, #tpu.memory_space<hbm>>
        tpu.wait_indirect_dma semaphore(%arg23 : memref<!tpu.dma_semaphore, #tpu.memory_space<semaphore_mem>>) src(%dma_wait3A_192 : memref<10000x128xf32, #tpu.memory_space<hbm>>) dst(%arg14 : memref<128x128xf32, #tpu.memory_space<vmem>>)
        %ge3A_193 = arith.constant 1 : i32
        %ge3A_194 = arith.cmpi sge, %add3A_189, %ge3A_193 : i32
        %convert_element_type3A_195 = arith.extui %ge3A_194 : i1 to i32
        %cond3A_196 = arith.constant 0 : i32
        %cond3A_197 = arith.cmpi ne, %convert_element_type3A_195, %cond3A_196 : i32
        scf.if %cond3A_197 {
          %dma_wait3A_246 = arith.constant 0 : i32
          %dma_wait3A_247 = arith.constant 0 : i32
          %dma_wait3A_248 = tpu.memref_slice %arg11[%dma_wait3A_246, %dma_wait3A_247] : memref<10112x128xf32, #tpu.memory_space<vmem_shared>> -> memref<10112x128xf32, #tpu.memory_space<vmem_shared>>
          tpu.wait_indirect_dma semaphore(%arg31 : memref<!tpu.dma_semaphore, #tpu.memory_space<semaphore_mem>>) src(%arg13 : memref<128x128xf32, #tpu.memory_space<vmem>>) dst(%dma_wait3A_248 : memref<10112x128xf32, #tpu.memory_space<vmem_shared>>)
        } else {
        }
        %add3A_198 = arith.constant 2 : i32
        %add3A_199 = arith.addi %add3A_189, %add3A_198 : i32
        %lt3A_200 = arith.constant 156 : i32
        %lt3A_201 = arith.cmpi slt, %add3A_199, %lt3A_200 : i32
        %convert_element_type3A_202 = arith.extui %lt3A_201 : i1 to i32
        %cond3A_203 = arith.constant 0 : i32
        %cond3A_204 = arith.cmpi ne, %convert_element_type3A_202, %cond3A_203 : i32
        scf.if %cond3A_204 {
          %dma_wait3A_246 = arith.constant 0 : i32
          %dma_wait3A_247 = tpu.memref_slice %arg4[%dma_wait3A_246] : memref<320000xi32, #tpu.memory_space<hbm>> -> memref<128xi32, #tpu.memory_space<hbm>>
          %dma_wait3A_248 = arith.constant 0 : i32
          %dma_wait3A_249 = tpu.memref_slice %arg4[%dma_wait3A_248] : memref<320000xi32, #tpu.memory_space<hbm>> -> memref<128xi32, #tpu.memory_space<hbm>>
          tpu.wait_dma2 semaphore(%arg25 : memref<!tpu.dma_semaphore, #tpu.memory_space<semaphore_mem>>) src(%dma_wait3A_249 : memref<128xi32, #tpu.memory_space<hbm>>) dst(%arg16 : memref<128xi32, #tpu.memory_space<vmem>>)
          %dma_start3A_250 = arith.constant 0 : i32
          %dma_start3A_251 = arith.constant 0 : i32
          %dma_start3A_252 = tpu.memref_slice %arg2[%dma_start3A_250, %dma_start3A_251] : memref<10000x128xf32, #tpu.memory_space<hbm>> -> memref<10000x128xf32, #tpu.memory_space<hbm>>
          tpu.enqueue_indirect_dma source(%dma_start3A_252 : memref<10000x128xf32, #tpu.memory_space<hbm>>) target(%arg13 : memref<128x128xf32, #tpu.memory_space<vmem>>) offsets(%arg16 : memref<128xi32, #tpu.memory_space<vmem>>) semaphore(%arg22 : memref<!tpu.dma_semaphore, #tpu.memory_space<semaphore_mem>>)
        } else {
        }
        %add3A_205 = arith.constant 3 : i32
        %add3A_206 = arith.addi %add3A_189, %add3A_205 : i32
        %lt3A_207 = arith.constant 156 : i32
        %lt3A_208 = arith.cmpi slt, %add3A_206, %lt3A_207 : i32
        %convert_element_type3A_209 = arith.extui %lt3A_208 : i1 to i32
        %cond3A_210 = arith.constant 0 : i32
        %cond3A_211 = arith.cmpi ne, %convert_element_type3A_209, %cond3A_210 : i32
        scf.if %cond3A_211 {
          %add3A_246 = arith.constant 3 : i32
          %add3A_247 = arith.addi %add3A_189, %add3A_246 : i32
          %mul3A_248 = arith.constant 128 : i32
          %mul3A_249 = arith.muli %add3A_247, %mul3A_248 : i32
          %add3A_250 = arith.addi %mul3A_22, %mul3A_249 : i32
          %dma_start3A_251 = tpu.memref_slice %arg4[%add3A_250] : memref<320000xi32, #tpu.memory_space<hbm>> -> memref<128xi32, #tpu.memory_space<hbm>>
          %dma_start3A_252 = tpu.memref_slice %arg4[%add3A_250] : memref<320000xi32, #tpu.memory_space<hbm>> -> memref<128xi32, #tpu.memory_space<hbm>>
          tpu.enqueue_dma source(%dma_start3A_252 : memref<128xi32, #tpu.memory_space<hbm>>) target(%arg17 : memref<128xi32, #tpu.memory_space<vmem>>) target_semaphore(%arg26 : memref<!tpu.dma_semaphore, #tpu.memory_space<semaphore_mem>>)
        } else {
        }
        %add3A_212 = arith.constant 2 : i32
        %add3A_213 = arith.addi %add3A_189, %add3A_212 : i32
        %lt3A_214 = arith.constant 156 : i32
        %lt3A_215 = arith.cmpi slt, %add3A_213, %lt3A_214 : i32
        %convert_element_type3A_216 = arith.extui %lt3A_215 : i1 to i32
        %cond3A_217 = arith.constant 0 : i32
        %cond3A_218 = arith.cmpi ne, %convert_element_type3A_216, %cond3A_217 : i32
        scf.if %cond3A_218 {
          %add3A_246 = arith.constant 2 : i32
          %add3A_247 = arith.addi %add3A_189, %add3A_246 : i32
          %mul3A_248 = arith.constant 128 : i32
          %mul3A_249 = arith.muli %add3A_247, %mul3A_248 : i32
          %add3A_250 = arith.addi %mul3A_22, %mul3A_249 : i32
          %dma_start3A_251 = tpu.memref_slice %arg5[%add3A_250] : memref<320000xi32, #tpu.memory_space<hbm>> -> memref<128xi32, #tpu.memory_space<hbm>>
          %dma_start3A_252 = tpu.memref_slice %arg5[%add3A_250] : memref<320000xi32, #tpu.memory_space<hbm>> -> memref<128xi32, #tpu.memory_space<hbm>>
          tpu.enqueue_dma source(%dma_start3A_252 : memref<128xi32, #tpu.memory_space<hbm>>) target(%arg19 : memref<128xi32, #tpu.memory_space<vmem>>) target_semaphore(%arg28 : memref<!tpu.dma_semaphore, #tpu.memory_space<semaphore_mem>>)
        } else {
        }
        %dma_wait3A_219 = arith.constant 0 : i32
        %dma_wait3A_220 = tpu.memref_slice %arg4[%dma_wait3A_219] : memref<320000xi32, #tpu.memory_space<hbm>> -> memref<128xi32, #tpu.memory_space<hbm>>
        %dma_wait3A_221 = arith.constant 0 : i32
        %dma_wait3A_222 = tpu.memref_slice %arg4[%dma_wait3A_221] : memref<320000xi32, #tpu.memory_space<hbm>> -> memref<128xi32, #tpu.memory_space<hbm>>
        tpu.wait_dma2 semaphore(%arg29 : memref<!tpu.dma_semaphore, #tpu.memory_space<semaphore_mem>>) src(%dma_wait3A_222 : memref<128xi32, #tpu.memory_space<hbm>>) dst(%arg20 : memref<128xi32, #tpu.memory_space<vmem>>)
        %dma_start3A_223 = arith.constant 0 : i32
        %dma_start3A_224 = arith.constant 0 : i32
        %dma_start3A_225 = tpu.memref_slice %arg11[%dma_start3A_223, %dma_start3A_224] : memref<10112x128xf32, #tpu.memory_space<vmem_shared>> -> memref<10112x128xf32, #tpu.memory_space<vmem_shared>>
        tpu.enqueue_indirect_dma source(%arg14 : memref<128x128xf32, #tpu.memory_space<vmem>>) target(%dma_start3A_225 : memref<10112x128xf32, #tpu.memory_space<vmem_shared>>) offsets(%arg20 : memref<128xi32, #tpu.memory_space<vmem>>) semaphore(%arg32 : memref<!tpu.dma_semaphore, #tpu.memory_space<semaphore_mem>>) {add = true}
        %add3A_226 = arith.constant 2496 : i32
        %add3A_227 = arith.addi %add3A_226, %arg1 : i32
        %mul3A_228 = arith.constant 128 : i32
        %mul3A_229 = arith.muli %add3A_227, %mul3A_228 : i32
        %eq3A_230 = arith.constant 154 : i32
        %eq3A_231 = arith.cmpi eq, %add3A_189, %eq3A_230 : i32
        %lt3A_232 = arith.constant 4 : i32
        %lt3A_233 = arith.cmpi slt, %arg1, %lt3A_232 : i32
        %and3A_234 = arith.andi %eq3A_231, %lt3A_233 : i1
        %convert_element_type3A_235 = arith.extui %and3A_234 : i1 to i32
        %cond3A_236 = arith.constant 0 : i32
        %cond3A_237 = arith.cmpi ne, %convert_element_type3A_235, %cond3A_236 : i32
        scf.if %cond3A_237 {
          %dma_start3A_246 = tpu.memref_slice %arg4[%mul3A_229] : memref<320000xi32, #tpu.memory_space<hbm>> -> memref<128xi32, #tpu.memory_space<hbm>>
          %dma_start3A_247 = tpu.memref_slice %arg4[%mul3A_229] : memref<320000xi32, #tpu.memory_space<hbm>> -> memref<128xi32, #tpu.memory_space<hbm>>
          tpu.enqueue_dma source(%dma_start3A_247 : memref<128xi32, #tpu.memory_space<hbm>>) target(%arg15 : memref<128xi32, #tpu.memory_space<vmem>>) target_semaphore(%arg24 : memref<!tpu.dma_semaphore, #tpu.memory_space<semaphore_mem>>)
          %dma_start3A_248 = tpu.memref_slice %arg5[%mul3A_229] : memref<320000xi32, #tpu.memory_space<hbm>> -> memref<128xi32, #tpu.memory_space<hbm>>
          %dma_start3A_249 = tpu.memref_slice %arg5[%mul3A_229] : memref<320000xi32, #tpu.memory_space<hbm>> -> memref<128xi32, #tpu.memory_space<hbm>>
          tpu.enqueue_dma source(%dma_start3A_249 : memref<128xi32, #tpu.memory_space<hbm>>) target(%arg18 : memref<128xi32, #tpu.memory_space<vmem>>) target_semaphore(%arg27 : memref<!tpu.dma_semaphore, #tpu.memory_space<semaphore_mem>>)
        } else {
        }
        %eq3A_238 = arith.constant 155 : i32
        %eq3A_239 = arith.cmpi eq, %add3A_189, %eq3A_238 : i32
        %lt3A_240 = arith.constant 4 : i32
        %lt3A_241 = arith.cmpi slt, %arg1, %lt3A_240 : i32
        %and3A_242 = arith.andi %eq3A_239, %lt3A_241 : i1
        %convert_element_type3A_243 = arith.extui %and3A_242 : i1 to i32
        %cond3A_244 = arith.constant 0 : i32
        %cond3A_245 = arith.cmpi ne, %convert_element_type3A_243, %cond3A_244 : i32
        scf.if %cond3A_245 {
          %dma_wait3A_246 = arith.constant 0 : i32
          %dma_wait3A_247 = tpu.memref_slice %arg4[%dma_wait3A_246] : memref<320000xi32, #tpu.memory_space<hbm>> -> memref<128xi32, #tpu.memory_space<hbm>>
          %dma_wait3A_248 = arith.constant 0 : i32
          %dma_wait3A_249 = tpu.memref_slice %arg4[%dma_wait3A_248] : memref<320000xi32, #tpu.memory_space<hbm>> -> memref<128xi32, #tpu.memory_space<hbm>>
          tpu.wait_dma2 semaphore(%arg24 : memref<!tpu.dma_semaphore, #tpu.memory_space<semaphore_mem>>) src(%dma_wait3A_249 : memref<128xi32, #tpu.memory_space<hbm>>) dst(%arg15 : memref<128xi32, #tpu.memory_space<vmem>>)
          %dma_start3A_250 = arith.constant 0 : i32
          %dma_start3A_251 = arith.constant 0 : i32
          %dma_start3A_252 = tpu.memref_slice %arg2[%dma_start3A_250, %dma_start3A_251] : memref<10000x128xf32, #tpu.memory_space<hbm>> -> memref<10000x128xf32, #tpu.memory_space<hbm>>
          tpu.enqueue_indirect_dma source(%dma_start3A_252 : memref<10000x128xf32, #tpu.memory_space<hbm>>) target(%arg12 : memref<128x128xf32, #tpu.memory_space<vmem>>) offsets(%arg15 : memref<128xi32, #tpu.memory_space<vmem>>) semaphore(%arg21 : memref<!tpu.dma_semaphore, #tpu.memory_space<semaphore_mem>>)
        } else {
        }
      }
      %scan3A_63 = arith.constant 52 : i32
      %dma_wait3A_64 = arith.constant 0 : i32
      %dma_wait3A_65 = arith.constant 0 : i32
      %dma_wait3A_66 = tpu.memref_slice %arg11[%dma_wait3A_64, %dma_wait3A_65] : memref<10112x128xf32, #tpu.memory_space<vmem_shared>> -> memref<10112x128xf32, #tpu.memory_space<vmem_shared>>
      tpu.wait_indirect_dma semaphore(%arg32 : memref<!tpu.dma_semaphore, #tpu.memory_space<semaphore_mem>>) src(%arg14 : memref<128x128xf32, #tpu.memory_space<vmem>>) dst(%dma_wait3A_66 : memref<10112x128xf32, #tpu.memory_space<vmem_shared>>)
      %lt3A = arith.constant 4 : i32
      %lt3A_67 = arith.cmpi slt, %arg1, %lt3A : i32
      %convert_element_type3A_68 = arith.extui %lt3A_67 : i1 to i32
      %cond3A_69 = arith.constant 0 : i32
      %cond3A_70 = arith.cmpi ne, %convert_element_type3A_68, %cond3A_69 : i32
      scf.if %cond3A_70 {
        %dma_wait3A_71 = arith.constant 0 : i32
        %dma_wait3A_72 = arith.constant 0 : i32
        %dma_wait3A_73 = tpu.memref_slice %arg2[%dma_wait3A_71, %dma_wait3A_72] : memref<10000x128xf32, #tpu.memory_space<hbm>> -> memref<10000x128xf32, #tpu.memory_space<hbm>>
        tpu.wait_indirect_dma semaphore(%arg21 : memref<!tpu.dma_semaphore, #tpu.memory_space<semaphore_mem>>) src(%dma_wait3A_73 : memref<10000x128xf32, #tpu.memory_space<hbm>>) dst(%arg12 : memref<128x128xf32, #tpu.memory_space<vmem>>)
        %dma_wait3A_74 = arith.constant 0 : i32
        %dma_wait3A_75 = tpu.memref_slice %arg4[%dma_wait3A_74] : memref<320000xi32, #tpu.memory_space<hbm>> -> memref<128xi32, #tpu.memory_space<hbm>>
        %dma_wait3A_76 = arith.constant 0 : i32
        %dma_wait3A_77 = tpu.memref_slice %arg4[%dma_wait3A_76] : memref<320000xi32, #tpu.memory_space<hbm>> -> memref<128xi32, #tpu.memory_space<hbm>>
        tpu.wait_dma2 semaphore(%arg27 : memref<!tpu.dma_semaphore, #tpu.memory_space<semaphore_mem>>) src(%dma_wait3A_77 : memref<128xi32, #tpu.memory_space<hbm>>) dst(%arg18 : memref<128xi32, #tpu.memory_space<vmem>>)
        "tpu.region"() ({
          %run_scoped3A = tpu.sem_alloc : memref<!tpu.dma_semaphore, #tpu.memory_space<semaphore_mem>>
          %dma_start3A_78 = arith.constant 0 : i32
          %dma_start3A_79 = arith.constant 0 : i32
          %dma_start3A_80 = tpu.memref_slice %arg11[%dma_start3A_78, %dma_start3A_79] : memref<10112x128xf32, #tpu.memory_space<vmem_shared>> -> memref<10112x128xf32, #tpu.memory_space<vmem_shared>>
          tpu.enqueue_indirect_dma source(%arg12 : memref<128x128xf32, #tpu.memory_space<vmem>>) target(%dma_start3A_80 : memref<10112x128xf32, #tpu.memory_space<vmem_shared>>) offsets(%arg18 : memref<128xi32, #tpu.memory_space<vmem>>) semaphore(%run_scoped3A : memref<!tpu.dma_semaphore, #tpu.memory_space<semaphore_mem>>) {add = true}
          %dma_wait3A_81 = arith.constant 0 : i32
          %dma_wait3A_82 = arith.constant 0 : i32
          %dma_wait3A_83 = tpu.memref_slice %arg11[%dma_wait3A_81, %dma_wait3A_82] : memref<10112x128xf32, #tpu.memory_space<vmem_shared>> -> memref<10112x128xf32, #tpu.memory_space<vmem_shared>>
          tpu.wait_indirect_dma semaphore(%run_scoped3A : memref<!tpu.dma_semaphore, #tpu.memory_space<semaphore_mem>>) src(%arg12 : memref<128x128xf32, #tpu.memory_space<vmem>>) dst(%dma_wait3A_83 : memref<10112x128xf32, #tpu.memory_space<vmem_shared>>)
          tpu.yield
        }) : () -> ()
      } else {
      }
    } else {
    }
    %eq3A_4 = arith.constant 1 : i32
    %eq3A_5 = arith.cmpi eq, %arg0, %eq3A_4 : i32
    %convert_element_type3A_6 = arith.extui %eq3A_5 : i1 to i32
    %cond3A_7 = arith.constant 0 : i32
    %cond3A_8 = arith.cmpi ne, %convert_element_type3A_6, %cond3A_7 : i32
    scf.if %cond3A_8 {
      %mul3A_19 = arith.constant 156 : i32
      %mul3A_20 = arith.muli %arg1, %mul3A_19 : i32
      %mul3A_21 = arith.constant 128 : i32
      %mul3A_22 = arith.muli %mul3A_20, %mul3A_21 : i32
      %add3A = arith.constant 0 : i32
      %add3A_23 = arith.addi %mul3A_22, %add3A : i32
      %dma_start3A_24 = tpu.memref_slice %arg6[%add3A_23] : memref<320000xi32, #tpu.memory_space<hbm>> -> memref<128xi32, #tpu.memory_space<hbm>>
      %dma_start3A_25 = tpu.memref_slice %arg6[%add3A_23] : memref<320000xi32, #tpu.memory_space<hbm>> -> memref<128xi32, #tpu.memory_space<hbm>>
      tpu.enqueue_dma source(%dma_start3A_25 : memref<128xi32, #tpu.memory_space<hbm>>) target(%arg15 : memref<128xi32, #tpu.memory_space<vmem>>) target_semaphore(%arg24 : memref<!tpu.dma_semaphore, #tpu.memory_space<semaphore_mem>>)
      %add3A_26 = arith.constant 0 : i32
      %add3A_27 = arith.addi %mul3A_22, %add3A_26 : i32
      %dma_start3A_28 = tpu.memref_slice %arg7[%add3A_27] : memref<320000xi32, #tpu.memory_space<hbm>> -> memref<128xi32, #tpu.memory_space<hbm>>
      %dma_start3A_29 = tpu.memref_slice %arg7[%add3A_27] : memref<320000xi32, #tpu.memory_space<hbm>> -> memref<128xi32, #tpu.memory_space<hbm>>
      tpu.enqueue_dma source(%dma_start3A_29 : memref<128xi32, #tpu.memory_space<hbm>>) target(%arg18 : memref<128xi32, #tpu.memory_space<vmem>>) target_semaphore(%arg27 : memref<!tpu.dma_semaphore, #tpu.memory_space<semaphore_mem>>)
      %add3A_30 = arith.constant 128 : i32
      %add3A_31 = arith.addi %mul3A_22, %add3A_30 : i32
      %dma_start3A_32 = tpu.memref_slice %arg6[%add3A_31] : memref<320000xi32, #tpu.memory_space<hbm>> -> memref<128xi32, #tpu.memory_space<hbm>>
      %dma_start3A_33 = tpu.memref_slice %arg6[%add3A_31] : memref<320000xi32, #tpu.memory_space<hbm>> -> memref<128xi32, #tpu.memory_space<hbm>>
      tpu.enqueue_dma source(%dma_start3A_33 : memref<128xi32, #tpu.memory_space<hbm>>) target(%arg16 : memref<128xi32, #tpu.memory_space<vmem>>) target_semaphore(%arg25 : memref<!tpu.dma_semaphore, #tpu.memory_space<semaphore_mem>>)
      %add3A_34 = arith.constant 128 : i32
      %add3A_35 = arith.addi %mul3A_22, %add3A_34 : i32
      %dma_start3A_36 = tpu.memref_slice %arg7[%add3A_35] : memref<320000xi32, #tpu.memory_space<hbm>> -> memref<128xi32, #tpu.memory_space<hbm>>
      %dma_start3A_37 = tpu.memref_slice %arg7[%add3A_35] : memref<320000xi32, #tpu.memory_space<hbm>> -> memref<128xi32, #tpu.memory_space<hbm>>
      tpu.enqueue_dma source(%dma_start3A_37 : memref<128xi32, #tpu.memory_space<hbm>>) target(%arg19 : memref<128xi32, #tpu.memory_space<vmem>>) target_semaphore(%arg28 : memref<!tpu.dma_semaphore, #tpu.memory_space<semaphore_mem>>)
      %add3A_38 = arith.constant 256 : i32
      %add3A_39 = arith.addi %mul3A_22, %add3A_38 : i32
      %dma_start3A_40 = tpu.memref_slice %arg6[%add3A_39] : memref<320000xi32, #tpu.memory_space<hbm>> -> memref<128xi32, #tpu.memory_space<hbm>>
      %dma_start3A_41 = tpu.memref_slice %arg6[%add3A_39] : memref<320000xi32, #tpu.memory_space<hbm>> -> memref<128xi32, #tpu.memory_space<hbm>>
      tpu.enqueue_dma source(%dma_start3A_41 : memref<128xi32, #tpu.memory_space<hbm>>) target(%arg17 : memref<128xi32, #tpu.memory_space<vmem>>) target_semaphore(%arg26 : memref<!tpu.dma_semaphore, #tpu.memory_space<semaphore_mem>>)
      %dma_wait3A = arith.constant 0 : i32
      %dma_wait3A_42 = tpu.memref_slice %arg6[%dma_wait3A] : memref<320000xi32, #tpu.memory_space<hbm>> -> memref<128xi32, #tpu.memory_space<hbm>>
      %dma_wait3A_43 = arith.constant 0 : i32
      %dma_wait3A_44 = tpu.memref_slice %arg6[%dma_wait3A_43] : memref<320000xi32, #tpu.memory_space<hbm>> -> memref<128xi32, #tpu.memory_space<hbm>>
      tpu.wait_dma2 semaphore(%arg24 : memref<!tpu.dma_semaphore, #tpu.memory_space<semaphore_mem>>) src(%dma_wait3A_44 : memref<128xi32, #tpu.memory_space<hbm>>) dst(%arg15 : memref<128xi32, #tpu.memory_space<vmem>>)
      %dma_start3A_45 = arith.constant 0 : i32
      %dma_start3A_46 = arith.constant 0 : i32
      %dma_start3A_47 = tpu.memref_slice %arg3[%dma_start3A_45, %dma_start3A_46] : memref<10000x128xf32, #tpu.memory_space<hbm>> -> memref<10000x128xf32, #tpu.memory_space<hbm>>
      tpu.enqueue_indirect_dma source(%dma_start3A_47 : memref<10000x128xf32, #tpu.memory_space<hbm>>) target(%arg12 : memref<128x128xf32, #tpu.memory_space<vmem>>) offsets(%arg15 : memref<128xi32, #tpu.memory_space<vmem>>) semaphore(%arg21 : memref<!tpu.dma_semaphore, #tpu.memory_space<semaphore_mem>>)
      %dma_wait3A_48 = arith.constant 0 : i32
      %dma_wait3A_49 = tpu.memref_slice %arg6[%dma_wait3A_48] : memref<320000xi32, #tpu.memory_space<hbm>> -> memref<128xi32, #tpu.memory_space<hbm>>
      %dma_wait3A_50 = arith.constant 0 : i32
      %dma_wait3A_51 = tpu.memref_slice %arg6[%dma_wait3A_50] : memref<320000xi32, #tpu.memory_space<hbm>> -> memref<128xi32, #tpu.memory_space<hbm>>
      tpu.wait_dma2 semaphore(%arg25 : memref<!tpu.dma_semaphore, #tpu.memory_space<semaphore_mem>>) src(%dma_wait3A_51 : memref<128xi32, #tpu.memory_space<hbm>>) dst(%arg16 : memref<128xi32, #tpu.memory_space<vmem>>)
      %dma_start3A_52 = arith.constant 0 : i32
      %dma_start3A_53 = arith.constant 0 : i32
      %dma_start3A_54 = tpu.memref_slice %arg3[%dma_start3A_52, %dma_start3A_53] : memref<10000x128xf32, #tpu.memory_space<hbm>> -> memref<10000x128xf32, #tpu.memory_space<hbm>>
      tpu.enqueue_indirect_dma source(%dma_start3A_54 : memref<10000x128xf32, #tpu.memory_space<hbm>>) target(%arg13 : memref<128x128xf32, #tpu.memory_space<vmem>>) offsets(%arg16 : memref<128xi32, #tpu.memory_space<vmem>>) semaphore(%arg22 : memref<!tpu.dma_semaphore, #tpu.memory_space<semaphore_mem>>)
      %dma_wait3A_55 = arith.constant 0 : i32
      %dma_wait3A_56 = arith.constant 0 : i32
      %dma_wait3A_57 = tpu.memref_slice %arg11[%dma_wait3A_55, %dma_wait3A_56] : memref<10112x128xf32, #tpu.memory_space<vmem_shared>> -> memref<632x128xf32, #tpu.memory_space<vmem_shared>>
      tpu.wait_dma2 semaphore(%arg33 : memref<!tpu.dma_semaphore, #tpu.memory_space<semaphore_mem>>) src(%arg8 : memref<632x128xf32, #tpu.memory_space<hbm>>) dst(%dma_wait3A_57 : memref<632x128xf32, #tpu.memory_space<vmem_shared>>)
      %barrier3A_58 = arith.constant 0 : index
      tpu.barrier barrier_id(%barrier3A_58)
      %scan3A = arith.constant 0 : i32
      %scan3A_59 = arith.constant 0 : i32
      %scan3A_60 = arith.constant 52 : i32
      %scan3A_61 = arith.addi %scan3A_59, %scan3A_60 : i32
      %scan3A_62 = arith.constant 1 : i32
      scf.for %scan3A_71 = %scan3A_59 to %scan3A_61 step %scan3A_62  : i32 {
        %mul3A_72 = arith.constant 3 : i32
        %mul3A_73 = arith.muli %scan3A_71, %mul3A_72 : i32
        %add3A_74 = arith.constant 0 : i32
        %add3A_75 = arith.addi %mul3A_73, %add3A_74 : i32
        %dma_wait3A_76 = arith.constant 0 : i32
        %dma_wait3A_77 = arith.constant 0 : i32
        %dma_wait3A_78 = tpu.memref_slice %arg3[%dma_wait3A_76, %dma_wait3A_77] : memref<10000x128xf32, #tpu.memory_space<hbm>> -> memref<10000x128xf32, #tpu.memory_space<hbm>>
        tpu.wait_indirect_dma semaphore(%arg21 : memref<!tpu.dma_semaphore, #tpu.memory_space<semaphore_mem>>) src(%dma_wait3A_78 : memref<10000x128xf32, #tpu.memory_space<hbm>>) dst(%arg12 : memref<128x128xf32, #tpu.memory_space<vmem>>)
        %ge3A = arith.constant 1 : i32
        %ge3A_79 = arith.cmpi sge, %add3A_75, %ge3A : i32
        %convert_element_type3A_80 = arith.extui %ge3A_79 : i1 to i32
        %cond3A_81 = arith.constant 0 : i32
        %cond3A_82 = arith.cmpi ne, %convert_element_type3A_80, %cond3A_81 : i32
        scf.if %cond3A_82 {
          %dma_wait3A_246 = arith.constant 0 : i32
          %dma_wait3A_247 = arith.constant 0 : i32
          %dma_wait3A_248 = tpu.memref_slice %arg11[%dma_wait3A_246, %dma_wait3A_247] : memref<10112x128xf32, #tpu.memory_space<vmem_shared>> -> memref<10112x128xf32, #tpu.memory_space<vmem_shared>>
          tpu.wait_indirect_dma semaphore(%arg32 : memref<!tpu.dma_semaphore, #tpu.memory_space<semaphore_mem>>) src(%arg14 : memref<128x128xf32, #tpu.memory_space<vmem>>) dst(%dma_wait3A_248 : memref<10112x128xf32, #tpu.memory_space<vmem_shared>>)
        } else {
        }
        %add3A_83 = arith.constant 2 : i32
        %add3A_84 = arith.addi %add3A_75, %add3A_83 : i32
        %lt3A_85 = arith.constant 156 : i32
        %lt3A_86 = arith.cmpi slt, %add3A_84, %lt3A_85 : i32
        %convert_element_type3A_87 = arith.extui %lt3A_86 : i1 to i32
        %cond3A_88 = arith.constant 0 : i32
        %cond3A_89 = arith.cmpi ne, %convert_element_type3A_87, %cond3A_88 : i32
        scf.if %cond3A_89 {
          %dma_wait3A_246 = arith.constant 0 : i32
          %dma_wait3A_247 = tpu.memref_slice %arg6[%dma_wait3A_246] : memref<320000xi32, #tpu.memory_space<hbm>> -> memref<128xi32, #tpu.memory_space<hbm>>
          %dma_wait3A_248 = arith.constant 0 : i32
          %dma_wait3A_249 = tpu.memref_slice %arg6[%dma_wait3A_248] : memref<320000xi32, #tpu.memory_space<hbm>> -> memref<128xi32, #tpu.memory_space<hbm>>
          tpu.wait_dma2 semaphore(%arg26 : memref<!tpu.dma_semaphore, #tpu.memory_space<semaphore_mem>>) src(%dma_wait3A_249 : memref<128xi32, #tpu.memory_space<hbm>>) dst(%arg17 : memref<128xi32, #tpu.memory_space<vmem>>)
          %dma_start3A_250 = arith.constant 0 : i32
          %dma_start3A_251 = arith.constant 0 : i32
          %dma_start3A_252 = tpu.memref_slice %arg3[%dma_start3A_250, %dma_start3A_251] : memref<10000x128xf32, #tpu.memory_space<hbm>> -> memref<10000x128xf32, #tpu.memory_space<hbm>>
          tpu.enqueue_indirect_dma source(%dma_start3A_252 : memref<10000x128xf32, #tpu.memory_space<hbm>>) target(%arg14 : memref<128x128xf32, #tpu.memory_space<vmem>>) offsets(%arg17 : memref<128xi32, #tpu.memory_space<vmem>>) semaphore(%arg23 : memref<!tpu.dma_semaphore, #tpu.memory_space<semaphore_mem>>)
        } else {
        }
        %add3A_90 = arith.constant 3 : i32
        %add3A_91 = arith.addi %add3A_75, %add3A_90 : i32
        %lt3A_92 = arith.constant 156 : i32
        %lt3A_93 = arith.cmpi slt, %add3A_91, %lt3A_92 : i32
        %convert_element_type3A_94 = arith.extui %lt3A_93 : i1 to i32
        %cond3A_95 = arith.constant 0 : i32
        %cond3A_96 = arith.cmpi ne, %convert_element_type3A_94, %cond3A_95 : i32
        scf.if %cond3A_96 {
          %add3A_246 = arith.constant 3 : i32
          %add3A_247 = arith.addi %add3A_75, %add3A_246 : i32
          %mul3A_248 = arith.constant 128 : i32
          %mul3A_249 = arith.muli %add3A_247, %mul3A_248 : i32
          %add3A_250 = arith.addi %mul3A_22, %mul3A_249 : i32
          %dma_start3A_251 = tpu.memref_slice %arg6[%add3A_250] : memref<320000xi32, #tpu.memory_space<hbm>> -> memref<128xi32, #tpu.memory_space<hbm>>
          %dma_start3A_252 = tpu.memref_slice %arg6[%add3A_250] : memref<320000xi32, #tpu.memory_space<hbm>> -> memref<128xi32, #tpu.memory_space<hbm>>
          tpu.enqueue_dma source(%dma_start3A_252 : memref<128xi32, #tpu.memory_space<hbm>>) target(%arg15 : memref<128xi32, #tpu.memory_space<vmem>>) target_semaphore(%arg24 : memref<!tpu.dma_semaphore, #tpu.memory_space<semaphore_mem>>)
        } else {
        }
        %add3A_97 = arith.constant 2 : i32
        %add3A_98 = arith.addi %add3A_75, %add3A_97 : i32
        %lt3A_99 = arith.constant 156 : i32
        %lt3A_100 = arith.cmpi slt, %add3A_98, %lt3A_99 : i32
        %convert_element_type3A_101 = arith.extui %lt3A_100 : i1 to i32
        %cond3A_102 = arith.constant 0 : i32
        %cond3A_103 = arith.cmpi ne, %convert_element_type3A_101, %cond3A_102 : i32
        scf.if %cond3A_103 {
          %add3A_246 = arith.constant 2 : i32
          %add3A_247 = arith.addi %add3A_75, %add3A_246 : i32
          %mul3A_248 = arith.constant 128 : i32
          %mul3A_249 = arith.muli %add3A_247, %mul3A_248 : i32
          %add3A_250 = arith.addi %mul3A_22, %mul3A_249 : i32
          %dma_start3A_251 = tpu.memref_slice %arg7[%add3A_250] : memref<320000xi32, #tpu.memory_space<hbm>> -> memref<128xi32, #tpu.memory_space<hbm>>
          %dma_start3A_252 = tpu.memref_slice %arg7[%add3A_250] : memref<320000xi32, #tpu.memory_space<hbm>> -> memref<128xi32, #tpu.memory_space<hbm>>
          tpu.enqueue_dma source(%dma_start3A_252 : memref<128xi32, #tpu.memory_space<hbm>>) target(%arg20 : memref<128xi32, #tpu.memory_space<vmem>>) target_semaphore(%arg29 : memref<!tpu.dma_semaphore, #tpu.memory_space<semaphore_mem>>)
        } else {
        }
        %dma_wait3A_104 = arith.constant 0 : i32
        %dma_wait3A_105 = tpu.memref_slice %arg6[%dma_wait3A_104] : memref<320000xi32, #tpu.memory_space<hbm>> -> memref<128xi32, #tpu.memory_space<hbm>>
        %dma_wait3A_106 = arith.constant 0 : i32
        %dma_wait3A_107 = tpu.memref_slice %arg6[%dma_wait3A_106] : memref<320000xi32, #tpu.memory_space<hbm>> -> memref<128xi32, #tpu.memory_space<hbm>>
        tpu.wait_dma2 semaphore(%arg27 : memref<!tpu.dma_semaphore, #tpu.memory_space<semaphore_mem>>) src(%dma_wait3A_107 : memref<128xi32, #tpu.memory_space<hbm>>) dst(%arg18 : memref<128xi32, #tpu.memory_space<vmem>>)
        %dma_start3A_108 = arith.constant 0 : i32
        %dma_start3A_109 = arith.constant 0 : i32
        %dma_start3A_110 = tpu.memref_slice %arg11[%dma_start3A_108, %dma_start3A_109] : memref<10112x128xf32, #tpu.memory_space<vmem_shared>> -> memref<10112x128xf32, #tpu.memory_space<vmem_shared>>
        tpu.enqueue_indirect_dma source(%arg12 : memref<128x128xf32, #tpu.memory_space<vmem>>) target(%dma_start3A_110 : memref<10112x128xf32, #tpu.memory_space<vmem_shared>>) offsets(%arg18 : memref<128xi32, #tpu.memory_space<vmem>>) semaphore(%arg30 : memref<!tpu.dma_semaphore, #tpu.memory_space<semaphore_mem>>) {add = true}
        %add3A_111 = arith.constant 2496 : i32
        %add3A_112 = arith.addi %add3A_111, %arg1 : i32
        %mul3A_113 = arith.constant 128 : i32
        %mul3A_114 = arith.muli %add3A_112, %mul3A_113 : i32
        %eq3A_115 = arith.constant 154 : i32
        %eq3A_116 = arith.cmpi eq, %add3A_75, %eq3A_115 : i32
        %lt3A_117 = arith.constant 4 : i32
        %lt3A_118 = arith.cmpi slt, %arg1, %lt3A_117 : i32
        %and3A = arith.andi %eq3A_116, %lt3A_118 : i1
        %convert_element_type3A_119 = arith.extui %and3A : i1 to i32
        %cond3A_120 = arith.constant 0 : i32
        %cond3A_121 = arith.cmpi ne, %convert_element_type3A_119, %cond3A_120 : i32
        scf.if %cond3A_121 {
          %dma_start3A_246 = tpu.memref_slice %arg6[%mul3A_114] : memref<320000xi32, #tpu.memory_space<hbm>> -> memref<128xi32, #tpu.memory_space<hbm>>
          %dma_start3A_247 = tpu.memref_slice %arg6[%mul3A_114] : memref<320000xi32, #tpu.memory_space<hbm>> -> memref<128xi32, #tpu.memory_space<hbm>>
          tpu.enqueue_dma source(%dma_start3A_247 : memref<128xi32, #tpu.memory_space<hbm>>) target(%arg15 : memref<128xi32, #tpu.memory_space<vmem>>) target_semaphore(%arg24 : memref<!tpu.dma_semaphore, #tpu.memory_space<semaphore_mem>>)
          %dma_start3A_248 = tpu.memref_slice %arg7[%mul3A_114] : memref<320000xi32, #tpu.memory_space<hbm>> -> memref<128xi32, #tpu.memory_space<hbm>>
          %dma_start3A_249 = tpu.memref_slice %arg7[%mul3A_114] : memref<320000xi32, #tpu.memory_space<hbm>> -> memref<128xi32, #tpu.memory_space<hbm>>
          tpu.enqueue_dma source(%dma_start3A_249 : memref<128xi32, #tpu.memory_space<hbm>>) target(%arg18 : memref<128xi32, #tpu.memory_space<vmem>>) target_semaphore(%arg27 : memref<!tpu.dma_semaphore, #tpu.memory_space<semaphore_mem>>)
        } else {
        }
        %eq3A_122 = arith.constant 155 : i32
        %eq3A_123 = arith.cmpi eq, %add3A_75, %eq3A_122 : i32
        %lt3A_124 = arith.constant 4 : i32
        %lt3A_125 = arith.cmpi slt, %arg1, %lt3A_124 : i32
        %and3A_126 = arith.andi %eq3A_123, %lt3A_125 : i1
        %convert_element_type3A_127 = arith.extui %and3A_126 : i1 to i32
        %cond3A_128 = arith.constant 0 : i32
        %cond3A_129 = arith.cmpi ne, %convert_element_type3A_127, %cond3A_128 : i32
        scf.if %cond3A_129 {
          %dma_wait3A_246 = arith.constant 0 : i32
          %dma_wait3A_247 = tpu.memref_slice %arg6[%dma_wait3A_246] : memref<320000xi32, #tpu.memory_space<hbm>> -> memref<128xi32, #tpu.memory_space<hbm>>
          %dma_wait3A_248 = arith.constant 0 : i32
          %dma_wait3A_249 = tpu.memref_slice %arg6[%dma_wait3A_248] : memref<320000xi32, #tpu.memory_space<hbm>> -> memref<128xi32, #tpu.memory_space<hbm>>
          tpu.wait_dma2 semaphore(%arg24 : memref<!tpu.dma_semaphore, #tpu.memory_space<semaphore_mem>>) src(%dma_wait3A_249 : memref<128xi32, #tpu.memory_space<hbm>>) dst(%arg15 : memref<128xi32, #tpu.memory_space<vmem>>)
          %dma_start3A_250 = arith.constant 0 : i32
          %dma_start3A_251 = arith.constant 0 : i32
          %dma_start3A_252 = tpu.memref_slice %arg3[%dma_start3A_250, %dma_start3A_251] : memref<10000x128xf32, #tpu.memory_space<hbm>> -> memref<10000x128xf32, #tpu.memory_space<hbm>>
          tpu.enqueue_indirect_dma source(%dma_start3A_252 : memref<10000x128xf32, #tpu.memory_space<hbm>>) target(%arg12 : memref<128x128xf32, #tpu.memory_space<vmem>>) offsets(%arg15 : memref<128xi32, #tpu.memory_space<vmem>>) semaphore(%arg21 : memref<!tpu.dma_semaphore, #tpu.memory_space<semaphore_mem>>)
        } else {
        }
        %add3A_130 = arith.constant 1 : i32
        %add3A_131 = arith.addi %mul3A_73, %add3A_130 : i32
        %dma_wait3A_132 = arith.constant 0 : i32
        %dma_wait3A_133 = arith.constant 0 : i32
        %dma_wait3A_134 = tpu.memref_slice %arg3[%dma_wait3A_132, %dma_wait3A_133] : memref<10000x128xf32, #tpu.memory_space<hbm>> -> memref<10000x128xf32, #tpu.memory_space<hbm>>
        tpu.wait_indirect_dma semaphore(%arg22 : memref<!tpu.dma_semaphore, #tpu.memory_space<semaphore_mem>>) src(%dma_wait3A_134 : memref<10000x128xf32, #tpu.memory_space<hbm>>) dst(%arg13 : memref<128x128xf32, #tpu.memory_space<vmem>>)
        %ge3A_135 = arith.constant 1 : i32
        %ge3A_136 = arith.cmpi sge, %add3A_131, %ge3A_135 : i32
        %convert_element_type3A_137 = arith.extui %ge3A_136 : i1 to i32
        %cond3A_138 = arith.constant 0 : i32
        %cond3A_139 = arith.cmpi ne, %convert_element_type3A_137, %cond3A_138 : i32
        scf.if %cond3A_139 {
          %dma_wait3A_246 = arith.constant 0 : i32
          %dma_wait3A_247 = arith.constant 0 : i32
          %dma_wait3A_248 = tpu.memref_slice %arg11[%dma_wait3A_246, %dma_wait3A_247] : memref<10112x128xf32, #tpu.memory_space<vmem_shared>> -> memref<10112x128xf32, #tpu.memory_space<vmem_shared>>
          tpu.wait_indirect_dma semaphore(%arg30 : memref<!tpu.dma_semaphore, #tpu.memory_space<semaphore_mem>>) src(%arg12 : memref<128x128xf32, #tpu.memory_space<vmem>>) dst(%dma_wait3A_248 : memref<10112x128xf32, #tpu.memory_space<vmem_shared>>)
        } else {
        }
        %add3A_140 = arith.constant 2 : i32
        %add3A_141 = arith.addi %add3A_131, %add3A_140 : i32
        %lt3A_142 = arith.constant 156 : i32
        %lt3A_143 = arith.cmpi slt, %add3A_141, %lt3A_142 : i32
        %convert_element_type3A_144 = arith.extui %lt3A_143 : i1 to i32
        %cond3A_145 = arith.constant 0 : i32
        %cond3A_146 = arith.cmpi ne, %convert_element_type3A_144, %cond3A_145 : i32
        scf.if %cond3A_146 {
          %dma_wait3A_246 = arith.constant 0 : i32
          %dma_wait3A_247 = tpu.memref_slice %arg6[%dma_wait3A_246] : memref<320000xi32, #tpu.memory_space<hbm>> -> memref<128xi32, #tpu.memory_space<hbm>>
          %dma_wait3A_248 = arith.constant 0 : i32
          %dma_wait3A_249 = tpu.memref_slice %arg6[%dma_wait3A_248] : memref<320000xi32, #tpu.memory_space<hbm>> -> memref<128xi32, #tpu.memory_space<hbm>>
          tpu.wait_dma2 semaphore(%arg24 : memref<!tpu.dma_semaphore, #tpu.memory_space<semaphore_mem>>) src(%dma_wait3A_249 : memref<128xi32, #tpu.memory_space<hbm>>) dst(%arg15 : memref<128xi32, #tpu.memory_space<vmem>>)
          %dma_start3A_250 = arith.constant 0 : i32
          %dma_start3A_251 = arith.constant 0 : i32
          %dma_start3A_252 = tpu.memref_slice %arg3[%dma_start3A_250, %dma_start3A_251] : memref<10000x128xf32, #tpu.memory_space<hbm>> -> memref<10000x128xf32, #tpu.memory_space<hbm>>
          tpu.enqueue_indirect_dma source(%dma_start3A_252 : memref<10000x128xf32, #tpu.memory_space<hbm>>) target(%arg12 : memref<128x128xf32, #tpu.memory_space<vmem>>) offsets(%arg15 : memref<128xi32, #tpu.memory_space<vmem>>) semaphore(%arg21 : memref<!tpu.dma_semaphore, #tpu.memory_space<semaphore_mem>>)
        } else {
        }
        %add3A_147 = arith.constant 3 : i32
        %add3A_148 = arith.addi %add3A_131, %add3A_147 : i32
        %lt3A_149 = arith.constant 156 : i32
        %lt3A_150 = arith.cmpi slt, %add3A_148, %lt3A_149 : i32
        %convert_element_type3A_151 = arith.extui %lt3A_150 : i1 to i32
        %cond3A_152 = arith.constant 0 : i32
        %cond3A_153 = arith.cmpi ne, %convert_element_type3A_151, %cond3A_152 : i32
        scf.if %cond3A_153 {
          %add3A_246 = arith.constant 3 : i32
          %add3A_247 = arith.addi %add3A_131, %add3A_246 : i32
          %mul3A_248 = arith.constant 128 : i32
          %mul3A_249 = arith.muli %add3A_247, %mul3A_248 : i32
          %add3A_250 = arith.addi %mul3A_22, %mul3A_249 : i32
          %dma_start3A_251 = tpu.memref_slice %arg6[%add3A_250] : memref<320000xi32, #tpu.memory_space<hbm>> -> memref<128xi32, #tpu.memory_space<hbm>>
          %dma_start3A_252 = tpu.memref_slice %arg6[%add3A_250] : memref<320000xi32, #tpu.memory_space<hbm>> -> memref<128xi32, #tpu.memory_space<hbm>>
          tpu.enqueue_dma source(%dma_start3A_252 : memref<128xi32, #tpu.memory_space<hbm>>) target(%arg16 : memref<128xi32, #tpu.memory_space<vmem>>) target_semaphore(%arg25 : memref<!tpu.dma_semaphore, #tpu.memory_space<semaphore_mem>>)
        } else {
        }
        %add3A_154 = arith.constant 2 : i32
        %add3A_155 = arith.addi %add3A_131, %add3A_154 : i32
        %lt3A_156 = arith.constant 156 : i32
        %lt3A_157 = arith.cmpi slt, %add3A_155, %lt3A_156 : i32
        %convert_element_type3A_158 = arith.extui %lt3A_157 : i1 to i32
        %cond3A_159 = arith.constant 0 : i32
        %cond3A_160 = arith.cmpi ne, %convert_element_type3A_158, %cond3A_159 : i32
        scf.if %cond3A_160 {
          %add3A_246 = arith.constant 2 : i32
          %add3A_247 = arith.addi %add3A_131, %add3A_246 : i32
          %mul3A_248 = arith.constant 128 : i32
          %mul3A_249 = arith.muli %add3A_247, %mul3A_248 : i32
          %add3A_250 = arith.addi %mul3A_22, %mul3A_249 : i32
          %dma_start3A_251 = tpu.memref_slice %arg7[%add3A_250] : memref<320000xi32, #tpu.memory_space<hbm>> -> memref<128xi32, #tpu.memory_space<hbm>>
          %dma_start3A_252 = tpu.memref_slice %arg7[%add3A_250] : memref<320000xi32, #tpu.memory_space<hbm>> -> memref<128xi32, #tpu.memory_space<hbm>>
          tpu.enqueue_dma source(%dma_start3A_252 : memref<128xi32, #tpu.memory_space<hbm>>) target(%arg18 : memref<128xi32, #tpu.memory_space<vmem>>) target_semaphore(%arg27 : memref<!tpu.dma_semaphore, #tpu.memory_space<semaphore_mem>>)
        } else {
        }
        %dma_wait3A_161 = arith.constant 0 : i32
        %dma_wait3A_162 = tpu.memref_slice %arg6[%dma_wait3A_161] : memref<320000xi32, #tpu.memory_space<hbm>> -> memref<128xi32, #tpu.memory_space<hbm>>
        %dma_wait3A_163 = arith.constant 0 : i32
        %dma_wait3A_164 = tpu.memref_slice %arg6[%dma_wait3A_163] : memref<320000xi32, #tpu.memory_space<hbm>> -> memref<128xi32, #tpu.memory_space<hbm>>
        tpu.wait_dma2 semaphore(%arg28 : memref<!tpu.dma_semaphore, #tpu.memory_space<semaphore_mem>>) src(%dma_wait3A_164 : memref<128xi32, #tpu.memory_space<hbm>>) dst(%arg19 : memref<128xi32, #tpu.memory_space<vmem>>)
        %dma_start3A_165 = arith.constant 0 : i32
        %dma_start3A_166 = arith.constant 0 : i32
        %dma_start3A_167 = tpu.memref_slice %arg11[%dma_start3A_165, %dma_start3A_166] : memref<10112x128xf32, #tpu.memory_space<vmem_shared>> -> memref<10112x128xf32, #tpu.memory_space<vmem_shared>>
        tpu.enqueue_indirect_dma source(%arg13 : memref<128x128xf32, #tpu.memory_space<vmem>>) target(%dma_start3A_167 : memref<10112x128xf32, #tpu.memory_space<vmem_shared>>) offsets(%arg19 : memref<128xi32, #tpu.memory_space<vmem>>) semaphore(%arg31 : memref<!tpu.dma_semaphore, #tpu.memory_space<semaphore_mem>>) {add = true}
        %add3A_168 = arith.constant 2496 : i32
        %add3A_169 = arith.addi %add3A_168, %arg1 : i32
        %mul3A_170 = arith.constant 128 : i32
        %mul3A_171 = arith.muli %add3A_169, %mul3A_170 : i32
        %eq3A_172 = arith.constant 154 : i32
        %eq3A_173 = arith.cmpi eq, %add3A_131, %eq3A_172 : i32
        %lt3A_174 = arith.constant 4 : i32
        %lt3A_175 = arith.cmpi slt, %arg1, %lt3A_174 : i32
        %and3A_176 = arith.andi %eq3A_173, %lt3A_175 : i1
        %convert_element_type3A_177 = arith.extui %and3A_176 : i1 to i32
        %cond3A_178 = arith.constant 0 : i32
        %cond3A_179 = arith.cmpi ne, %convert_element_type3A_177, %cond3A_178 : i32
        scf.if %cond3A_179 {
          %dma_start3A_246 = tpu.memref_slice %arg6[%mul3A_171] : memref<320000xi32, #tpu.memory_space<hbm>> -> memref<128xi32, #tpu.memory_space<hbm>>
          %dma_start3A_247 = tpu.memref_slice %arg6[%mul3A_171] : memref<320000xi32, #tpu.memory_space<hbm>> -> memref<128xi32, #tpu.memory_space<hbm>>
          tpu.enqueue_dma source(%dma_start3A_247 : memref<128xi32, #tpu.memory_space<hbm>>) target(%arg15 : memref<128xi32, #tpu.memory_space<vmem>>) target_semaphore(%arg24 : memref<!tpu.dma_semaphore, #tpu.memory_space<semaphore_mem>>)
          %dma_start3A_248 = tpu.memref_slice %arg7[%mul3A_171] : memref<320000xi32, #tpu.memory_space<hbm>> -> memref<128xi32, #tpu.memory_space<hbm>>
          %dma_start3A_249 = tpu.memref_slice %arg7[%mul3A_171] : memref<320000xi32, #tpu.memory_space<hbm>> -> memref<128xi32, #tpu.memory_space<hbm>>
          tpu.enqueue_dma source(%dma_start3A_249 : memref<128xi32, #tpu.memory_space<hbm>>) target(%arg18 : memref<128xi32, #tpu.memory_space<vmem>>) target_semaphore(%arg27 : memref<!tpu.dma_semaphore, #tpu.memory_space<semaphore_mem>>)
        } else {
        }
        %eq3A_180 = arith.constant 155 : i32
        %eq3A_181 = arith.cmpi eq, %add3A_131, %eq3A_180 : i32
        %lt3A_182 = arith.constant 4 : i32
        %lt3A_183 = arith.cmpi slt, %arg1, %lt3A_182 : i32
        %and3A_184 = arith.andi %eq3A_181, %lt3A_183 : i1
        %convert_element_type3A_185 = arith.extui %and3A_184 : i1 to i32
        %cond3A_186 = arith.constant 0 : i32
        %cond3A_187 = arith.cmpi ne, %convert_element_type3A_185, %cond3A_186 : i32
        scf.if %cond3A_187 {
          %dma_wait3A_246 = arith.constant 0 : i32
          %dma_wait3A_247 = tpu.memref_slice %arg6[%dma_wait3A_246] : memref<320000xi32, #tpu.memory_space<hbm>> -> memref<128xi32, #tpu.memory_space<hbm>>
          %dma_wait3A_248 = arith.constant 0 : i32
          %dma_wait3A_249 = tpu.memref_slice %arg6[%dma_wait3A_248] : memref<320000xi32, #tpu.memory_space<hbm>> -> memref<128xi32, #tpu.memory_space<hbm>>
          tpu.wait_dma2 semaphore(%arg24 : memref<!tpu.dma_semaphore, #tpu.memory_space<semaphore_mem>>) src(%dma_wait3A_249 : memref<128xi32, #tpu.memory_space<hbm>>) dst(%arg15 : memref<128xi32, #tpu.memory_space<vmem>>)
          %dma_start3A_250 = arith.constant 0 : i32
          %dma_start3A_251 = arith.constant 0 : i32
          %dma_start3A_252 = tpu.memref_slice %arg3[%dma_start3A_250, %dma_start3A_251] : memref<10000x128xf32, #tpu.memory_space<hbm>> -> memref<10000x128xf32, #tpu.memory_space<hbm>>
          tpu.enqueue_indirect_dma source(%dma_start3A_252 : memref<10000x128xf32, #tpu.memory_space<hbm>>) target(%arg12 : memref<128x128xf32, #tpu.memory_space<vmem>>) offsets(%arg15 : memref<128xi32, #tpu.memory_space<vmem>>) semaphore(%arg21 : memref<!tpu.dma_semaphore, #tpu.memory_space<semaphore_mem>>)
        } else {
        }
        %add3A_188 = arith.constant 2 : i32
        %add3A_189 = arith.addi %mul3A_73, %add3A_188 : i32
        %dma_wait3A_190 = arith.constant 0 : i32
        %dma_wait3A_191 = arith.constant 0 : i32
        %dma_wait3A_192 = tpu.memref_slice %arg3[%dma_wait3A_190, %dma_wait3A_191] : memref<10000x128xf32, #tpu.memory_space<hbm>> -> memref<10000x128xf32, #tpu.memory_space<hbm>>
        tpu.wait_indirect_dma semaphore(%arg23 : memref<!tpu.dma_semaphore, #tpu.memory_space<semaphore_mem>>) src(%dma_wait3A_192 : memref<10000x128xf32, #tpu.memory_space<hbm>>) dst(%arg14 : memref<128x128xf32, #tpu.memory_space<vmem>>)
        %ge3A_193 = arith.constant 1 : i32
        %ge3A_194 = arith.cmpi sge, %add3A_189, %ge3A_193 : i32
        %convert_element_type3A_195 = arith.extui %ge3A_194 : i1 to i32
        %cond3A_196 = arith.constant 0 : i32
        %cond3A_197 = arith.cmpi ne, %convert_element_type3A_195, %cond3A_196 : i32
        scf.if %cond3A_197 {
          %dma_wait3A_246 = arith.constant 0 : i32
          %dma_wait3A_247 = arith.constant 0 : i32
          %dma_wait3A_248 = tpu.memref_slice %arg11[%dma_wait3A_246, %dma_wait3A_247] : memref<10112x128xf32, #tpu.memory_space<vmem_shared>> -> memref<10112x128xf32, #tpu.memory_space<vmem_shared>>
          tpu.wait_indirect_dma semaphore(%arg31 : memref<!tpu.dma_semaphore, #tpu.memory_space<semaphore_mem>>) src(%arg13 : memref<128x128xf32, #tpu.memory_space<vmem>>) dst(%dma_wait3A_248 : memref<10112x128xf32, #tpu.memory_space<vmem_shared>>)
        } else {
        }
        %add3A_198 = arith.constant 2 : i32
        %add3A_199 = arith.addi %add3A_189, %add3A_198 : i32
        %lt3A_200 = arith.constant 156 : i32
        %lt3A_201 = arith.cmpi slt, %add3A_199, %lt3A_200 : i32
        %convert_element_type3A_202 = arith.extui %lt3A_201 : i1 to i32
        %cond3A_203 = arith.constant 0 : i32
        %cond3A_204 = arith.cmpi ne, %convert_element_type3A_202, %cond3A_203 : i32
        scf.if %cond3A_204 {
          %dma_wait3A_246 = arith.constant 0 : i32
          %dma_wait3A_247 = tpu.memref_slice %arg6[%dma_wait3A_246] : memref<320000xi32, #tpu.memory_space<hbm>> -> memref<128xi32, #tpu.memory_space<hbm>>
          %dma_wait3A_248 = arith.constant 0 : i32
          %dma_wait3A_249 = tpu.memref_slice %arg6[%dma_wait3A_248] : memref<320000xi32, #tpu.memory_space<hbm>> -> memref<128xi32, #tpu.memory_space<hbm>>
          tpu.wait_dma2 semaphore(%arg25 : memref<!tpu.dma_semaphore, #tpu.memory_space<semaphore_mem>>) src(%dma_wait3A_249 : memref<128xi32, #tpu.memory_space<hbm>>) dst(%arg16 : memref<128xi32, #tpu.memory_space<vmem>>)
          %dma_start3A_250 = arith.constant 0 : i32
          %dma_start3A_251 = arith.constant 0 : i32
          %dma_start3A_252 = tpu.memref_slice %arg3[%dma_start3A_250, %dma_start3A_251] : memref<10000x128xf32, #tpu.memory_space<hbm>> -> memref<10000x128xf32, #tpu.memory_space<hbm>>
          tpu.enqueue_indirect_dma source(%dma_start3A_252 : memref<10000x128xf32, #tpu.memory_space<hbm>>) target(%arg13 : memref<128x128xf32, #tpu.memory_space<vmem>>) offsets(%arg16 : memref<128xi32, #tpu.memory_space<vmem>>) semaphore(%arg22 : memref<!tpu.dma_semaphore, #tpu.memory_space<semaphore_mem>>)
        } else {
        }
        %add3A_205 = arith.constant 3 : i32
        %add3A_206 = arith.addi %add3A_189, %add3A_205 : i32
        %lt3A_207 = arith.constant 156 : i32
        %lt3A_208 = arith.cmpi slt, %add3A_206, %lt3A_207 : i32
        %convert_element_type3A_209 = arith.extui %lt3A_208 : i1 to i32
        %cond3A_210 = arith.constant 0 : i32
        %cond3A_211 = arith.cmpi ne, %convert_element_type3A_209, %cond3A_210 : i32
        scf.if %cond3A_211 {
          %add3A_246 = arith.constant 3 : i32
          %add3A_247 = arith.addi %add3A_189, %add3A_246 : i32
          %mul3A_248 = arith.constant 128 : i32
          %mul3A_249 = arith.muli %add3A_247, %mul3A_248 : i32
          %add3A_250 = arith.addi %mul3A_22, %mul3A_249 : i32
          %dma_start3A_251 = tpu.memref_slice %arg6[%add3A_250] : memref<320000xi32, #tpu.memory_space<hbm>> -> memref<128xi32, #tpu.memory_space<hbm>>
          %dma_start3A_252 = tpu.memref_slice %arg6[%add3A_250] : memref<320000xi32, #tpu.memory_space<hbm>> -> memref<128xi32, #tpu.memory_space<hbm>>
          tpu.enqueue_dma source(%dma_start3A_252 : memref<128xi32, #tpu.memory_space<hbm>>) target(%arg17 : memref<128xi32, #tpu.memory_space<vmem>>) target_semaphore(%arg26 : memref<!tpu.dma_semaphore, #tpu.memory_space<semaphore_mem>>)
        } else {
        }
        %add3A_212 = arith.constant 2 : i32
        %add3A_213 = arith.addi %add3A_189, %add3A_212 : i32
        %lt3A_214 = arith.constant 156 : i32
        %lt3A_215 = arith.cmpi slt, %add3A_213, %lt3A_214 : i32
        %convert_element_type3A_216 = arith.extui %lt3A_215 : i1 to i32
        %cond3A_217 = arith.constant 0 : i32
        %cond3A_218 = arith.cmpi ne, %convert_element_type3A_216, %cond3A_217 : i32
        scf.if %cond3A_218 {
          %add3A_246 = arith.constant 2 : i32
          %add3A_247 = arith.addi %add3A_189, %add3A_246 : i32
          %mul3A_248 = arith.constant 128 : i32
          %mul3A_249 = arith.muli %add3A_247, %mul3A_248 : i32
          %add3A_250 = arith.addi %mul3A_22, %mul3A_249 : i32
          %dma_start3A_251 = tpu.memref_slice %arg7[%add3A_250] : memref<320000xi32, #tpu.memory_space<hbm>> -> memref<128xi32, #tpu.memory_space<hbm>>
          %dma_start3A_252 = tpu.memref_slice %arg7[%add3A_250] : memref<320000xi32, #tpu.memory_space<hbm>> -> memref<128xi32, #tpu.memory_space<hbm>>
          tpu.enqueue_dma source(%dma_start3A_252 : memref<128xi32, #tpu.memory_space<hbm>>) target(%arg19 : memref<128xi32, #tpu.memory_space<vmem>>) target_semaphore(%arg28 : memref<!tpu.dma_semaphore, #tpu.memory_space<semaphore_mem>>)
        } else {
        }
        %dma_wait3A_219 = arith.constant 0 : i32
        %dma_wait3A_220 = tpu.memref_slice %arg6[%dma_wait3A_219] : memref<320000xi32, #tpu.memory_space<hbm>> -> memref<128xi32, #tpu.memory_space<hbm>>
        %dma_wait3A_221 = arith.constant 0 : i32
        %dma_wait3A_222 = tpu.memref_slice %arg6[%dma_wait3A_221] : memref<320000xi32, #tpu.memory_space<hbm>> -> memref<128xi32, #tpu.memory_space<hbm>>
        tpu.wait_dma2 semaphore(%arg29 : memref<!tpu.dma_semaphore, #tpu.memory_space<semaphore_mem>>) src(%dma_wait3A_222 : memref<128xi32, #tpu.memory_space<hbm>>) dst(%arg20 : memref<128xi32, #tpu.memory_space<vmem>>)
        %dma_start3A_223 = arith.constant 0 : i32
        %dma_start3A_224 = arith.constant 0 : i32
        %dma_start3A_225 = tpu.memref_slice %arg11[%dma_start3A_223, %dma_start3A_224] : memref<10112x128xf32, #tpu.memory_space<vmem_shared>> -> memref<10112x128xf32, #tpu.memory_space<vmem_shared>>
        tpu.enqueue_indirect_dma source(%arg14 : memref<128x128xf32, #tpu.memory_space<vmem>>) target(%dma_start3A_225 : memref<10112x128xf32, #tpu.memory_space<vmem_shared>>) offsets(%arg20 : memref<128xi32, #tpu.memory_space<vmem>>) semaphore(%arg32 : memref<!tpu.dma_semaphore, #tpu.memory_space<semaphore_mem>>) {add = true}
        %add3A_226 = arith.constant 2496 : i32
        %add3A_227 = arith.addi %add3A_226, %arg1 : i32
        %mul3A_228 = arith.constant 128 : i32
        %mul3A_229 = arith.muli %add3A_227, %mul3A_228 : i32
        %eq3A_230 = arith.constant 154 : i32
        %eq3A_231 = arith.cmpi eq, %add3A_189, %eq3A_230 : i32
        %lt3A_232 = arith.constant 4 : i32
        %lt3A_233 = arith.cmpi slt, %arg1, %lt3A_232 : i32
        %and3A_234 = arith.andi %eq3A_231, %lt3A_233 : i1
        %convert_element_type3A_235 = arith.extui %and3A_234 : i1 to i32
        %cond3A_236 = arith.constant 0 : i32
        %cond3A_237 = arith.cmpi ne, %convert_element_type3A_235, %cond3A_236 : i32
        scf.if %cond3A_237 {
          %dma_start3A_246 = tpu.memref_slice %arg6[%mul3A_229] : memref<320000xi32, #tpu.memory_space<hbm>> -> memref<128xi32, #tpu.memory_space<hbm>>
          %dma_start3A_247 = tpu.memref_slice %arg6[%mul3A_229] : memref<320000xi32, #tpu.memory_space<hbm>> -> memref<128xi32, #tpu.memory_space<hbm>>
          tpu.enqueue_dma source(%dma_start3A_247 : memref<128xi32, #tpu.memory_space<hbm>>) target(%arg15 : memref<128xi32, #tpu.memory_space<vmem>>) target_semaphore(%arg24 : memref<!tpu.dma_semaphore, #tpu.memory_space<semaphore_mem>>)
          %dma_start3A_248 = tpu.memref_slice %arg7[%mul3A_229] : memref<320000xi32, #tpu.memory_space<hbm>> -> memref<128xi32, #tpu.memory_space<hbm>>
          %dma_start3A_249 = tpu.memref_slice %arg7[%mul3A_229] : memref<320000xi32, #tpu.memory_space<hbm>> -> memref<128xi32, #tpu.memory_space<hbm>>
          tpu.enqueue_dma source(%dma_start3A_249 : memref<128xi32, #tpu.memory_space<hbm>>) target(%arg18 : memref<128xi32, #tpu.memory_space<vmem>>) target_semaphore(%arg27 : memref<!tpu.dma_semaphore, #tpu.memory_space<semaphore_mem>>)
        } else {
        }
        %eq3A_238 = arith.constant 155 : i32
        %eq3A_239 = arith.cmpi eq, %add3A_189, %eq3A_238 : i32
        %lt3A_240 = arith.constant 4 : i32
        %lt3A_241 = arith.cmpi slt, %arg1, %lt3A_240 : i32
        %and3A_242 = arith.andi %eq3A_239, %lt3A_241 : i1
        %convert_element_type3A_243 = arith.extui %and3A_242 : i1 to i32
        %cond3A_244 = arith.constant 0 : i32
        %cond3A_245 = arith.cmpi ne, %convert_element_type3A_243, %cond3A_244 : i32
        scf.if %cond3A_245 {
          %dma_wait3A_246 = arith.constant 0 : i32
          %dma_wait3A_247 = tpu.memref_slice %arg6[%dma_wait3A_246] : memref<320000xi32, #tpu.memory_space<hbm>> -> memref<128xi32, #tpu.memory_space<hbm>>
          %dma_wait3A_248 = arith.constant 0 : i32
          %dma_wait3A_249 = tpu.memref_slice %arg6[%dma_wait3A_248] : memref<320000xi32, #tpu.memory_space<hbm>> -> memref<128xi32, #tpu.memory_space<hbm>>
          tpu.wait_dma2 semaphore(%arg24 : memref<!tpu.dma_semaphore, #tpu.memory_space<semaphore_mem>>) src(%dma_wait3A_249 : memref<128xi32, #tpu.memory_space<hbm>>) dst(%arg15 : memref<128xi32, #tpu.memory_space<vmem>>)
          %dma_start3A_250 = arith.constant 0 : i32
          %dma_start3A_251 = arith.constant 0 : i32
          %dma_start3A_252 = tpu.memref_slice %arg3[%dma_start3A_250, %dma_start3A_251] : memref<10000x128xf32, #tpu.memory_space<hbm>> -> memref<10000x128xf32, #tpu.memory_space<hbm>>
          tpu.enqueue_indirect_dma source(%dma_start3A_252 : memref<10000x128xf32, #tpu.memory_space<hbm>>) target(%arg12 : memref<128x128xf32, #tpu.memory_space<vmem>>) offsets(%arg15 : memref<128xi32, #tpu.memory_space<vmem>>) semaphore(%arg21 : memref<!tpu.dma_semaphore, #tpu.memory_space<semaphore_mem>>)
        } else {
        }
      }
      %scan3A_63 = arith.constant 52 : i32
      %dma_wait3A_64 = arith.constant 0 : i32
      %dma_wait3A_65 = arith.constant 0 : i32
      %dma_wait3A_66 = tpu.memref_slice %arg11[%dma_wait3A_64, %dma_wait3A_65] : memref<10112x128xf32, #tpu.memory_space<vmem_shared>> -> memref<10112x128xf32, #tpu.memory_space<vmem_shared>>
      tpu.wait_indirect_dma semaphore(%arg32 : memref<!tpu.dma_semaphore, #tpu.memory_space<semaphore_mem>>) src(%arg14 : memref<128x128xf32, #tpu.memory_space<vmem>>) dst(%dma_wait3A_66 : memref<10112x128xf32, #tpu.memory_space<vmem_shared>>)
      %lt3A = arith.constant 4 : i32
      %lt3A_67 = arith.cmpi slt, %arg1, %lt3A : i32
      %convert_element_type3A_68 = arith.extui %lt3A_67 : i1 to i32
      %cond3A_69 = arith.constant 0 : i32
      %cond3A_70 = arith.cmpi ne, %convert_element_type3A_68, %cond3A_69 : i32
      scf.if %cond3A_70 {
        %dma_wait3A_71 = arith.constant 0 : i32
        %dma_wait3A_72 = arith.constant 0 : i32
        %dma_wait3A_73 = tpu.memref_slice %arg3[%dma_wait3A_71, %dma_wait3A_72] : memref<10000x128xf32, #tpu.memory_space<hbm>> -> memref<10000x128xf32, #tpu.memory_space<hbm>>
        tpu.wait_indirect_dma semaphore(%arg21 : memref<!tpu.dma_semaphore, #tpu.memory_space<semaphore_mem>>) src(%dma_wait3A_73 : memref<10000x128xf32, #tpu.memory_space<hbm>>) dst(%arg12 : memref<128x128xf32, #tpu.memory_space<vmem>>)
        %dma_wait3A_74 = arith.constant 0 : i32
        %dma_wait3A_75 = tpu.memref_slice %arg6[%dma_wait3A_74] : memref<320000xi32, #tpu.memory_space<hbm>> -> memref<128xi32, #tpu.memory_space<hbm>>
        %dma_wait3A_76 = arith.constant 0 : i32
        %dma_wait3A_77 = tpu.memref_slice %arg6[%dma_wait3A_76] : memref<320000xi32, #tpu.memory_space<hbm>> -> memref<128xi32, #tpu.memory_space<hbm>>
        tpu.wait_dma2 semaphore(%arg27 : memref<!tpu.dma_semaphore, #tpu.memory_space<semaphore_mem>>) src(%dma_wait3A_77 : memref<128xi32, #tpu.memory_space<hbm>>) dst(%arg18 : memref<128xi32, #tpu.memory_space<vmem>>)
        "tpu.region"() ({
          %run_scoped3A = tpu.sem_alloc : memref<!tpu.dma_semaphore, #tpu.memory_space<semaphore_mem>>
          %dma_start3A_78 = arith.constant 0 : i32
          %dma_start3A_79 = arith.constant 0 : i32
          %dma_start3A_80 = tpu.memref_slice %arg11[%dma_start3A_78, %dma_start3A_79] : memref<10112x128xf32, #tpu.memory_space<vmem_shared>> -> memref<10112x128xf32, #tpu.memory_space<vmem_shared>>
          tpu.enqueue_indirect_dma source(%arg12 : memref<128x128xf32, #tpu.memory_space<vmem>>) target(%dma_start3A_80 : memref<10112x128xf32, #tpu.memory_space<vmem_shared>>) offsets(%arg18 : memref<128xi32, #tpu.memory_space<vmem>>) semaphore(%run_scoped3A : memref<!tpu.dma_semaphore, #tpu.memory_space<semaphore_mem>>) {add = true}
          %dma_wait3A_81 = arith.constant 0 : i32
          %dma_wait3A_82 = arith.constant 0 : i32
          %dma_wait3A_83 = tpu.memref_slice %arg11[%dma_wait3A_81, %dma_wait3A_82] : memref<10112x128xf32, #tpu.memory_space<vmem_shared>> -> memref<10112x128xf32, #tpu.memory_space<vmem_shared>>
          tpu.wait_indirect_dma semaphore(%run_scoped3A : memref<!tpu.dma_semaphore, #tpu.memory_space<semaphore_mem>>) src(%arg12 : memref<128x128xf32, #tpu.memory_space<vmem>>) dst(%dma_wait3A_83 : memref<10112x128xf32, #tpu.memory_space<vmem_shared>>)
          tpu.yield
        }) : () -> ()
      } else {
      }
    } else {
    }
    %barrier3A = arith.constant 0 : index
    tpu.barrier barrier_id(%barrier3A)
    %eq3A_9 = arith.constant 0 : i32
    %eq3A_10 = arith.cmpi eq, %arg0, %eq3A_9 : i32
    %convert_element_type3A_11 = arith.extui %eq3A_10 : i1 to i32
    %cond3A_12 = arith.constant 0 : i32
    %cond3A_13 = arith.cmpi ne, %convert_element_type3A_11, %cond3A_12 : i32
    scf.if %cond3A_13 {
      "tpu.region"() ({
        %run_scoped3A = tpu.sem_alloc : memref<!tpu.dma_semaphore, #tpu.memory_space<semaphore_mem>>
        %dma_start3A_19 = arith.constant 0 : i32
        %dma_start3A_20 = tpu.memref_slice %arg9[%mul3A_0, %dma_start3A_19] : memref<10112x128xf32, #tpu.memory_space<hbm>> -> memref<632x128xf32, #tpu.memory_space<hbm>>
        %dma_start3A_21 = arith.constant 0 : i32
        %dma_start3A_22 = tpu.memref_slice %arg11[%mul3A_0, %dma_start3A_21] : memref<10112x128xf32, #tpu.memory_space<vmem_shared>> -> memref<632x128xf32, #tpu.memory_space<vmem_shared>>
        tpu.enqueue_dma source(%dma_start3A_22 : memref<632x128xf32, #tpu.memory_space<vmem_shared>>) target(%dma_start3A_20 : memref<632x128xf32, #tpu.memory_space<hbm>>) target_semaphore(%run_scoped3A : memref<!tpu.dma_semaphore, #tpu.memory_space<semaphore_mem>>)
        %dma_wait3A = arith.constant 0 : i32
        %dma_wait3A_23 = tpu.memref_slice %arg9[%mul3A_0, %dma_wait3A] : memref<10112x128xf32, #tpu.memory_space<hbm>> -> memref<632x128xf32, #tpu.memory_space<hbm>>
        %dma_wait3A_24 = arith.constant 0 : i32
        %dma_wait3A_25 = tpu.memref_slice %arg11[%mul3A_0, %dma_wait3A_24] : memref<10112x128xf32, #tpu.memory_space<vmem_shared>> -> memref<632x128xf32, #tpu.memory_space<vmem_shared>>
        tpu.wait_dma2 semaphore(%run_scoped3A : memref<!tpu.dma_semaphore, #tpu.memory_space<semaphore_mem>>) src(%dma_wait3A_25 : memref<632x128xf32, #tpu.memory_space<vmem_shared>>) dst(%dma_wait3A_23 : memref<632x128xf32, #tpu.memory_space<hbm>>)
        tpu.yield
      }) : () -> ()
    } else {
    }
    %eq3A_14 = arith.constant 1 : i32
    %eq3A_15 = arith.cmpi eq, %arg0, %eq3A_14 : i32
    %convert_element_type3A_16 = arith.extui %eq3A_15 : i1 to i32
    %cond3A_17 = arith.constant 0 : i32
    %cond3A_18 = arith.cmpi ne, %convert_element_type3A_16, %cond3A_17 : i32
    scf.if %cond3A_18 {
      "tpu.region"() ({
        %run_scoped3A = tpu.sem_alloc : memref<!tpu.dma_semaphore, #tpu.memory_space<semaphore_mem>>
        %dma_start3A_19 = arith.constant 0 : i32
        %dma_start3A_20 = tpu.memref_slice %arg10[%mul3A_0, %dma_start3A_19] : memref<10112x128xf32, #tpu.memory_space<hbm>> -> memref<632x128xf32, #tpu.memory_space<hbm>>
        %dma_start3A_21 = arith.constant 0 : i32
        %dma_start3A_22 = tpu.memref_slice %arg11[%mul3A_0, %dma_start3A_21] : memref<10112x128xf32, #tpu.memory_space<vmem_shared>> -> memref<632x128xf32, #tpu.memory_space<vmem_shared>>
        tpu.enqueue_dma source(%dma_start3A_22 : memref<632x128xf32, #tpu.memory_space<vmem_shared>>) target(%dma_start3A_20 : memref<632x128xf32, #tpu.memory_space<hbm>>) target_semaphore(%run_scoped3A : memref<!tpu.dma_semaphore, #tpu.memory_space<semaphore_mem>>)
        %dma_wait3A = arith.constant 0 : i32
        %dma_wait3A_23 = tpu.memref_slice %arg10[%mul3A_0, %dma_wait3A] : memref<10112x128xf32, #tpu.memory_space<hbm>> -> memref<632x128xf32, #tpu.memory_space<hbm>>
        %dma_wait3A_24 = arith.constant 0 : i32
        %dma_wait3A_25 = tpu.memref_slice %arg11[%mul3A_0, %dma_wait3A_24] : memref<10112x128xf32, #tpu.memory_space<vmem_shared>> -> memref<632x128xf32, #tpu.memory_space<vmem_shared>>
        tpu.wait_dma2 semaphore(%run_scoped3A : memref<!tpu.dma_semaphore, #tpu.memory_space<semaphore_mem>>) src(%dma_wait3A_25 : memref<632x128xf32, #tpu.memory_space<vmem_shared>>) dst(%dma_wait3A_23 : memref<632x128xf32, #tpu.memory_space<hbm>>)
        tpu.yield
      }) : () -> ()
    } else {
    }
    return
  }
}

#map = affine_map<(d0, d1) -> (0, 0)>
#map1 = affine_map<(d0, d1) -> (0)>
module attributes {stable_mosaic.version = 14 : i64} {
  func.func @_spmm_body(%arg0: i32, %arg1: i32, %arg2: memref<10000x128xf32, #tpu.memory_space<hbm>>, %arg3: memref<10000x128xf32, #tpu.memory_space<hbm>>, %arg4: memref<320000xi32, #tpu.memory_space<hbm>>, %arg5: memref<320000xi32, #tpu.memory_space<hbm>>, %arg6: memref<320000xi32, #tpu.memory_space<hbm>>, %arg7: memref<320000xi32, #tpu.memory_space<hbm>>, %arg8: memref<632x128xf32, #tpu.memory_space<hbm>>, %arg9: memref<10112x128xf32, #tpu.memory_space<hbm>>, %arg10: memref<10112x128xf32, #tpu.memory_space<hbm>>, %arg11: memref<10112x128xf32, #tpu.memory_space<vmem_shared>>, %arg12: memref<128x128xf32, #tpu.memory_space<vmem>>, %arg13: memref<128x128xf32, #tpu.memory_space<vmem>>, %arg14: memref<128x128xf32, #tpu.memory_space<vmem>>, %arg15: memref<128xi32, #tpu.memory_space<vmem>>, %arg16: memref<128xi32, #tpu.memory_space<vmem>>, %arg17: memref<128xi32, #tpu.memory_space<vmem>>, %arg18: memref<128xi32, #tpu.memory_space<vmem>>, %arg19: memref<128xi32, #tpu.memory_space<vmem>>, %arg20: memref<128xi32, #tpu.memory_space<vmem>>, %arg21: memref<!tpu.dma_semaphore, #tpu.memory_space<semaphore_mem>>, %arg22: memref<!tpu.dma_semaphore, #tpu.memory_space<semaphore_mem>>, %arg23: memref<!tpu.dma_semaphore, #tpu.memory_space<semaphore_mem>>, %arg24: memref<!tpu.dma_semaphore, #tpu.memory_space<semaphore_mem>>, %arg25: memref<!tpu.dma_semaphore, #tpu.memory_space<semaphore_mem>>, %arg26: memref<!tpu.dma_semaphore, #tpu.memory_space<semaphore_mem>>, %arg27: memref<!tpu.dma_semaphore, #tpu.memory_space<semaphore_mem>>, %arg28: memref<!tpu.dma_semaphore, #tpu.memory_space<semaphore_mem>>, %arg29: memref<!tpu.dma_semaphore, #tpu.memory_space<semaphore_mem>>, %arg30: memref<!tpu.dma_semaphore, #tpu.memory_space<semaphore_mem>>, %arg31: memref<!tpu.dma_semaphore, #tpu.memory_space<semaphore_mem>>, %arg32: memref<!tpu.dma_semaphore, #tpu.memory_space<semaphore_mem>>, %arg33: memref<!tpu.dma_semaphore, #tpu.memory_space<semaphore_mem>>) attributes {dimension_semantics = [#tpu.dimension_semantics<core_parallel>, #tpu.dimension_semantics<subcore_parallel>], iteration_bounds = array<i64: 2, 16>, scalar_prefetch = 0 : i64, scratch_operands = 23 : i64, tpu.core_type = #tpu.core_type<sc_vector_subcore>, window_params = [{transform_indices = #map}, {transform_indices = #map}, {transform_indices = #map1}, {transform_indices = #map1}, {transform_indices = #map1}, {transform_indices = #map1}, {transform_indices = #map}, {transform_indices = #map}, {transform_indices = #map}]} {
    %mul3A = arith.constant 632 : i32
    %mul3A_0 = arith.muli %arg1, %mul3A : i32
    %dma_start3A = arith.constant 0 : i32
    %dma_start3A_1 = tpu.memref_slice %arg11[%mul3A_0, %dma_start3A] : memref<10112x128xf32, #tpu.memory_space<vmem_shared>> -> memref<632x128xf32, #tpu.memory_space<vmem_shared>>
    tpu.enqueue_dma source(%arg8 : memref<632x128xf32, #tpu.memory_space<hbm>>) target(%dma_start3A_1 : memref<632x128xf32, #tpu.memory_space<vmem_shared>>) target_semaphore(%arg33 : memref<!tpu.dma_semaphore, #tpu.memory_space<semaphore_mem>>)
    %eq3A = arith.constant 0 : i32
    %eq3A_2 = arith.cmpi eq, %arg0, %eq3A : i32
    %convert_element_type3A = arith.extui %eq3A_2 : i1 to i32
    %cond3A = arith.constant 0 : i32
    %cond3A_3 = arith.cmpi ne, %convert_element_type3A, %cond3A : i32
    scf.if %cond3A_3 {
      %mul3A_19 = arith.constant 156 : i32
      %mul3A_20 = arith.muli %arg1, %mul3A_19 : i32
      %mul3A_21 = arith.constant 128 : i32
      %mul3A_22 = arith.muli %mul3A_20, %mul3A_21 : i32
      %add3A = arith.constant 0 : i32
      %add3A_23 = arith.addi %mul3A_22, %add3A : i32
      %dma_start3A_24 = tpu.memref_slice %arg4[%add3A_23] : memref<320000xi32, #tpu.memory_space<hbm>> -> memref<128xi32, #tpu.memory_space<hbm>>
      %dma_start3A_25 = tpu.memref_slice %arg4[%add3A_23] : memref<320000xi32, #tpu.memory_space<hbm>> -> memref<128xi32, #tpu.memory_space<hbm>>
      tpu.enqueue_dma source(%dma_start3A_25 : memref<128xi32, #tpu.memory_space<hbm>>) target(%arg15 : memref<128xi32, #tpu.memory_space<vmem>>) target_semaphore(%arg24 : memref<!tpu.dma_semaphore, #tpu.memory_space<semaphore_mem>>)
      %add3A_26 = arith.constant 0 : i32
      %add3A_27 = arith.addi %mul3A_22, %add3A_26 : i32
      %dma_start3A_28 = tpu.memref_slice %arg5[%add3A_27] : memref<320000xi32, #tpu.memory_space<hbm>> -> memref<128xi32, #tpu.memory_space<hbm>>
      %dma_start3A_29 = tpu.memref_slice %arg5[%add3A_27] : memref<320000xi32, #tpu.memory_space<hbm>> -> memref<128xi32, #tpu.memory_space<hbm>>
      tpu.enqueue_dma source(%dma_start3A_29 : memref<128xi32, #tpu.memory_space<hbm>>) target(%arg18 : memref<128xi32, #tpu.memory_space<vmem>>) target_semaphore(%arg27 : memref<!tpu.dma_semaphore, #tpu.memory_space<semaphore_mem>>)
      %add3A_30 = arith.constant 128 : i32
      %add3A_31 = arith.addi %mul3A_22, %add3A_30 : i32
      %dma_start3A_32 = tpu.memref_slice %arg4[%add3A_31] : memref<320000xi32, #tpu.memory_space<hbm>> -> memref<128xi32, #tpu.memory_space<hbm>>
      %dma_start3A_33 = tpu.memref_slice %arg4[%add3A_31] : memref<320000xi32, #tpu.memory_space<hbm>> -> memref<128xi32, #tpu.memory_space<hbm>>
      tpu.enqueue_dma source(%dma_start3A_33 : memref<128xi32, #tpu.memory_space<hbm>>) target(%arg16 : memref<128xi32, #tpu.memory_space<vmem>>) target_semaphore(%arg25 : memref<!tpu.dma_semaphore, #tpu.memory_space<semaphore_mem>>)
      %add3A_34 = arith.constant 128 : i32
      %add3A_35 = arith.addi %mul3A_22, %add3A_34 : i32
      %dma_start3A_36 = tpu.memref_slice %arg5[%add3A_35] : memref<320000xi32, #tpu.memory_space<hbm>> -> memref<128xi32, #tpu.memory_space<hbm>>
      %dma_start3A_37 = tpu.memref_slice %arg5[%add3A_35] : memref<320000xi32, #tpu.memory_space<hbm>> -> memref<128xi32, #tpu.memory_space<hbm>>
      tpu.enqueue_dma source(%dma_start3A_37 : memref<128xi32, #tpu.memory_space<hbm>>) target(%arg19 : memref<128xi32, #tpu.memory_space<vmem>>) target_semaphore(%arg28 : memref<!tpu.dma_semaphore, #tpu.memory_space<semaphore_mem>>)
      %add3A_38 = arith.constant 256 : i32
      %add3A_39 = arith.addi %mul3A_22, %add3A_38 : i32
      %dma_start3A_40 = tpu.memref_slice %arg4[%add3A_39] : memref<320000xi32, #tpu.memory_space<hbm>> -> memref<128xi32, #tpu.memory_space<hbm>>
      %dma_start3A_41 = tpu.memref_slice %arg4[%add3A_39] : memref<320000xi32, #tpu.memory_space<hbm>> -> memref<128xi32, #tpu.memory_space<hbm>>
      tpu.enqueue_dma source(%dma_start3A_41 : memref<128xi32, #tpu.memory_space<hbm>>) target(%arg17 : memref<128xi32, #tpu.memory_space<vmem>>) target_semaphore(%arg26 : memref<!tpu.dma_semaphore, #tpu.memory_space<semaphore_mem>>)
      %dma_wait3A = arith.constant 0 : i32
      %dma_wait3A_42 = tpu.memref_slice %arg4[%dma_wait3A] : memref<320000xi32, #tpu.memory_space<hbm>> -> memref<128xi32, #tpu.memory_space<hbm>>
      %dma_wait3A_43 = arith.constant 0 : i32
      %dma_wait3A_44 = tpu.memref_slice %arg4[%dma_wait3A_43] : memref<320000xi32, #tpu.memory_space<hbm>> -> memref<128xi32, #tpu.memory_space<hbm>>
      tpu.wait_dma2 semaphore(%arg24 : memref<!tpu.dma_semaphore, #tpu.memory_space<semaphore_mem>>) src(%dma_wait3A_44 : memref<128xi32, #tpu.memory_space<hbm>>) dst(%arg15 : memref<128xi32, #tpu.memory_space<vmem>>)
      %dma_start3A_45 = arith.constant 0 : i32
      %dma_start3A_46 = arith.constant 0 : i32
      %dma_start3A_47 = tpu.memref_slice %arg2[%dma_start3A_45, %dma_start3A_46] : memref<10000x128xf32, #tpu.memory_space<hbm>> -> memref<10000x128xf32, #tpu.memory_space<hbm>>
      tpu.enqueue_indirect_dma source(%dma_start3A_47 : memref<10000x128xf32, #tpu.memory_space<hbm>>) target(%arg12 : memref<128x128xf32, #tpu.memory_space<vmem>>) offsets(%arg15 : memref<128xi32, #tpu.memory_space<vmem>>) semaphore(%arg21 : memref<!tpu.dma_semaphore, #tpu.memory_space<semaphore_mem>>)
      %dma_wait3A_48 = arith.constant 0 : i32
      %dma_wait3A_49 = tpu.memref_slice %arg4[%dma_wait3A_48] : memref<320000xi32, #tpu.memory_space<hbm>> -> memref<128xi32, #tpu.memory_space<hbm>>
      %dma_wait3A_50 = arith.constant 0 : i32
      %dma_wait3A_51 = tpu.memref_slice %arg4[%dma_wait3A_50] : memref<320000xi32, #tpu.memory_space<hbm>> -> memref<128xi32, #tpu.memory_space<hbm>>
      tpu.wait_dma2 semaphore(%arg25 : memref<!tpu.dma_semaphore, #tpu.memory_space<semaphore_mem>>) src(%dma_wait3A_51 : memref<128xi32, #tpu.memory_space<hbm>>) dst(%arg16 : memref<128xi32, #tpu.memory_space<vmem>>)
      %dma_start3A_52 = arith.constant 0 : i32
      %dma_start3A_53 = arith.constant 0 : i32
      %dma_start3A_54 = tpu.memref_slice %arg2[%dma_start3A_52, %dma_start3A_53] : memref<10000x128xf32, #tpu.memory_space<hbm>> -> memref<10000x128xf32, #tpu.memory_space<hbm>>
      tpu.enqueue_indirect_dma source(%dma_start3A_54 : memref<10000x128xf32, #tpu.memory_space<hbm>>) target(%arg13 : memref<128x128xf32, #tpu.memory_space<vmem>>) offsets(%arg16 : memref<128xi32, #tpu.memory_space<vmem>>) semaphore(%arg22 : memref<!tpu.dma_semaphore, #tpu.memory_space<semaphore_mem>>)
      %dma_wait3A_55 = arith.constant 0 : i32
      %dma_wait3A_56 = arith.constant 0 : i32
      %dma_wait3A_57 = tpu.memref_slice %arg11[%dma_wait3A_55, %dma_wait3A_56] : memref<10112x128xf32, #tpu.memory_space<vmem_shared>> -> memref<632x128xf32, #tpu.memory_space<vmem_shared>>
      tpu.wait_dma2 semaphore(%arg33 : memref<!tpu.dma_semaphore, #tpu.memory_space<semaphore_mem>>) src(%arg8 : memref<632x128xf32, #tpu.memory_space<hbm>>) dst(%dma_wait3A_57 : memref<632x128xf32, #tpu.memory_space<vmem_shared>>)
      %barrier3A_58 = arith.constant 0 : index
      tpu.barrier barrier_id(%barrier3A_58)
      %scan3A = arith.constant 0 : i32
      %scan3A_59 = arith.constant 0 : i32
      %scan3A_60 = arith.constant 52 : i32
      %scan3A_61 = arith.addi %scan3A_59, %scan3A_60 : i32
      %scan3A_62 = arith.constant 1 : i32
      scf.for %scan3A_71 = %scan3A_59 to %scan3A_61 step %scan3A_62  : i32 {
        %mul3A_72 = arith.constant 3 : i32
        %mul3A_73 = arith.muli %scan3A_71, %mul3A_72 : i32
        %add3A_74 = arith.constant 0 : i32
        %add3A_75 = arith.addi %mul3A_73, %add3A_74 : i32
        %dma_wait3A_76 = arith.constant 0 : i32
        %dma_wait3A_77 = arith.constant 0 : i32
        %dma_wait3A_78 = tpu.memref_slice %arg2[%dma_wait3A_76, %dma_wait3A_77] : memref<10000x128xf32, #tpu.memory_space<hbm>> -> memref<10000x128xf32, #tpu.memory_space<hbm>>
        tpu.wait_indirect_dma semaphore(%arg21 : memref<!tpu.dma_semaphore, #tpu.memory_space<semaphore_mem>>) src(%dma_wait3A_78 : memref<10000x128xf32, #tpu.memory_space<hbm>>) dst(%arg12 : memref<128x128xf32, #tpu.memory_space<vmem>>)
        %ge3A = arith.constant 1 : i32
        %ge3A_79 = arith.cmpi sge, %add3A_75, %ge3A : i32
        %convert_element_type3A_80 = arith.extui %ge3A_79 : i1 to i32
        %cond3A_81 = arith.constant 0 : i32
        %cond3A_82 = arith.cmpi ne, %convert_element_type3A_80, %cond3A_81 : i32
        scf.if %cond3A_82 {
          %dma_wait3A_246 = arith.constant 0 : i32
          %dma_wait3A_247 = arith.constant 0 : i32
          %dma_wait3A_248 = tpu.memref_slice %arg11[%dma_wait3A_246, %dma_wait3A_247] : memref<10112x128xf32, #tpu.memory_space<vmem_shared>> -> memref<10112x128xf32, #tpu.memory_space<vmem_shared>>
          tpu.wait_indirect_dma semaphore(%arg32 : memref<!tpu.dma_semaphore, #tpu.memory_space<semaphore_mem>>) src(%arg14 : memref<128x128xf32, #tpu.memory_space<vmem>>) dst(%dma_wait3A_248 : memref<10112x128xf32, #tpu.memory_space<vmem_shared>>)
        } else {
        }
        %add3A_83 = arith.constant 2 : i32
        %add3A_84 = arith.addi %add3A_75, %add3A_83 : i32
        %lt3A_85 = arith.constant 156 : i32
        %lt3A_86 = arith.cmpi slt, %add3A_84, %lt3A_85 : i32
        %convert_element_type3A_87 = arith.extui %lt3A_86 : i1 to i32
        %cond3A_88 = arith.constant 0 : i32
        %cond3A_89 = arith.cmpi ne, %convert_element_type3A_87, %cond3A_88 : i32
        scf.if %cond3A_89 {
          %dma_wait3A_246 = arith.constant 0 : i32
          %dma_wait3A_247 = tpu.memref_slice %arg4[%dma_wait3A_246] : memref<320000xi32, #tpu.memory_space<hbm>> -> memref<128xi32, #tpu.memory_space<hbm>>
          %dma_wait3A_248 = arith.constant 0 : i32
          %dma_wait3A_249 = tpu.memref_slice %arg4[%dma_wait3A_248] : memref<320000xi32, #tpu.memory_space<hbm>> -> memref<128xi32, #tpu.memory_space<hbm>>
          tpu.wait_dma2 semaphore(%arg26 : memref<!tpu.dma_semaphore, #tpu.memory_space<semaphore_mem>>) src(%dma_wait3A_249 : memref<128xi32, #tpu.memory_space<hbm>>) dst(%arg17 : memref<128xi32, #tpu.memory_space<vmem>>)
          %dma_start3A_250 = arith.constant 0 : i32
          %dma_start3A_251 = arith.constant 0 : i32
          %dma_start3A_252 = tpu.memref_slice %arg2[%dma_start3A_250, %dma_start3A_251] : memref<10000x128xf32, #tpu.memory_space<hbm>> -> memref<10000x128xf32, #tpu.memory_space<hbm>>
          tpu.enqueue_indirect_dma source(%dma_start3A_252 : memref<10000x128xf32, #tpu.memory_space<hbm>>) target(%arg14 : memref<128x128xf32, #tpu.memory_space<vmem>>) offsets(%arg17 : memref<128xi32, #tpu.memory_space<vmem>>) semaphore(%arg23 : memref<!tpu.dma_semaphore, #tpu.memory_space<semaphore_mem>>)
        } else {
        }
        %add3A_90 = arith.constant 3 : i32
        %add3A_91 = arith.addi %add3A_75, %add3A_90 : i32
        %lt3A_92 = arith.constant 156 : i32
        %lt3A_93 = arith.cmpi slt, %add3A_91, %lt3A_92 : i32
        %convert_element_type3A_94 = arith.extui %lt3A_93 : i1 to i32
        %cond3A_95 = arith.constant 0 : i32
        %cond3A_96 = arith.cmpi ne, %convert_element_type3A_94, %cond3A_95 : i32
        scf.if %cond3A_96 {
          %add3A_246 = arith.constant 3 : i32
          %add3A_247 = arith.addi %add3A_75, %add3A_246 : i32
          %mul3A_248 = arith.constant 128 : i32
          %mul3A_249 = arith.muli %add3A_247, %mul3A_248 : i32
          %add3A_250 = arith.addi %mul3A_22, %mul3A_249 : i32
          %dma_start3A_251 = tpu.memref_slice %arg4[%add3A_250] : memref<320000xi32, #tpu.memory_space<hbm>> -> memref<128xi32, #tpu.memory_space<hbm>>
          %dma_start3A_252 = tpu.memref_slice %arg4[%add3A_250] : memref<320000xi32, #tpu.memory_space<hbm>> -> memref<128xi32, #tpu.memory_space<hbm>>
          tpu.enqueue_dma source(%dma_start3A_252 : memref<128xi32, #tpu.memory_space<hbm>>) target(%arg15 : memref<128xi32, #tpu.memory_space<vmem>>) target_semaphore(%arg24 : memref<!tpu.dma_semaphore, #tpu.memory_space<semaphore_mem>>)
        } else {
        }
        %add3A_97 = arith.constant 2 : i32
        %add3A_98 = arith.addi %add3A_75, %add3A_97 : i32
        %lt3A_99 = arith.constant 156 : i32
        %lt3A_100 = arith.cmpi slt, %add3A_98, %lt3A_99 : i32
        %convert_element_type3A_101 = arith.extui %lt3A_100 : i1 to i32
        %cond3A_102 = arith.constant 0 : i32
        %cond3A_103 = arith.cmpi ne, %convert_element_type3A_101, %cond3A_102 : i32
        scf.if %cond3A_103 {
          %add3A_246 = arith.constant 2 : i32
          %add3A_247 = arith.addi %add3A_75, %add3A_246 : i32
          %mul3A_248 = arith.constant 128 : i32
          %mul3A_249 = arith.muli %add3A_247, %mul3A_248 : i32
          %add3A_250 = arith.addi %mul3A_22, %mul3A_249 : i32
          %dma_start3A_251 = tpu.memref_slice %arg5[%add3A_250] : memref<320000xi32, #tpu.memory_space<hbm>> -> memref<128xi32, #tpu.memory_space<hbm>>
          %dma_start3A_252 = tpu.memref_slice %arg5[%add3A_250] : memref<320000xi32, #tpu.memory_space<hbm>> -> memref<128xi32, #tpu.memory_space<hbm>>
          tpu.enqueue_dma source(%dma_start3A_252 : memref<128xi32, #tpu.memory_space<hbm>>) target(%arg20 : memref<128xi32, #tpu.memory_space<vmem>>) target_semaphore(%arg29 : memref<!tpu.dma_semaphore, #tpu.memory_space<semaphore_mem>>)
        } else {
        }
        %dma_wait3A_104 = arith.constant 0 : i32
        %dma_wait3A_105 = tpu.memref_slice %arg4[%dma_wait3A_104] : memref<320000xi32, #tpu.memory_space<hbm>> -> memref<128xi32, #tpu.memory_space<hbm>>
        %dma_wait3A_106 = arith.constant 0 : i32
        %dma_wait3A_107 = tpu.memref_slice %arg4[%dma_wait3A_106] : memref<320000xi32, #tpu.memory_space<hbm>> -> memref<128xi32, #tpu.memory_space<hbm>>
        tpu.wait_dma2 semaphore(%arg27 : memref<!tpu.dma_semaphore, #tpu.memory_space<semaphore_mem>>) src(%dma_wait3A_107 : memref<128xi32, #tpu.memory_space<hbm>>) dst(%arg18 : memref<128xi32, #tpu.memory_space<vmem>>)
        %dma_start3A_108 = arith.constant 0 : i32
        %dma_start3A_109 = arith.constant 0 : i32
        %dma_start3A_110 = tpu.memref_slice %arg11[%dma_start3A_108, %dma_start3A_109] : memref<10112x128xf32, #tpu.memory_space<vmem_shared>> -> memref<10112x128xf32, #tpu.memory_space<vmem_shared>>
        tpu.enqueue_indirect_dma source(%arg12 : memref<128x128xf32, #tpu.memory_space<vmem>>) target(%dma_start3A_110 : memref<10112x128xf32, #tpu.memory_space<vmem_shared>>) offsets(%arg18 : memref<128xi32, #tpu.memory_space<vmem>>) semaphore(%arg30 : memref<!tpu.dma_semaphore, #tpu.memory_space<semaphore_mem>>) {add = true}
        %add3A_111 = arith.constant 2496 : i32
        %add3A_112 = arith.addi %add3A_111, %arg1 : i32
        %mul3A_113 = arith.constant 128 : i32
        %mul3A_114 = arith.muli %add3A_112, %mul3A_113 : i32
        %eq3A_115 = arith.constant 154 : i32
        %eq3A_116 = arith.cmpi eq, %add3A_75, %eq3A_115 : i32
        %lt3A_117 = arith.constant 4 : i32
        %lt3A_118 = arith.cmpi slt, %arg1, %lt3A_117 : i32
        %and3A = arith.andi %eq3A_116, %lt3A_118 : i1
        %convert_element_type3A_119 = arith.extui %and3A : i1 to i32
        %cond3A_120 = arith.constant 0 : i32
        %cond3A_121 = arith.cmpi ne, %convert_element_type3A_119, %cond3A_120 : i32
        scf.if %cond3A_121 {
          %dma_start3A_246 = tpu.memref_slice %arg4[%mul3A_114] : memref<320000xi32, #tpu.memory_space<hbm>> -> memref<128xi32, #tpu.memory_space<hbm>>
          %dma_start3A_247 = tpu.memref_slice %arg4[%mul3A_114] : memref<320000xi32, #tpu.memory_space<hbm>> -> memref<128xi32, #tpu.memory_space<hbm>>
          tpu.enqueue_dma source(%dma_start3A_247 : memref<128xi32, #tpu.memory_space<hbm>>) target(%arg15 : memref<128xi32, #tpu.memory_space<vmem>>) target_semaphore(%arg24 : memref<!tpu.dma_semaphore, #tpu.memory_space<semaphore_mem>>)
          %dma_start3A_248 = tpu.memref_slice %arg5[%mul3A_114] : memref<320000xi32, #tpu.memory_space<hbm>> -> memref<128xi32, #tpu.memory_space<hbm>>
          %dma_start3A_249 = tpu.memref_slice %arg5[%mul3A_114] : memref<320000xi32, #tpu.memory_space<hbm>> -> memref<128xi32, #tpu.memory_space<hbm>>
          tpu.enqueue_dma source(%dma_start3A_249 : memref<128xi32, #tpu.memory_space<hbm>>) target(%arg18 : memref<128xi32, #tpu.memory_space<vmem>>) target_semaphore(%arg27 : memref<!tpu.dma_semaphore, #tpu.memory_space<semaphore_mem>>)
        } else {
        }
        %eq3A_122 = arith.constant 155 : i32
        %eq3A_123 = arith.cmpi eq, %add3A_75, %eq3A_122 : i32
        %lt3A_124 = arith.constant 4 : i32
        %lt3A_125 = arith.cmpi slt, %arg1, %lt3A_124 : i32
        %and3A_126 = arith.andi %eq3A_123, %lt3A_125 : i1
        %convert_element_type3A_127 = arith.extui %and3A_126 : i1 to i32
        %cond3A_128 = arith.constant 0 : i32
        %cond3A_129 = arith.cmpi ne, %convert_element_type3A_127, %cond3A_128 : i32
        scf.if %cond3A_129 {
          %dma_wait3A_246 = arith.constant 0 : i32
          %dma_wait3A_247 = tpu.memref_slice %arg4[%dma_wait3A_246] : memref<320000xi32, #tpu.memory_space<hbm>> -> memref<128xi32, #tpu.memory_space<hbm>>
          %dma_wait3A_248 = arith.constant 0 : i32
          %dma_wait3A_249 = tpu.memref_slice %arg4[%dma_wait3A_248] : memref<320000xi32, #tpu.memory_space<hbm>> -> memref<128xi32, #tpu.memory_space<hbm>>
          tpu.wait_dma2 semaphore(%arg24 : memref<!tpu.dma_semaphore, #tpu.memory_space<semaphore_mem>>) src(%dma_wait3A_249 : memref<128xi32, #tpu.memory_space<hbm>>) dst(%arg15 : memref<128xi32, #tpu.memory_space<vmem>>)
          %dma_start3A_250 = arith.constant 0 : i32
          %dma_start3A_251 = arith.constant 0 : i32
          %dma_start3A_252 = tpu.memref_slice %arg2[%dma_start3A_250, %dma_start3A_251] : memref<10000x128xf32, #tpu.memory_space<hbm>> -> memref<10000x128xf32, #tpu.memory_space<hbm>>
          tpu.enqueue_indirect_dma source(%dma_start3A_252 : memref<10000x128xf32, #tpu.memory_space<hbm>>) target(%arg12 : memref<128x128xf32, #tpu.memory_space<vmem>>) offsets(%arg15 : memref<128xi32, #tpu.memory_space<vmem>>) semaphore(%arg21 : memref<!tpu.dma_semaphore, #tpu.memory_space<semaphore_mem>>)
        } else {
        }
        %add3A_130 = arith.constant 1 : i32
        %add3A_131 = arith.addi %mul3A_73, %add3A_130 : i32
        %dma_wait3A_132 = arith.constant 0 : i32
        %dma_wait3A_133 = arith.constant 0 : i32
        %dma_wait3A_134 = tpu.memref_slice %arg2[%dma_wait3A_132, %dma_wait3A_133] : memref<10000x128xf32, #tpu.memory_space<hbm>> -> memref<10000x128xf32, #tpu.memory_space<hbm>>
        tpu.wait_indirect_dma semaphore(%arg22 : memref<!tpu.dma_semaphore, #tpu.memory_space<semaphore_mem>>) src(%dma_wait3A_134 : memref<10000x128xf32, #tpu.memory_space<hbm>>) dst(%arg13 : memref<128x128xf32, #tpu.memory_space<vmem>>)
        %ge3A_135 = arith.constant 1 : i32
        %ge3A_136 = arith.cmpi sge, %add3A_131, %ge3A_135 : i32
        %convert_element_type3A_137 = arith.extui %ge3A_136 : i1 to i32
        %cond3A_138 = arith.constant 0 : i32
        %cond3A_139 = arith.cmpi ne, %convert_element_type3A_137, %cond3A_138 : i32
        scf.if %cond3A_139 {
          %dma_wait3A_246 = arith.constant 0 : i32
          %dma_wait3A_247 = arith.constant 0 : i32
          %dma_wait3A_248 = tpu.memref_slice %arg11[%dma_wait3A_246, %dma_wait3A_247] : memref<10112x128xf32, #tpu.memory_space<vmem_shared>> -> memref<10112x128xf32, #tpu.memory_space<vmem_shared>>
          tpu.wait_indirect_dma semaphore(%arg30 : memref<!tpu.dma_semaphore, #tpu.memory_space<semaphore_mem>>) src(%arg12 : memref<128x128xf32, #tpu.memory_space<vmem>>) dst(%dma_wait3A_248 : memref<10112x128xf32, #tpu.memory_space<vmem_shared>>)
        } else {
        }
        %add3A_140 = arith.constant 2 : i32
        %add3A_141 = arith.addi %add3A_131, %add3A_140 : i32
        %lt3A_142 = arith.constant 156 : i32
        %lt3A_143 = arith.cmpi slt, %add3A_141, %lt3A_142 : i32
        %convert_element_type3A_144 = arith.extui %lt3A_143 : i1 to i32
        %cond3A_145 = arith.constant 0 : i32
        %cond3A_146 = arith.cmpi ne, %convert_element_type3A_144, %cond3A_145 : i32
        scf.if %cond3A_146 {
          %dma_wait3A_246 = arith.constant 0 : i32
          %dma_wait3A_247 = tpu.memref_slice %arg4[%dma_wait3A_246] : memref<320000xi32, #tpu.memory_space<hbm>> -> memref<128xi32, #tpu.memory_space<hbm>>
          %dma_wait3A_248 = arith.constant 0 : i32
          %dma_wait3A_249 = tpu.memref_slice %arg4[%dma_wait3A_248] : memref<320000xi32, #tpu.memory_space<hbm>> -> memref<128xi32, #tpu.memory_space<hbm>>
          tpu.wait_dma2 semaphore(%arg24 : memref<!tpu.dma_semaphore, #tpu.memory_space<semaphore_mem>>) src(%dma_wait3A_249 : memref<128xi32, #tpu.memory_space<hbm>>) dst(%arg15 : memref<128xi32, #tpu.memory_space<vmem>>)
          %dma_start3A_250 = arith.constant 0 : i32
          %dma_start3A_251 = arith.constant 0 : i32
          %dma_start3A_252 = tpu.memref_slice %arg2[%dma_start3A_250, %dma_start3A_251] : memref<10000x128xf32, #tpu.memory_space<hbm>> -> memref<10000x128xf32, #tpu.memory_space<hbm>>
          tpu.enqueue_indirect_dma source(%dma_start3A_252 : memref<10000x128xf32, #tpu.memory_space<hbm>>) target(%arg12 : memref<128x128xf32, #tpu.memory_space<vmem>>) offsets(%arg15 : memref<128xi32, #tpu.memory_space<vmem>>) semaphore(%arg21 : memref<!tpu.dma_semaphore, #tpu.memory_space<semaphore_mem>>)
        } else {
        }
        %add3A_147 = arith.constant 3 : i32
        %add3A_148 = arith.addi %add3A_131, %add3A_147 : i32
        %lt3A_149 = arith.constant 156 : i32
        %lt3A_150 = arith.cmpi slt, %add3A_148, %lt3A_149 : i32
        %convert_element_type3A_151 = arith.extui %lt3A_150 : i1 to i32
        %cond3A_152 = arith.constant 0 : i32
        %cond3A_153 = arith.cmpi ne, %convert_element_type3A_151, %cond3A_152 : i32
        scf.if %cond3A_153 {
          %add3A_246 = arith.constant 3 : i32
          %add3A_247 = arith.addi %add3A_131, %add3A_246 : i32
          %mul3A_248 = arith.constant 128 : i32
          %mul3A_249 = arith.muli %add3A_247, %mul3A_248 : i32
          %add3A_250 = arith.addi %mul3A_22, %mul3A_249 : i32
          %dma_start3A_251 = tpu.memref_slice %arg4[%add3A_250] : memref<320000xi32, #tpu.memory_space<hbm>> -> memref<128xi32, #tpu.memory_space<hbm>>
          %dma_start3A_252 = tpu.memref_slice %arg4[%add3A_250] : memref<320000xi32, #tpu.memory_space<hbm>> -> memref<128xi32, #tpu.memory_space<hbm>>
          tpu.enqueue_dma source(%dma_start3A_252 : memref<128xi32, #tpu.memory_space<hbm>>) target(%arg16 : memref<128xi32, #tpu.memory_space<vmem>>) target_semaphore(%arg25 : memref<!tpu.dma_semaphore, #tpu.memory_space<semaphore_mem>>)
        } else {
        }
        %add3A_154 = arith.constant 2 : i32
        %add3A_155 = arith.addi %add3A_131, %add3A_154 : i32
        %lt3A_156 = arith.constant 156 : i32
        %lt3A_157 = arith.cmpi slt, %add3A_155, %lt3A_156 : i32
        %convert_element_type3A_158 = arith.extui %lt3A_157 : i1 to i32
        %cond3A_159 = arith.constant 0 : i32
        %cond3A_160 = arith.cmpi ne, %convert_element_type3A_158, %cond3A_159 : i32
        scf.if %cond3A_160 {
          %add3A_246 = arith.constant 2 : i32
          %add3A_247 = arith.addi %add3A_131, %add3A_246 : i32
          %mul3A_248 = arith.constant 128 : i32
          %mul3A_249 = arith.muli %add3A_247, %mul3A_248 : i32
          %add3A_250 = arith.addi %mul3A_22, %mul3A_249 : i32
          %dma_start3A_251 = tpu.memref_slice %arg5[%add3A_250] : memref<320000xi32, #tpu.memory_space<hbm>> -> memref<128xi32, #tpu.memory_space<hbm>>
          %dma_start3A_252 = tpu.memref_slice %arg5[%add3A_250] : memref<320000xi32, #tpu.memory_space<hbm>> -> memref<128xi32, #tpu.memory_space<hbm>>
          tpu.enqueue_dma source(%dma_start3A_252 : memref<128xi32, #tpu.memory_space<hbm>>) target(%arg18 : memref<128xi32, #tpu.memory_space<vmem>>) target_semaphore(%arg27 : memref<!tpu.dma_semaphore, #tpu.memory_space<semaphore_mem>>)
        } else {
        }
        %dma_wait3A_161 = arith.constant 0 : i32
        %dma_wait3A_162 = tpu.memref_slice %arg4[%dma_wait3A_161] : memref<320000xi32, #tpu.memory_space<hbm>> -> memref<128xi32, #tpu.memory_space<hbm>>
        %dma_wait3A_163 = arith.constant 0 : i32
        %dma_wait3A_164 = tpu.memref_slice %arg4[%dma_wait3A_163] : memref<320000xi32, #tpu.memory_space<hbm>> -> memref<128xi32, #tpu.memory_space<hbm>>
        tpu.wait_dma2 semaphore(%arg28 : memref<!tpu.dma_semaphore, #tpu.memory_space<semaphore_mem>>) src(%dma_wait3A_164 : memref<128xi32, #tpu.memory_space<hbm>>) dst(%arg19 : memref<128xi32, #tpu.memory_space<vmem>>)
        %dma_start3A_165 = arith.constant 0 : i32
        %dma_start3A_166 = arith.constant 0 : i32
        %dma_start3A_167 = tpu.memref_slice %arg11[%dma_start3A_165, %dma_start3A_166] : memref<10112x128xf32, #tpu.memory_space<vmem_shared>> -> memref<10112x128xf32, #tpu.memory_space<vmem_shared>>
        tpu.enqueue_indirect_dma source(%arg13 : memref<128x128xf32, #tpu.memory_space<vmem>>) target(%dma_start3A_167 : memref<10112x128xf32, #tpu.memory_space<vmem_shared>>) offsets(%arg19 : memref<128xi32, #tpu.memory_space<vmem>>) semaphore(%arg31 : memref<!tpu.dma_semaphore, #tpu.memory_space<semaphore_mem>>) {add = true}
        %add3A_168 = arith.constant 2496 : i32
        %add3A_169 = arith.addi %add3A_168, %arg1 : i32
        %mul3A_170 = arith.constant 128 : i32
        %mul3A_171 = arith.muli %add3A_169, %mul3A_170 : i32
        %eq3A_172 = arith.constant 154 : i32
        %eq3A_173 = arith.cmpi eq, %add3A_131, %eq3A_172 : i32
        %lt3A_174 = arith.constant 4 : i32
        %lt3A_175 = arith.cmpi slt, %arg1, %lt3A_174 : i32
        %and3A_176 = arith.andi %eq3A_173, %lt3A_175 : i1
        %convert_element_type3A_177 = arith.extui %and3A_176 : i1 to i32
        %cond3A_178 = arith.constant 0 : i32
        %cond3A_179 = arith.cmpi ne, %convert_element_type3A_177, %cond3A_178 : i32
        scf.if %cond3A_179 {
          %dma_start3A_246 = tpu.memref_slice %arg4[%mul3A_171] : memref<320000xi32, #tpu.memory_space<hbm>> -> memref<128xi32, #tpu.memory_space<hbm>>
          %dma_start3A_247 = tpu.memref_slice %arg4[%mul3A_171] : memref<320000xi32, #tpu.memory_space<hbm>> -> memref<128xi32, #tpu.memory_space<hbm>>
          tpu.enqueue_dma source(%dma_start3A_247 : memref<128xi32, #tpu.memory_space<hbm>>) target(%arg15 : memref<128xi32, #tpu.memory_space<vmem>>) target_semaphore(%arg24 : memref<!tpu.dma_semaphore, #tpu.memory_space<semaphore_mem>>)
          %dma_start3A_248 = tpu.memref_slice %arg5[%mul3A_171] : memref<320000xi32, #tpu.memory_space<hbm>> -> memref<128xi32, #tpu.memory_space<hbm>>
          %dma_start3A_249 = tpu.memref_slice %arg5[%mul3A_171] : memref<320000xi32, #tpu.memory_space<hbm>> -> memref<128xi32, #tpu.memory_space<hbm>>
          tpu.enqueue_dma source(%dma_start3A_249 : memref<128xi32, #tpu.memory_space<hbm>>) target(%arg18 : memref<128xi32, #tpu.memory_space<vmem>>) target_semaphore(%arg27 : memref<!tpu.dma_semaphore, #tpu.memory_space<semaphore_mem>>)
        } else {
        }
        %eq3A_180 = arith.constant 155 : i32
        %eq3A_181 = arith.cmpi eq, %add3A_131, %eq3A_180 : i32
        %lt3A_182 = arith.constant 4 : i32
        %lt3A_183 = arith.cmpi slt, %arg1, %lt3A_182 : i32
        %and3A_184 = arith.andi %eq3A_181, %lt3A_183 : i1
        %convert_element_type3A_185 = arith.extui %and3A_184 : i1 to i32
        %cond3A_186 = arith.constant 0 : i32
        %cond3A_187 = arith.cmpi ne, %convert_element_type3A_185, %cond3A_186 : i32
        scf.if %cond3A_187 {
          %dma_wait3A_246 = arith.constant 0 : i32
          %dma_wait3A_247 = tpu.memref_slice %arg4[%dma_wait3A_246] : memref<320000xi32, #tpu.memory_space<hbm>> -> memref<128xi32, #tpu.memory_space<hbm>>
          %dma_wait3A_248 = arith.constant 0 : i32
          %dma_wait3A_249 = tpu.memref_slice %arg4[%dma_wait3A_248] : memref<320000xi32, #tpu.memory_space<hbm>> -> memref<128xi32, #tpu.memory_space<hbm>>
          tpu.wait_dma2 semaphore(%arg24 : memref<!tpu.dma_semaphore, #tpu.memory_space<semaphore_mem>>) src(%dma_wait3A_249 : memref<128xi32, #tpu.memory_space<hbm>>) dst(%arg15 : memref<128xi32, #tpu.memory_space<vmem>>)
          %dma_start3A_250 = arith.constant 0 : i32
          %dma_start3A_251 = arith.constant 0 : i32
          %dma_start3A_252 = tpu.memref_slice %arg2[%dma_start3A_250, %dma_start3A_251] : memref<10000x128xf32, #tpu.memory_space<hbm>> -> memref<10000x128xf32, #tpu.memory_space<hbm>>
          tpu.enqueue_indirect_dma source(%dma_start3A_252 : memref<10000x128xf32, #tpu.memory_space<hbm>>) target(%arg12 : memref<128x128xf32, #tpu.memory_space<vmem>>) offsets(%arg15 : memref<128xi32, #tpu.memory_space<vmem>>) semaphore(%arg21 : memref<!tpu.dma_semaphore, #tpu.memory_space<semaphore_mem>>)
        } else {
        }
        %add3A_188 = arith.constant 2 : i32
        %add3A_189 = arith.addi %mul3A_73, %add3A_188 : i32
        %dma_wait3A_190 = arith.constant 0 : i32
        %dma_wait3A_191 = arith.constant 0 : i32
        %dma_wait3A_192 = tpu.memref_slice %arg2[%dma_wait3A_190, %dma_wait3A_191] : memref<10000x128xf32, #tpu.memory_space<hbm>> -> memref<10000x128xf32, #tpu.memory_space<hbm>>
        tpu.wait_indirect_dma semaphore(%arg23 : memref<!tpu.dma_semaphore, #tpu.memory_space<semaphore_mem>>) src(%dma_wait3A_192 : memref<10000x128xf32, #tpu.memory_space<hbm>>) dst(%arg14 : memref<128x128xf32, #tpu.memory_space<vmem>>)
        %ge3A_193 = arith.constant 1 : i32
        %ge3A_194 = arith.cmpi sge, %add3A_189, %ge3A_193 : i32
        %convert_element_type3A_195 = arith.extui %ge3A_194 : i1 to i32
        %cond3A_196 = arith.constant 0 : i32
        %cond3A_197 = arith.cmpi ne, %convert_element_type3A_195, %cond3A_196 : i32
        scf.if %cond3A_197 {
          %dma_wait3A_246 = arith.constant 0 : i32
          %dma_wait3A_247 = arith.constant 0 : i32
          %dma_wait3A_248 = tpu.memref_slice %arg11[%dma_wait3A_246, %dma_wait3A_247] : memref<10112x128xf32, #tpu.memory_space<vmem_shared>> -> memref<10112x128xf32, #tpu.memory_space<vmem_shared>>
          tpu.wait_indirect_dma semaphore(%arg31 : memref<!tpu.dma_semaphore, #tpu.memory_space<semaphore_mem>>) src(%arg13 : memref<128x128xf32, #tpu.memory_space<vmem>>) dst(%dma_wait3A_248 : memref<10112x128xf32, #tpu.memory_space<vmem_shared>>)
        } else {
        }
        %add3A_198 = arith.constant 2 : i32
        %add3A_199 = arith.addi %add3A_189, %add3A_198 : i32
        %lt3A_200 = arith.constant 156 : i32
        %lt3A_201 = arith.cmpi slt, %add3A_199, %lt3A_200 : i32
        %convert_element_type3A_202 = arith.extui %lt3A_201 : i1 to i32
        %cond3A_203 = arith.constant 0 : i32
        %cond3A_204 = arith.cmpi ne, %convert_element_type3A_202, %cond3A_203 : i32
        scf.if %cond3A_204 {
          %dma_wait3A_246 = arith.constant 0 : i32
          %dma_wait3A_247 = tpu.memref_slice %arg4[%dma_wait3A_246] : memref<320000xi32, #tpu.memory_space<hbm>> -> memref<128xi32, #tpu.memory_space<hbm>>
          %dma_wait3A_248 = arith.constant 0 : i32
          %dma_wait3A_249 = tpu.memref_slice %arg4[%dma_wait3A_248] : memref<320000xi32, #tpu.memory_space<hbm>> -> memref<128xi32, #tpu.memory_space<hbm>>
          tpu.wait_dma2 semaphore(%arg25 : memref<!tpu.dma_semaphore, #tpu.memory_space<semaphore_mem>>) src(%dma_wait3A_249 : memref<128xi32, #tpu.memory_space<hbm>>) dst(%arg16 : memref<128xi32, #tpu.memory_space<vmem>>)
          %dma_start3A_250 = arith.constant 0 : i32
          %dma_start3A_251 = arith.constant 0 : i32
          %dma_start3A_252 = tpu.memref_slice %arg2[%dma_start3A_250, %dma_start3A_251] : memref<10000x128xf32, #tpu.memory_space<hbm>> -> memref<10000x128xf32, #tpu.memory_space<hbm>>
          tpu.enqueue_indirect_dma source(%dma_start3A_252 : memref<10000x128xf32, #tpu.memory_space<hbm>>) target(%arg13 : memref<128x128xf32, #tpu.memory_space<vmem>>) offsets(%arg16 : memref<128xi32, #tpu.memory_space<vmem>>) semaphore(%arg22 : memref<!tpu.dma_semaphore, #tpu.memory_space<semaphore_mem>>)
        } else {
        }
        %add3A_205 = arith.constant 3 : i32
        %add3A_206 = arith.addi %add3A_189, %add3A_205 : i32
        %lt3A_207 = arith.constant 156 : i32
        %lt3A_208 = arith.cmpi slt, %add3A_206, %lt3A_207 : i32
        %convert_element_type3A_209 = arith.extui %lt3A_208 : i1 to i32
        %cond3A_210 = arith.constant 0 : i32
        %cond3A_211 = arith.cmpi ne, %convert_element_type3A_209, %cond3A_210 : i32
        scf.if %cond3A_211 {
          %add3A_246 = arith.constant 3 : i32
          %add3A_247 = arith.addi %add3A_189, %add3A_246 : i32
          %mul3A_248 = arith.constant 128 : i32
          %mul3A_249 = arith.muli %add3A_247, %mul3A_248 : i32
          %add3A_250 = arith.addi %mul3A_22, %mul3A_249 : i32
          %dma_start3A_251 = tpu.memref_slice %arg4[%add3A_250] : memref<320000xi32, #tpu.memory_space<hbm>> -> memref<128xi32, #tpu.memory_space<hbm>>
          %dma_start3A_252 = tpu.memref_slice %arg4[%add3A_250] : memref<320000xi32, #tpu.memory_space<hbm>> -> memref<128xi32, #tpu.memory_space<hbm>>
          tpu.enqueue_dma source(%dma_start3A_252 : memref<128xi32, #tpu.memory_space<hbm>>) target(%arg17 : memref<128xi32, #tpu.memory_space<vmem>>) target_semaphore(%arg26 : memref<!tpu.dma_semaphore, #tpu.memory_space<semaphore_mem>>)
        } else {
        }
        %add3A_212 = arith.constant 2 : i32
        %add3A_213 = arith.addi %add3A_189, %add3A_212 : i32
        %lt3A_214 = arith.constant 156 : i32
        %lt3A_215 = arith.cmpi slt, %add3A_213, %lt3A_214 : i32
        %convert_element_type3A_216 = arith.extui %lt3A_215 : i1 to i32
        %cond3A_217 = arith.constant 0 : i32
        %cond3A_218 = arith.cmpi ne, %convert_element_type3A_216, %cond3A_217 : i32
        scf.if %cond3A_218 {
          %add3A_246 = arith.constant 2 : i32
          %add3A_247 = arith.addi %add3A_189, %add3A_246 : i32
          %mul3A_248 = arith.constant 128 : i32
          %mul3A_249 = arith.muli %add3A_247, %mul3A_248 : i32
          %add3A_250 = arith.addi %mul3A_22, %mul3A_249 : i32
          %dma_start3A_251 = tpu.memref_slice %arg5[%add3A_250] : memref<320000xi32, #tpu.memory_space<hbm>> -> memref<128xi32, #tpu.memory_space<hbm>>
          %dma_start3A_252 = tpu.memref_slice %arg5[%add3A_250] : memref<320000xi32, #tpu.memory_space<hbm>> -> memref<128xi32, #tpu.memory_space<hbm>>
          tpu.enqueue_dma source(%dma_start3A_252 : memref<128xi32, #tpu.memory_space<hbm>>) target(%arg19 : memref<128xi32, #tpu.memory_space<vmem>>) target_semaphore(%arg28 : memref<!tpu.dma_semaphore, #tpu.memory_space<semaphore_mem>>)
        } else {
        }
        %dma_wait3A_219 = arith.constant 0 : i32
        %dma_wait3A_220 = tpu.memref_slice %arg4[%dma_wait3A_219] : memref<320000xi32, #tpu.memory_space<hbm>> -> memref<128xi32, #tpu.memory_space<hbm>>
        %dma_wait3A_221 = arith.constant 0 : i32
        %dma_wait3A_222 = tpu.memref_slice %arg4[%dma_wait3A_221] : memref<320000xi32, #tpu.memory_space<hbm>> -> memref<128xi32, #tpu.memory_space<hbm>>
        tpu.wait_dma2 semaphore(%arg29 : memref<!tpu.dma_semaphore, #tpu.memory_space<semaphore_mem>>) src(%dma_wait3A_222 : memref<128xi32, #tpu.memory_space<hbm>>) dst(%arg20 : memref<128xi32, #tpu.memory_space<vmem>>)
        %dma_start3A_223 = arith.constant 0 : i32
        %dma_start3A_224 = arith.constant 0 : i32
        %dma_start3A_225 = tpu.memref_slice %arg11[%dma_start3A_223, %dma_start3A_224] : memref<10112x128xf32, #tpu.memory_space<vmem_shared>> -> memref<10112x128xf32, #tpu.memory_space<vmem_shared>>
        tpu.enqueue_indirect_dma source(%arg14 : memref<128x128xf32, #tpu.memory_space<vmem>>) target(%dma_start3A_225 : memref<10112x128xf32, #tpu.memory_space<vmem_shared>>) offsets(%arg20 : memref<128xi32, #tpu.memory_space<vmem>>) semaphore(%arg32 : memref<!tpu.dma_semaphore, #tpu.memory_space<semaphore_mem>>) {add = true}
        %add3A_226 = arith.constant 2496 : i32
        %add3A_227 = arith.addi %add3A_226, %arg1 : i32
        %mul3A_228 = arith.constant 128 : i32
        %mul3A_229 = arith.muli %add3A_227, %mul3A_228 : i32
        %eq3A_230 = arith.constant 154 : i32
        %eq3A_231 = arith.cmpi eq, %add3A_189, %eq3A_230 : i32
        %lt3A_232 = arith.constant 4 : i32
        %lt3A_233 = arith.cmpi slt, %arg1, %lt3A_232 : i32
        %and3A_234 = arith.andi %eq3A_231, %lt3A_233 : i1
        %convert_element_type3A_235 = arith.extui %and3A_234 : i1 to i32
        %cond3A_236 = arith.constant 0 : i32
        %cond3A_237 = arith.cmpi ne, %convert_element_type3A_235, %cond3A_236 : i32
        scf.if %cond3A_237 {
          %dma_start3A_246 = tpu.memref_slice %arg4[%mul3A_229] : memref<320000xi32, #tpu.memory_space<hbm>> -> memref<128xi32, #tpu.memory_space<hbm>>
          %dma_start3A_247 = tpu.memref_slice %arg4[%mul3A_229] : memref<320000xi32, #tpu.memory_space<hbm>> -> memref<128xi32, #tpu.memory_space<hbm>>
          tpu.enqueue_dma source(%dma_start3A_247 : memref<128xi32, #tpu.memory_space<hbm>>) target(%arg15 : memref<128xi32, #tpu.memory_space<vmem>>) target_semaphore(%arg24 : memref<!tpu.dma_semaphore, #tpu.memory_space<semaphore_mem>>)
          %dma_start3A_248 = tpu.memref_slice %arg5[%mul3A_229] : memref<320000xi32, #tpu.memory_space<hbm>> -> memref<128xi32, #tpu.memory_space<hbm>>
          %dma_start3A_249 = tpu.memref_slice %arg5[%mul3A_229] : memref<320000xi32, #tpu.memory_space<hbm>> -> memref<128xi32, #tpu.memory_space<hbm>>
          tpu.enqueue_dma source(%dma_start3A_249 : memref<128xi32, #tpu.memory_space<hbm>>) target(%arg18 : memref<128xi32, #tpu.memory_space<vmem>>) target_semaphore(%arg27 : memref<!tpu.dma_semaphore, #tpu.memory_space<semaphore_mem>>)
        } else {
        }
        %eq3A_238 = arith.constant 155 : i32
        %eq3A_239 = arith.cmpi eq, %add3A_189, %eq3A_238 : i32
        %lt3A_240 = arith.constant 4 : i32
        %lt3A_241 = arith.cmpi slt, %arg1, %lt3A_240 : i32
        %and3A_242 = arith.andi %eq3A_239, %lt3A_241 : i1
        %convert_element_type3A_243 = arith.extui %and3A_242 : i1 to i32
        %cond3A_244 = arith.constant 0 : i32
        %cond3A_245 = arith.cmpi ne, %convert_element_type3A_243, %cond3A_244 : i32
        scf.if %cond3A_245 {
          %dma_wait3A_246 = arith.constant 0 : i32
          %dma_wait3A_247 = tpu.memref_slice %arg4[%dma_wait3A_246] : memref<320000xi32, #tpu.memory_space<hbm>> -> memref<128xi32, #tpu.memory_space<hbm>>
          %dma_wait3A_248 = arith.constant 0 : i32
          %dma_wait3A_249 = tpu.memref_slice %arg4[%dma_wait3A_248] : memref<320000xi32, #tpu.memory_space<hbm>> -> memref<128xi32, #tpu.memory_space<hbm>>
          tpu.wait_dma2 semaphore(%arg24 : memref<!tpu.dma_semaphore, #tpu.memory_space<semaphore_mem>>) src(%dma_wait3A_249 : memref<128xi32, #tpu.memory_space<hbm>>) dst(%arg15 : memref<128xi32, #tpu.memory_space<vmem>>)
          %dma_start3A_250 = arith.constant 0 : i32
          %dma_start3A_251 = arith.constant 0 : i32
          %dma_start3A_252 = tpu.memref_slice %arg2[%dma_start3A_250, %dma_start3A_251] : memref<10000x128xf32, #tpu.memory_space<hbm>> -> memref<10000x128xf32, #tpu.memory_space<hbm>>
          tpu.enqueue_indirect_dma source(%dma_start3A_252 : memref<10000x128xf32, #tpu.memory_space<hbm>>) target(%arg12 : memref<128x128xf32, #tpu.memory_space<vmem>>) offsets(%arg15 : memref<128xi32, #tpu.memory_space<vmem>>) semaphore(%arg21 : memref<!tpu.dma_semaphore, #tpu.memory_space<semaphore_mem>>)
        } else {
        }
      }
      %scan3A_63 = arith.constant 52 : i32
      %dma_wait3A_64 = arith.constant 0 : i32
      %dma_wait3A_65 = arith.constant 0 : i32
      %dma_wait3A_66 = tpu.memref_slice %arg11[%dma_wait3A_64, %dma_wait3A_65] : memref<10112x128xf32, #tpu.memory_space<vmem_shared>> -> memref<10112x128xf32, #tpu.memory_space<vmem_shared>>
      tpu.wait_indirect_dma semaphore(%arg32 : memref<!tpu.dma_semaphore, #tpu.memory_space<semaphore_mem>>) src(%arg14 : memref<128x128xf32, #tpu.memory_space<vmem>>) dst(%dma_wait3A_66 : memref<10112x128xf32, #tpu.memory_space<vmem_shared>>)
      %lt3A = arith.constant 4 : i32
      %lt3A_67 = arith.cmpi slt, %arg1, %lt3A : i32
      %convert_element_type3A_68 = arith.extui %lt3A_67 : i1 to i32
      %cond3A_69 = arith.constant 0 : i32
      %cond3A_70 = arith.cmpi ne, %convert_element_type3A_68, %cond3A_69 : i32
      scf.if %cond3A_70 {
        %dma_wait3A_71 = arith.constant 0 : i32
        %dma_wait3A_72 = arith.constant 0 : i32
        %dma_wait3A_73 = tpu.memref_slice %arg2[%dma_wait3A_71, %dma_wait3A_72] : memref<10000x128xf32, #tpu.memory_space<hbm>> -> memref<10000x128xf32, #tpu.memory_space<hbm>>
        tpu.wait_indirect_dma semaphore(%arg21 : memref<!tpu.dma_semaphore, #tpu.memory_space<semaphore_mem>>) src(%dma_wait3A_73 : memref<10000x128xf32, #tpu.memory_space<hbm>>) dst(%arg12 : memref<128x128xf32, #tpu.memory_space<vmem>>)
        %dma_wait3A_74 = arith.constant 0 : i32
        %dma_wait3A_75 = tpu.memref_slice %arg4[%dma_wait3A_74] : memref<320000xi32, #tpu.memory_space<hbm>> -> memref<128xi32, #tpu.memory_space<hbm>>
        %dma_wait3A_76 = arith.constant 0 : i32
        %dma_wait3A_77 = tpu.memref_slice %arg4[%dma_wait3A_76] : memref<320000xi32, #tpu.memory_space<hbm>> -> memref<128xi32, #tpu.memory_space<hbm>>
        tpu.wait_dma2 semaphore(%arg27 : memref<!tpu.dma_semaphore, #tpu.memory_space<semaphore_mem>>) src(%dma_wait3A_77 : memref<128xi32, #tpu.memory_space<hbm>>) dst(%arg18 : memref<128xi32, #tpu.memory_space<vmem>>)
        "tpu.region"() ({
          %run_scoped3A = tpu.sem_alloc : memref<!tpu.dma_semaphore, #tpu.memory_space<semaphore_mem>>
          %dma_start3A_78 = arith.constant 0 : i32
          %dma_start3A_79 = arith.constant 0 : i32
          %dma_start3A_80 = tpu.memref_slice %arg11[%dma_start3A_78, %dma_start3A_79] : memref<10112x128xf32, #tpu.memory_space<vmem_shared>> -> memref<10112x128xf32, #tpu.memory_space<vmem_shared>>
          tpu.enqueue_indirect_dma source(%arg12 : memref<128x128xf32, #tpu.memory_space<vmem>>) target(%dma_start3A_80 : memref<10112x128xf32, #tpu.memory_space<vmem_shared>>) offsets(%arg18 : memref<128xi32, #tpu.memory_space<vmem>>) semaphore(%run_scoped3A : memref<!tpu.dma_semaphore, #tpu.memory_space<semaphore_mem>>) {add = true}
          %dma_wait3A_81 = arith.constant 0 : i32
          %dma_wait3A_82 = arith.constant 0 : i32
          %dma_wait3A_83 = tpu.memref_slice %arg11[%dma_wait3A_81, %dma_wait3A_82] : memref<10112x128xf32, #tpu.memory_space<vmem_shared>> -> memref<10112x128xf32, #tpu.memory_space<vmem_shared>>
          tpu.wait_indirect_dma semaphore(%run_scoped3A : memref<!tpu.dma_semaphore, #tpu.memory_space<semaphore_mem>>) src(%arg12 : memref<128x128xf32, #tpu.memory_space<vmem>>) dst(%dma_wait3A_83 : memref<10112x128xf32, #tpu.memory_space<vmem_shared>>)
          tpu.yield
        }) : () -> ()
      } else {
      }
    } else {
    }
    %eq3A_4 = arith.constant 1 : i32
    %eq3A_5 = arith.cmpi eq, %arg0, %eq3A_4 : i32
    %convert_element_type3A_6 = arith.extui %eq3A_5 : i1 to i32
    %cond3A_7 = arith.constant 0 : i32
    %cond3A_8 = arith.cmpi ne, %convert_element_type3A_6, %cond3A_7 : i32
    scf.if %cond3A_8 {
      %mul3A_19 = arith.constant 156 : i32
      %mul3A_20 = arith.muli %arg1, %mul3A_19 : i32
      %mul3A_21 = arith.constant 128 : i32
      %mul3A_22 = arith.muli %mul3A_20, %mul3A_21 : i32
      %add3A = arith.constant 0 : i32
      %add3A_23 = arith.addi %mul3A_22, %add3A : i32
      %dma_start3A_24 = tpu.memref_slice %arg6[%add3A_23] : memref<320000xi32, #tpu.memory_space<hbm>> -> memref<128xi32, #tpu.memory_space<hbm>>
      %dma_start3A_25 = tpu.memref_slice %arg6[%add3A_23] : memref<320000xi32, #tpu.memory_space<hbm>> -> memref<128xi32, #tpu.memory_space<hbm>>
      tpu.enqueue_dma source(%dma_start3A_25 : memref<128xi32, #tpu.memory_space<hbm>>) target(%arg15 : memref<128xi32, #tpu.memory_space<vmem>>) target_semaphore(%arg24 : memref<!tpu.dma_semaphore, #tpu.memory_space<semaphore_mem>>)
      %add3A_26 = arith.constant 0 : i32
      %add3A_27 = arith.addi %mul3A_22, %add3A_26 : i32
      %dma_start3A_28 = tpu.memref_slice %arg7[%add3A_27] : memref<320000xi32, #tpu.memory_space<hbm>> -> memref<128xi32, #tpu.memory_space<hbm>>
      %dma_start3A_29 = tpu.memref_slice %arg7[%add3A_27] : memref<320000xi32, #tpu.memory_space<hbm>> -> memref<128xi32, #tpu.memory_space<hbm>>
      tpu.enqueue_dma source(%dma_start3A_29 : memref<128xi32, #tpu.memory_space<hbm>>) target(%arg18 : memref<128xi32, #tpu.memory_space<vmem>>) target_semaphore(%arg27 : memref<!tpu.dma_semaphore, #tpu.memory_space<semaphore_mem>>)
      %add3A_30 = arith.constant 128 : i32
      %add3A_31 = arith.addi %mul3A_22, %add3A_30 : i32
      %dma_start3A_32 = tpu.memref_slice %arg6[%add3A_31] : memref<320000xi32, #tpu.memory_space<hbm>> -> memref<128xi32, #tpu.memory_space<hbm>>
      %dma_start3A_33 = tpu.memref_slice %arg6[%add3A_31] : memref<320000xi32, #tpu.memory_space<hbm>> -> memref<128xi32, #tpu.memory_space<hbm>>
      tpu.enqueue_dma source(%dma_start3A_33 : memref<128xi32, #tpu.memory_space<hbm>>) target(%arg16 : memref<128xi32, #tpu.memory_space<vmem>>) target_semaphore(%arg25 : memref<!tpu.dma_semaphore, #tpu.memory_space<semaphore_mem>>)
      %add3A_34 = arith.constant 128 : i32
      %add3A_35 = arith.addi %mul3A_22, %add3A_34 : i32
      %dma_start3A_36 = tpu.memref_slice %arg7[%add3A_35] : memref<320000xi32, #tpu.memory_space<hbm>> -> memref<128xi32, #tpu.memory_space<hbm>>
      %dma_start3A_37 = tpu.memref_slice %arg7[%add3A_35] : memref<320000xi32, #tpu.memory_space<hbm>> -> memref<128xi32, #tpu.memory_space<hbm>>
      tpu.enqueue_dma source(%dma_start3A_37 : memref<128xi32, #tpu.memory_space<hbm>>) target(%arg19 : memref<128xi32, #tpu.memory_space<vmem>>) target_semaphore(%arg28 : memref<!tpu.dma_semaphore, #tpu.memory_space<semaphore_mem>>)
      %add3A_38 = arith.constant 256 : i32
      %add3A_39 = arith.addi %mul3A_22, %add3A_38 : i32
      %dma_start3A_40 = tpu.memref_slice %arg6[%add3A_39] : memref<320000xi32, #tpu.memory_space<hbm>> -> memref<128xi32, #tpu.memory_space<hbm>>
      %dma_start3A_41 = tpu.memref_slice %arg6[%add3A_39] : memref<320000xi32, #tpu.memory_space<hbm>> -> memref<128xi32, #tpu.memory_space<hbm>>
      tpu.enqueue_dma source(%dma_start3A_41 : memref<128xi32, #tpu.memory_space<hbm>>) target(%arg17 : memref<128xi32, #tpu.memory_space<vmem>>) target_semaphore(%arg26 : memref<!tpu.dma_semaphore, #tpu.memory_space<semaphore_mem>>)
      %dma_wait3A = arith.constant 0 : i32
      %dma_wait3A_42 = tpu.memref_slice %arg6[%dma_wait3A] : memref<320000xi32, #tpu.memory_space<hbm>> -> memref<128xi32, #tpu.memory_space<hbm>>
      %dma_wait3A_43 = arith.constant 0 : i32
      %dma_wait3A_44 = tpu.memref_slice %arg6[%dma_wait3A_43] : memref<320000xi32, #tpu.memory_space<hbm>> -> memref<128xi32, #tpu.memory_space<hbm>>
      tpu.wait_dma2 semaphore(%arg24 : memref<!tpu.dma_semaphore, #tpu.memory_space<semaphore_mem>>) src(%dma_wait3A_44 : memref<128xi32, #tpu.memory_space<hbm>>) dst(%arg15 : memref<128xi32, #tpu.memory_space<vmem>>)
      %dma_start3A_45 = arith.constant 0 : i32
      %dma_start3A_46 = arith.constant 0 : i32
      %dma_start3A_47 = tpu.memref_slice %arg3[%dma_start3A_45, %dma_start3A_46] : memref<10000x128xf32, #tpu.memory_space<hbm>> -> memref<10000x128xf32, #tpu.memory_space<hbm>>
      tpu.enqueue_indirect_dma source(%dma_start3A_47 : memref<10000x128xf32, #tpu.memory_space<hbm>>) target(%arg12 : memref<128x128xf32, #tpu.memory_space<vmem>>) offsets(%arg15 : memref<128xi32, #tpu.memory_space<vmem>>) semaphore(%arg21 : memref<!tpu.dma_semaphore, #tpu.memory_space<semaphore_mem>>)
      %dma_wait3A_48 = arith.constant 0 : i32
      %dma_wait3A_49 = tpu.memref_slice %arg6[%dma_wait3A_48] : memref<320000xi32, #tpu.memory_space<hbm>> -> memref<128xi32, #tpu.memory_space<hbm>>
      %dma_wait3A_50 = arith.constant 0 : i32
      %dma_wait3A_51 = tpu.memref_slice %arg6[%dma_wait3A_50] : memref<320000xi32, #tpu.memory_space<hbm>> -> memref<128xi32, #tpu.memory_space<hbm>>
      tpu.wait_dma2 semaphore(%arg25 : memref<!tpu.dma_semaphore, #tpu.memory_space<semaphore_mem>>) src(%dma_wait3A_51 : memref<128xi32, #tpu.memory_space<hbm>>) dst(%arg16 : memref<128xi32, #tpu.memory_space<vmem>>)
      %dma_start3A_52 = arith.constant 0 : i32
      %dma_start3A_53 = arith.constant 0 : i32
      %dma_start3A_54 = tpu.memref_slice %arg3[%dma_start3A_52, %dma_start3A_53] : memref<10000x128xf32, #tpu.memory_space<hbm>> -> memref<10000x128xf32, #tpu.memory_space<hbm>>
      tpu.enqueue_indirect_dma source(%dma_start3A_54 : memref<10000x128xf32, #tpu.memory_space<hbm>>) target(%arg13 : memref<128x128xf32, #tpu.memory_space<vmem>>) offsets(%arg16 : memref<128xi32, #tpu.memory_space<vmem>>) semaphore(%arg22 : memref<!tpu.dma_semaphore, #tpu.memory_space<semaphore_mem>>)
      %dma_wait3A_55 = arith.constant 0 : i32
      %dma_wait3A_56 = arith.constant 0 : i32
      %dma_wait3A_57 = tpu.memref_slice %arg11[%dma_wait3A_55, %dma_wait3A_56] : memref<10112x128xf32, #tpu.memory_space<vmem_shared>> -> memref<632x128xf32, #tpu.memory_space<vmem_shared>>
      tpu.wait_dma2 semaphore(%arg33 : memref<!tpu.dma_semaphore, #tpu.memory_space<semaphore_mem>>) src(%arg8 : memref<632x128xf32, #tpu.memory_space<hbm>>) dst(%dma_wait3A_57 : memref<632x128xf32, #tpu.memory_space<vmem_shared>>)
      %barrier3A_58 = arith.constant 0 : index
      tpu.barrier barrier_id(%barrier3A_58)
      %scan3A = arith.constant 0 : i32
      %scan3A_59 = arith.constant 0 : i32
      %scan3A_60 = arith.constant 52 : i32
      %scan3A_61 = arith.addi %scan3A_59, %scan3A_60 : i32
      %scan3A_62 = arith.constant 1 : i32
      scf.for %scan3A_71 = %scan3A_59 to %scan3A_61 step %scan3A_62  : i32 {
        %mul3A_72 = arith.constant 3 : i32
        %mul3A_73 = arith.muli %scan3A_71, %mul3A_72 : i32
        %add3A_74 = arith.constant 0 : i32
        %add3A_75 = arith.addi %mul3A_73, %add3A_74 : i32
        %dma_wait3A_76 = arith.constant 0 : i32
        %dma_wait3A_77 = arith.constant 0 : i32
        %dma_wait3A_78 = tpu.memref_slice %arg3[%dma_wait3A_76, %dma_wait3A_77] : memref<10000x128xf32, #tpu.memory_space<hbm>> -> memref<10000x128xf32, #tpu.memory_space<hbm>>
        tpu.wait_indirect_dma semaphore(%arg21 : memref<!tpu.dma_semaphore, #tpu.memory_space<semaphore_mem>>) src(%dma_wait3A_78 : memref<10000x128xf32, #tpu.memory_space<hbm>>) dst(%arg12 : memref<128x128xf32, #tpu.memory_space<vmem>>)
        %ge3A = arith.constant 1 : i32
        %ge3A_79 = arith.cmpi sge, %add3A_75, %ge3A : i32
        %convert_element_type3A_80 = arith.extui %ge3A_79 : i1 to i32
        %cond3A_81 = arith.constant 0 : i32
        %cond3A_82 = arith.cmpi ne, %convert_element_type3A_80, %cond3A_81 : i32
        scf.if %cond3A_82 {
          %dma_wait3A_246 = arith.constant 0 : i32
          %dma_wait3A_247 = arith.constant 0 : i32
          %dma_wait3A_248 = tpu.memref_slice %arg11[%dma_wait3A_246, %dma_wait3A_247] : memref<10112x128xf32, #tpu.memory_space<vmem_shared>> -> memref<10112x128xf32, #tpu.memory_space<vmem_shared>>
          tpu.wait_indirect_dma semaphore(%arg32 : memref<!tpu.dma_semaphore, #tpu.memory_space<semaphore_mem>>) src(%arg14 : memref<128x128xf32, #tpu.memory_space<vmem>>) dst(%dma_wait3A_248 : memref<10112x128xf32, #tpu.memory_space<vmem_shared>>)
        } else {
        }
        %add3A_83 = arith.constant 2 : i32
        %add3A_84 = arith.addi %add3A_75, %add3A_83 : i32
        %lt3A_85 = arith.constant 156 : i32
        %lt3A_86 = arith.cmpi slt, %add3A_84, %lt3A_85 : i32
        %convert_element_type3A_87 = arith.extui %lt3A_86 : i1 to i32
        %cond3A_88 = arith.constant 0 : i32
        %cond3A_89 = arith.cmpi ne, %convert_element_type3A_87, %cond3A_88 : i32
        scf.if %cond3A_89 {
          %dma_wait3A_246 = arith.constant 0 : i32
          %dma_wait3A_247 = tpu.memref_slice %arg6[%dma_wait3A_246] : memref<320000xi32, #tpu.memory_space<hbm>> -> memref<128xi32, #tpu.memory_space<hbm>>
          %dma_wait3A_248 = arith.constant 0 : i32
          %dma_wait3A_249 = tpu.memref_slice %arg6[%dma_wait3A_248] : memref<320000xi32, #tpu.memory_space<hbm>> -> memref<128xi32, #tpu.memory_space<hbm>>
          tpu.wait_dma2 semaphore(%arg26 : memref<!tpu.dma_semaphore, #tpu.memory_space<semaphore_mem>>) src(%dma_wait3A_249 : memref<128xi32, #tpu.memory_space<hbm>>) dst(%arg17 : memref<128xi32, #tpu.memory_space<vmem>>)
          %dma_start3A_250 = arith.constant 0 : i32
          %dma_start3A_251 = arith.constant 0 : i32
          %dma_start3A_252 = tpu.memref_slice %arg3[%dma_start3A_250, %dma_start3A_251] : memref<10000x128xf32, #tpu.memory_space<hbm>> -> memref<10000x128xf32, #tpu.memory_space<hbm>>
          tpu.enqueue_indirect_dma source(%dma_start3A_252 : memref<10000x128xf32, #tpu.memory_space<hbm>>) target(%arg14 : memref<128x128xf32, #tpu.memory_space<vmem>>) offsets(%arg17 : memref<128xi32, #tpu.memory_space<vmem>>) semaphore(%arg23 : memref<!tpu.dma_semaphore, #tpu.memory_space<semaphore_mem>>)
        } else {
        }
        %add3A_90 = arith.constant 3 : i32
        %add3A_91 = arith.addi %add3A_75, %add3A_90 : i32
        %lt3A_92 = arith.constant 156 : i32
        %lt3A_93 = arith.cmpi slt, %add3A_91, %lt3A_92 : i32
        %convert_element_type3A_94 = arith.extui %lt3A_93 : i1 to i32
        %cond3A_95 = arith.constant 0 : i32
        %cond3A_96 = arith.cmpi ne, %convert_element_type3A_94, %cond3A_95 : i32
        scf.if %cond3A_96 {
          %add3A_246 = arith.constant 3 : i32
          %add3A_247 = arith.addi %add3A_75, %add3A_246 : i32
          %mul3A_248 = arith.constant 128 : i32
          %mul3A_249 = arith.muli %add3A_247, %mul3A_248 : i32
          %add3A_250 = arith.addi %mul3A_22, %mul3A_249 : i32
          %dma_start3A_251 = tpu.memref_slice %arg6[%add3A_250] : memref<320000xi32, #tpu.memory_space<hbm>> -> memref<128xi32, #tpu.memory_space<hbm>>
          %dma_start3A_252 = tpu.memref_slice %arg6[%add3A_250] : memref<320000xi32, #tpu.memory_space<hbm>> -> memref<128xi32, #tpu.memory_space<hbm>>
          tpu.enqueue_dma source(%dma_start3A_252 : memref<128xi32, #tpu.memory_space<hbm>>) target(%arg15 : memref<128xi32, #tpu.memory_space<vmem>>) target_semaphore(%arg24 : memref<!tpu.dma_semaphore, #tpu.memory_space<semaphore_mem>>)
        } else {
        }
        %add3A_97 = arith.constant 2 : i32
        %add3A_98 = arith.addi %add3A_75, %add3A_97 : i32
        %lt3A_99 = arith.constant 156 : i32
        %lt3A_100 = arith.cmpi slt, %add3A_98, %lt3A_99 : i32
        %convert_element_type3A_101 = arith.extui %lt3A_100 : i1 to i32
        %cond3A_102 = arith.constant 0 : i32
        %cond3A_103 = arith.cmpi ne, %convert_element_type3A_101, %cond3A_102 : i32
        scf.if %cond3A_103 {
          %add3A_246 = arith.constant 2 : i32
          %add3A_247 = arith.addi %add3A_75, %add3A_246 : i32
          %mul3A_248 = arith.constant 128 : i32
          %mul3A_249 = arith.muli %add3A_247, %mul3A_248 : i32
          %add3A_250 = arith.addi %mul3A_22, %mul3A_249 : i32
          %dma_start3A_251 = tpu.memref_slice %arg7[%add3A_250] : memref<320000xi32, #tpu.memory_space<hbm>> -> memref<128xi32, #tpu.memory_space<hbm>>
          %dma_start3A_252 = tpu.memref_slice %arg7[%add3A_250] : memref<320000xi32, #tpu.memory_space<hbm>> -> memref<128xi32, #tpu.memory_space<hbm>>
          tpu.enqueue_dma source(%dma_start3A_252 : memref<128xi32, #tpu.memory_space<hbm>>) target(%arg20 : memref<128xi32, #tpu.memory_space<vmem>>) target_semaphore(%arg29 : memref<!tpu.dma_semaphore, #tpu.memory_space<semaphore_mem>>)
        } else {
        }
        %dma_wait3A_104 = arith.constant 0 : i32
        %dma_wait3A_105 = tpu.memref_slice %arg6[%dma_wait3A_104] : memref<320000xi32, #tpu.memory_space<hbm>> -> memref<128xi32, #tpu.memory_space<hbm>>
        %dma_wait3A_106 = arith.constant 0 : i32
        %dma_wait3A_107 = tpu.memref_slice %arg6[%dma_wait3A_106] : memref<320000xi32, #tpu.memory_space<hbm>> -> memref<128xi32, #tpu.memory_space<hbm>>
        tpu.wait_dma2 semaphore(%arg27 : memref<!tpu.dma_semaphore, #tpu.memory_space<semaphore_mem>>) src(%dma_wait3A_107 : memref<128xi32, #tpu.memory_space<hbm>>) dst(%arg18 : memref<128xi32, #tpu.memory_space<vmem>>)
        %dma_start3A_108 = arith.constant 0 : i32
        %dma_start3A_109 = arith.constant 0 : i32
        %dma_start3A_110 = tpu.memref_slice %arg11[%dma_start3A_108, %dma_start3A_109] : memref<10112x128xf32, #tpu.memory_space<vmem_shared>> -> memref<10112x128xf32, #tpu.memory_space<vmem_shared>>
        tpu.enqueue_indirect_dma source(%arg12 : memref<128x128xf32, #tpu.memory_space<vmem>>) target(%dma_start3A_110 : memref<10112x128xf32, #tpu.memory_space<vmem_shared>>) offsets(%arg18 : memref<128xi32, #tpu.memory_space<vmem>>) semaphore(%arg30 : memref<!tpu.dma_semaphore, #tpu.memory_space<semaphore_mem>>) {add = true}
        %add3A_111 = arith.constant 2496 : i32
        %add3A_112 = arith.addi %add3A_111, %arg1 : i32
        %mul3A_113 = arith.constant 128 : i32
        %mul3A_114 = arith.muli %add3A_112, %mul3A_113 : i32
        %eq3A_115 = arith.constant 154 : i32
        %eq3A_116 = arith.cmpi eq, %add3A_75, %eq3A_115 : i32
        %lt3A_117 = arith.constant 4 : i32
        %lt3A_118 = arith.cmpi slt, %arg1, %lt3A_117 : i32
        %and3A = arith.andi %eq3A_116, %lt3A_118 : i1
        %convert_element_type3A_119 = arith.extui %and3A : i1 to i32
        %cond3A_120 = arith.constant 0 : i32
        %cond3A_121 = arith.cmpi ne, %convert_element_type3A_119, %cond3A_120 : i32
        scf.if %cond3A_121 {
          %dma_start3A_246 = tpu.memref_slice %arg6[%mul3A_114] : memref<320000xi32, #tpu.memory_space<hbm>> -> memref<128xi32, #tpu.memory_space<hbm>>
          %dma_start3A_247 = tpu.memref_slice %arg6[%mul3A_114] : memref<320000xi32, #tpu.memory_space<hbm>> -> memref<128xi32, #tpu.memory_space<hbm>>
          tpu.enqueue_dma source(%dma_start3A_247 : memref<128xi32, #tpu.memory_space<hbm>>) target(%arg15 : memref<128xi32, #tpu.memory_space<vmem>>) target_semaphore(%arg24 : memref<!tpu.dma_semaphore, #tpu.memory_space<semaphore_mem>>)
          %dma_start3A_248 = tpu.memref_slice %arg7[%mul3A_114] : memref<320000xi32, #tpu.memory_space<hbm>> -> memref<128xi32, #tpu.memory_space<hbm>>
          %dma_start3A_249 = tpu.memref_slice %arg7[%mul3A_114] : memref<320000xi32, #tpu.memory_space<hbm>> -> memref<128xi32, #tpu.memory_space<hbm>>
          tpu.enqueue_dma source(%dma_start3A_249 : memref<128xi32, #tpu.memory_space<hbm>>) target(%arg18 : memref<128xi32, #tpu.memory_space<vmem>>) target_semaphore(%arg27 : memref<!tpu.dma_semaphore, #tpu.memory_space<semaphore_mem>>)
        } else {
        }
        %eq3A_122 = arith.constant 155 : i32
        %eq3A_123 = arith.cmpi eq, %add3A_75, %eq3A_122 : i32
        %lt3A_124 = arith.constant 4 : i32
        %lt3A_125 = arith.cmpi slt, %arg1, %lt3A_124 : i32
        %and3A_126 = arith.andi %eq3A_123, %lt3A_125 : i1
        %convert_element_type3A_127 = arith.extui %and3A_126 : i1 to i32
        %cond3A_128 = arith.constant 0 : i32
        %cond3A_129 = arith.cmpi ne, %convert_element_type3A_127, %cond3A_128 : i32
        scf.if %cond3A_129 {
          %dma_wait3A_246 = arith.constant 0 : i32
          %dma_wait3A_247 = tpu.memref_slice %arg6[%dma_wait3A_246] : memref<320000xi32, #tpu.memory_space<hbm>> -> memref<128xi32, #tpu.memory_space<hbm>>
          %dma_wait3A_248 = arith.constant 0 : i32
          %dma_wait3A_249 = tpu.memref_slice %arg6[%dma_wait3A_248] : memref<320000xi32, #tpu.memory_space<hbm>> -> memref<128xi32, #tpu.memory_space<hbm>>
          tpu.wait_dma2 semaphore(%arg24 : memref<!tpu.dma_semaphore, #tpu.memory_space<semaphore_mem>>) src(%dma_wait3A_249 : memref<128xi32, #tpu.memory_space<hbm>>) dst(%arg15 : memref<128xi32, #tpu.memory_space<vmem>>)
          %dma_start3A_250 = arith.constant 0 : i32
          %dma_start3A_251 = arith.constant 0 : i32
          %dma_start3A_252 = tpu.memref_slice %arg3[%dma_start3A_250, %dma_start3A_251] : memref<10000x128xf32, #tpu.memory_space<hbm>> -> memref<10000x128xf32, #tpu.memory_space<hbm>>
          tpu.enqueue_indirect_dma source(%dma_start3A_252 : memref<10000x128xf32, #tpu.memory_space<hbm>>) target(%arg12 : memref<128x128xf32, #tpu.memory_space<vmem>>) offsets(%arg15 : memref<128xi32, #tpu.memory_space<vmem>>) semaphore(%arg21 : memref<!tpu.dma_semaphore, #tpu.memory_space<semaphore_mem>>)
        } else {
        }
        %add3A_130 = arith.constant 1 : i32
        %add3A_131 = arith.addi %mul3A_73, %add3A_130 : i32
        %dma_wait3A_132 = arith.constant 0 : i32
        %dma_wait3A_133 = arith.constant 0 : i32
        %dma_wait3A_134 = tpu.memref_slice %arg3[%dma_wait3A_132, %dma_wait3A_133] : memref<10000x128xf32, #tpu.memory_space<hbm>> -> memref<10000x128xf32, #tpu.memory_space<hbm>>
        tpu.wait_indirect_dma semaphore(%arg22 : memref<!tpu.dma_semaphore, #tpu.memory_space<semaphore_mem>>) src(%dma_wait3A_134 : memref<10000x128xf32, #tpu.memory_space<hbm>>) dst(%arg13 : memref<128x128xf32, #tpu.memory_space<vmem>>)
        %ge3A_135 = arith.constant 1 : i32
        %ge3A_136 = arith.cmpi sge, %add3A_131, %ge3A_135 : i32
        %convert_element_type3A_137 = arith.extui %ge3A_136 : i1 to i32
        %cond3A_138 = arith.constant 0 : i32
        %cond3A_139 = arith.cmpi ne, %convert_element_type3A_137, %cond3A_138 : i32
        scf.if %cond3A_139 {
          %dma_wait3A_246 = arith.constant 0 : i32
          %dma_wait3A_247 = arith.constant 0 : i32
          %dma_wait3A_248 = tpu.memref_slice %arg11[%dma_wait3A_246, %dma_wait3A_247] : memref<10112x128xf32, #tpu.memory_space<vmem_shared>> -> memref<10112x128xf32, #tpu.memory_space<vmem_shared>>
          tpu.wait_indirect_dma semaphore(%arg30 : memref<!tpu.dma_semaphore, #tpu.memory_space<semaphore_mem>>) src(%arg12 : memref<128x128xf32, #tpu.memory_space<vmem>>) dst(%dma_wait3A_248 : memref<10112x128xf32, #tpu.memory_space<vmem_shared>>)
        } else {
        }
        %add3A_140 = arith.constant 2 : i32
        %add3A_141 = arith.addi %add3A_131, %add3A_140 : i32
        %lt3A_142 = arith.constant 156 : i32
        %lt3A_143 = arith.cmpi slt, %add3A_141, %lt3A_142 : i32
        %convert_element_type3A_144 = arith.extui %lt3A_143 : i1 to i32
        %cond3A_145 = arith.constant 0 : i32
        %cond3A_146 = arith.cmpi ne, %convert_element_type3A_144, %cond3A_145 : i32
        scf.if %cond3A_146 {
          %dma_wait3A_246 = arith.constant 0 : i32
          %dma_wait3A_247 = tpu.memref_slice %arg6[%dma_wait3A_246] : memref<320000xi32, #tpu.memory_space<hbm>> -> memref<128xi32, #tpu.memory_space<hbm>>
          %dma_wait3A_248 = arith.constant 0 : i32
          %dma_wait3A_249 = tpu.memref_slice %arg6[%dma_wait3A_248] : memref<320000xi32, #tpu.memory_space<hbm>> -> memref<128xi32, #tpu.memory_space<hbm>>
          tpu.wait_dma2 semaphore(%arg24 : memref<!tpu.dma_semaphore, #tpu.memory_space<semaphore_mem>>) src(%dma_wait3A_249 : memref<128xi32, #tpu.memory_space<hbm>>) dst(%arg15 : memref<128xi32, #tpu.memory_space<vmem>>)
          %dma_start3A_250 = arith.constant 0 : i32
          %dma_start3A_251 = arith.constant 0 : i32
          %dma_start3A_252 = tpu.memref_slice %arg3[%dma_start3A_250, %dma_start3A_251] : memref<10000x128xf32, #tpu.memory_space<hbm>> -> memref<10000x128xf32, #tpu.memory_space<hbm>>
          tpu.enqueue_indirect_dma source(%dma_start3A_252 : memref<10000x128xf32, #tpu.memory_space<hbm>>) target(%arg12 : memref<128x128xf32, #tpu.memory_space<vmem>>) offsets(%arg15 : memref<128xi32, #tpu.memory_space<vmem>>) semaphore(%arg21 : memref<!tpu.dma_semaphore, #tpu.memory_space<semaphore_mem>>)
        } else {
        }
        %add3A_147 = arith.constant 3 : i32
        %add3A_148 = arith.addi %add3A_131, %add3A_147 : i32
        %lt3A_149 = arith.constant 156 : i32
        %lt3A_150 = arith.cmpi slt, %add3A_148, %lt3A_149 : i32
        %convert_element_type3A_151 = arith.extui %lt3A_150 : i1 to i32
        %cond3A_152 = arith.constant 0 : i32
        %cond3A_153 = arith.cmpi ne, %convert_element_type3A_151, %cond3A_152 : i32
        scf.if %cond3A_153 {
          %add3A_246 = arith.constant 3 : i32
          %add3A_247 = arith.addi %add3A_131, %add3A_246 : i32
          %mul3A_248 = arith.constant 128 : i32
          %mul3A_249 = arith.muli %add3A_247, %mul3A_248 : i32
          %add3A_250 = arith.addi %mul3A_22, %mul3A_249 : i32
          %dma_start3A_251 = tpu.memref_slice %arg6[%add3A_250] : memref<320000xi32, #tpu.memory_space<hbm>> -> memref<128xi32, #tpu.memory_space<hbm>>
          %dma_start3A_252 = tpu.memref_slice %arg6[%add3A_250] : memref<320000xi32, #tpu.memory_space<hbm>> -> memref<128xi32, #tpu.memory_space<hbm>>
          tpu.enqueue_dma source(%dma_start3A_252 : memref<128xi32, #tpu.memory_space<hbm>>) target(%arg16 : memref<128xi32, #tpu.memory_space<vmem>>) target_semaphore(%arg25 : memref<!tpu.dma_semaphore, #tpu.memory_space<semaphore_mem>>)
        } else {
        }
        %add3A_154 = arith.constant 2 : i32
        %add3A_155 = arith.addi %add3A_131, %add3A_154 : i32
        %lt3A_156 = arith.constant 156 : i32
        %lt3A_157 = arith.cmpi slt, %add3A_155, %lt3A_156 : i32
        %convert_element_type3A_158 = arith.extui %lt3A_157 : i1 to i32
        %cond3A_159 = arith.constant 0 : i32
        %cond3A_160 = arith.cmpi ne, %convert_element_type3A_158, %cond3A_159 : i32
        scf.if %cond3A_160 {
          %add3A_246 = arith.constant 2 : i32
          %add3A_247 = arith.addi %add3A_131, %add3A_246 : i32
          %mul3A_248 = arith.constant 128 : i32
          %mul3A_249 = arith.muli %add3A_247, %mul3A_248 : i32
          %add3A_250 = arith.addi %mul3A_22, %mul3A_249 : i32
          %dma_start3A_251 = tpu.memref_slice %arg7[%add3A_250] : memref<320000xi32, #tpu.memory_space<hbm>> -> memref<128xi32, #tpu.memory_space<hbm>>
          %dma_start3A_252 = tpu.memref_slice %arg7[%add3A_250] : memref<320000xi32, #tpu.memory_space<hbm>> -> memref<128xi32, #tpu.memory_space<hbm>>
          tpu.enqueue_dma source(%dma_start3A_252 : memref<128xi32, #tpu.memory_space<hbm>>) target(%arg18 : memref<128xi32, #tpu.memory_space<vmem>>) target_semaphore(%arg27 : memref<!tpu.dma_semaphore, #tpu.memory_space<semaphore_mem>>)
        } else {
        }
        %dma_wait3A_161 = arith.constant 0 : i32
        %dma_wait3A_162 = tpu.memref_slice %arg6[%dma_wait3A_161] : memref<320000xi32, #tpu.memory_space<hbm>> -> memref<128xi32, #tpu.memory_space<hbm>>
        %dma_wait3A_163 = arith.constant 0 : i32
        %dma_wait3A_164 = tpu.memref_slice %arg6[%dma_wait3A_163] : memref<320000xi32, #tpu.memory_space<hbm>> -> memref<128xi32, #tpu.memory_space<hbm>>
        tpu.wait_dma2 semaphore(%arg28 : memref<!tpu.dma_semaphore, #tpu.memory_space<semaphore_mem>>) src(%dma_wait3A_164 : memref<128xi32, #tpu.memory_space<hbm>>) dst(%arg19 : memref<128xi32, #tpu.memory_space<vmem>>)
        %dma_start3A_165 = arith.constant 0 : i32
        %dma_start3A_166 = arith.constant 0 : i32
        %dma_start3A_167 = tpu.memref_slice %arg11[%dma_start3A_165, %dma_start3A_166] : memref<10112x128xf32, #tpu.memory_space<vmem_shared>> -> memref<10112x128xf32, #tpu.memory_space<vmem_shared>>
        tpu.enqueue_indirect_dma source(%arg13 : memref<128x128xf32, #tpu.memory_space<vmem>>) target(%dma_start3A_167 : memref<10112x128xf32, #tpu.memory_space<vmem_shared>>) offsets(%arg19 : memref<128xi32, #tpu.memory_space<vmem>>) semaphore(%arg31 : memref<!tpu.dma_semaphore, #tpu.memory_space<semaphore_mem>>) {add = true}
        %add3A_168 = arith.constant 2496 : i32
        %add3A_169 = arith.addi %add3A_168, %arg1 : i32
        %mul3A_170 = arith.constant 128 : i32
        %mul3A_171 = arith.muli %add3A_169, %mul3A_170 : i32
        %eq3A_172 = arith.constant 154 : i32
        %eq3A_173 = arith.cmpi eq, %add3A_131, %eq3A_172 : i32
        %lt3A_174 = arith.constant 4 : i32
        %lt3A_175 = arith.cmpi slt, %arg1, %lt3A_174 : i32
        %and3A_176 = arith.andi %eq3A_173, %lt3A_175 : i1
        %convert_element_type3A_177 = arith.extui %and3A_176 : i1 to i32
        %cond3A_178 = arith.constant 0 : i32
        %cond3A_179 = arith.cmpi ne, %convert_element_type3A_177, %cond3A_178 : i32
        scf.if %cond3A_179 {
          %dma_start3A_246 = tpu.memref_slice %arg6[%mul3A_171] : memref<320000xi32, #tpu.memory_space<hbm>> -> memref<128xi32, #tpu.memory_space<hbm>>
          %dma_start3A_247 = tpu.memref_slice %arg6[%mul3A_171] : memref<320000xi32, #tpu.memory_space<hbm>> -> memref<128xi32, #tpu.memory_space<hbm>>
          tpu.enqueue_dma source(%dma_start3A_247 : memref<128xi32, #tpu.memory_space<hbm>>) target(%arg15 : memref<128xi32, #tpu.memory_space<vmem>>) target_semaphore(%arg24 : memref<!tpu.dma_semaphore, #tpu.memory_space<semaphore_mem>>)
          %dma_start3A_248 = tpu.memref_slice %arg7[%mul3A_171] : memref<320000xi32, #tpu.memory_space<hbm>> -> memref<128xi32, #tpu.memory_space<hbm>>
          %dma_start3A_249 = tpu.memref_slice %arg7[%mul3A_171] : memref<320000xi32, #tpu.memory_space<hbm>> -> memref<128xi32, #tpu.memory_space<hbm>>
          tpu.enqueue_dma source(%dma_start3A_249 : memref<128xi32, #tpu.memory_space<hbm>>) target(%arg18 : memref<128xi32, #tpu.memory_space<vmem>>) target_semaphore(%arg27 : memref<!tpu.dma_semaphore, #tpu.memory_space<semaphore_mem>>)
        } else {
        }
        %eq3A_180 = arith.constant 155 : i32
        %eq3A_181 = arith.cmpi eq, %add3A_131, %eq3A_180 : i32
        %lt3A_182 = arith.constant 4 : i32
        %lt3A_183 = arith.cmpi slt, %arg1, %lt3A_182 : i32
        %and3A_184 = arith.andi %eq3A_181, %lt3A_183 : i1
        %convert_element_type3A_185 = arith.extui %and3A_184 : i1 to i32
        %cond3A_186 = arith.constant 0 : i32
        %cond3A_187 = arith.cmpi ne, %convert_element_type3A_185, %cond3A_186 : i32
        scf.if %cond3A_187 {
          %dma_wait3A_246 = arith.constant 0 : i32
          %dma_wait3A_247 = tpu.memref_slice %arg6[%dma_wait3A_246] : memref<320000xi32, #tpu.memory_space<hbm>> -> memref<128xi32, #tpu.memory_space<hbm>>
          %dma_wait3A_248 = arith.constant 0 : i32
          %dma_wait3A_249 = tpu.memref_slice %arg6[%dma_wait3A_248] : memref<320000xi32, #tpu.memory_space<hbm>> -> memref<128xi32, #tpu.memory_space<hbm>>
          tpu.wait_dma2 semaphore(%arg24 : memref<!tpu.dma_semaphore, #tpu.memory_space<semaphore_mem>>) src(%dma_wait3A_249 : memref<128xi32, #tpu.memory_space<hbm>>) dst(%arg15 : memref<128xi32, #tpu.memory_space<vmem>>)
          %dma_start3A_250 = arith.constant 0 : i32
          %dma_start3A_251 = arith.constant 0 : i32
          %dma_start3A_252 = tpu.memref_slice %arg3[%dma_start3A_250, %dma_start3A_251] : memref<10000x128xf32, #tpu.memory_space<hbm>> -> memref<10000x128xf32, #tpu.memory_space<hbm>>
          tpu.enqueue_indirect_dma source(%dma_start3A_252 : memref<10000x128xf32, #tpu.memory_space<hbm>>) target(%arg12 : memref<128x128xf32, #tpu.memory_space<vmem>>) offsets(%arg15 : memref<128xi32, #tpu.memory_space<vmem>>) semaphore(%arg21 : memref<!tpu.dma_semaphore, #tpu.memory_space<semaphore_mem>>)
        } else {
        }
        %add3A_188 = arith.constant 2 : i32
        %add3A_189 = arith.addi %mul3A_73, %add3A_188 : i32
        %dma_wait3A_190 = arith.constant 0 : i32
        %dma_wait3A_191 = arith.constant 0 : i32
        %dma_wait3A_192 = tpu.memref_slice %arg3[%dma_wait3A_190, %dma_wait3A_191] : memref<10000x128xf32, #tpu.memory_space<hbm>> -> memref<10000x128xf32, #tpu.memory_space<hbm>>
        tpu.wait_indirect_dma semaphore(%arg23 : memref<!tpu.dma_semaphore, #tpu.memory_space<semaphore_mem>>) src(%dma_wait3A_192 : memref<10000x128xf32, #tpu.memory_space<hbm>>) dst(%arg14 : memref<128x128xf32, #tpu.memory_space<vmem>>)
        %ge3A_193 = arith.constant 1 : i32
        %ge3A_194 = arith.cmpi sge, %add3A_189, %ge3A_193 : i32
        %convert_element_type3A_195 = arith.extui %ge3A_194 : i1 to i32
        %cond3A_196 = arith.constant 0 : i32
        %cond3A_197 = arith.cmpi ne, %convert_element_type3A_195, %cond3A_196 : i32
        scf.if %cond3A_197 {
          %dma_wait3A_246 = arith.constant 0 : i32
          %dma_wait3A_247 = arith.constant 0 : i32
          %dma_wait3A_248 = tpu.memref_slice %arg11[%dma_wait3A_246, %dma_wait3A_247] : memref<10112x128xf32, #tpu.memory_space<vmem_shared>> -> memref<10112x128xf32, #tpu.memory_space<vmem_shared>>
          tpu.wait_indirect_dma semaphore(%arg31 : memref<!tpu.dma_semaphore, #tpu.memory_space<semaphore_mem>>) src(%arg13 : memref<128x128xf32, #tpu.memory_space<vmem>>) dst(%dma_wait3A_248 : memref<10112x128xf32, #tpu.memory_space<vmem_shared>>)
        } else {
        }
        %add3A_198 = arith.constant 2 : i32
        %add3A_199 = arith.addi %add3A_189, %add3A_198 : i32
        %lt3A_200 = arith.constant 156 : i32
        %lt3A_201 = arith.cmpi slt, %add3A_199, %lt3A_200 : i32
        %convert_element_type3A_202 = arith.extui %lt3A_201 : i1 to i32
        %cond3A_203 = arith.constant 0 : i32
        %cond3A_204 = arith.cmpi ne, %convert_element_type3A_202, %cond3A_203 : i32
        scf.if %cond3A_204 {
          %dma_wait3A_246 = arith.constant 0 : i32
          %dma_wait3A_247 = tpu.memref_slice %arg6[%dma_wait3A_246] : memref<320000xi32, #tpu.memory_space<hbm>> -> memref<128xi32, #tpu.memory_space<hbm>>
          %dma_wait3A_248 = arith.constant 0 : i32
          %dma_wait3A_249 = tpu.memref_slice %arg6[%dma_wait3A_248] : memref<320000xi32, #tpu.memory_space<hbm>> -> memref<128xi32, #tpu.memory_space<hbm>>
          tpu.wait_dma2 semaphore(%arg25 : memref<!tpu.dma_semaphore, #tpu.memory_space<semaphore_mem>>) src(%dma_wait3A_249 : memref<128xi32, #tpu.memory_space<hbm>>) dst(%arg16 : memref<128xi32, #tpu.memory_space<vmem>>)
          %dma_start3A_250 = arith.constant 0 : i32
          %dma_start3A_251 = arith.constant 0 : i32
          %dma_start3A_252 = tpu.memref_slice %arg3[%dma_start3A_250, %dma_start3A_251] : memref<10000x128xf32, #tpu.memory_space<hbm>> -> memref<10000x128xf32, #tpu.memory_space<hbm>>
          tpu.enqueue_indirect_dma source(%dma_start3A_252 : memref<10000x128xf32, #tpu.memory_space<hbm>>) target(%arg13 : memref<128x128xf32, #tpu.memory_space<vmem>>) offsets(%arg16 : memref<128xi32, #tpu.memory_space<vmem>>) semaphore(%arg22 : memref<!tpu.dma_semaphore, #tpu.memory_space<semaphore_mem>>)
        } else {
        }
        %add3A_205 = arith.constant 3 : i32
        %add3A_206 = arith.addi %add3A_189, %add3A_205 : i32
        %lt3A_207 = arith.constant 156 : i32
        %lt3A_208 = arith.cmpi slt, %add3A_206, %lt3A_207 : i32
        %convert_element_type3A_209 = arith.extui %lt3A_208 : i1 to i32
        %cond3A_210 = arith.constant 0 : i32
        %cond3A_211 = arith.cmpi ne, %convert_element_type3A_209, %cond3A_210 : i32
        scf.if %cond3A_211 {
          %add3A_246 = arith.constant 3 : i32
          %add3A_247 = arith.addi %add3A_189, %add3A_246 : i32
          %mul3A_248 = arith.constant 128 : i32
          %mul3A_249 = arith.muli %add3A_247, %mul3A_248 : i32
          %add3A_250 = arith.addi %mul3A_22, %mul3A_249 : i32
          %dma_start3A_251 = tpu.memref_slice %arg6[%add3A_250] : memref<320000xi32, #tpu.memory_space<hbm>> -> memref<128xi32, #tpu.memory_space<hbm>>
          %dma_start3A_252 = tpu.memref_slice %arg6[%add3A_250] : memref<320000xi32, #tpu.memory_space<hbm>> -> memref<128xi32, #tpu.memory_space<hbm>>
          tpu.enqueue_dma source(%dma_start3A_252 : memref<128xi32, #tpu.memory_space<hbm>>) target(%arg17 : memref<128xi32, #tpu.memory_space<vmem>>) target_semaphore(%arg26 : memref<!tpu.dma_semaphore, #tpu.memory_space<semaphore_mem>>)
        } else {
        }
        %add3A_212 = arith.constant 2 : i32
        %add3A_213 = arith.addi %add3A_189, %add3A_212 : i32
        %lt3A_214 = arith.constant 156 : i32
        %lt3A_215 = arith.cmpi slt, %add3A_213, %lt3A_214 : i32
        %convert_element_type3A_216 = arith.extui %lt3A_215 : i1 to i32
        %cond3A_217 = arith.constant 0 : i32
        %cond3A_218 = arith.cmpi ne, %convert_element_type3A_216, %cond3A_217 : i32
        scf.if %cond3A_218 {
          %add3A_246 = arith.constant 2 : i32
          %add3A_247 = arith.addi %add3A_189, %add3A_246 : i32
          %mul3A_248 = arith.constant 128 : i32
          %mul3A_249 = arith.muli %add3A_247, %mul3A_248 : i32
          %add3A_250 = arith.addi %mul3A_22, %mul3A_249 : i32
          %dma_start3A_251 = tpu.memref_slice %arg7[%add3A_250] : memref<320000xi32, #tpu.memory_space<hbm>> -> memref<128xi32, #tpu.memory_space<hbm>>
          %dma_start3A_252 = tpu.memref_slice %arg7[%add3A_250] : memref<320000xi32, #tpu.memory_space<hbm>> -> memref<128xi32, #tpu.memory_space<hbm>>
          tpu.enqueue_dma source(%dma_start3A_252 : memref<128xi32, #tpu.memory_space<hbm>>) target(%arg19 : memref<128xi32, #tpu.memory_space<vmem>>) target_semaphore(%arg28 : memref<!tpu.dma_semaphore, #tpu.memory_space<semaphore_mem>>)
        } else {
        }
        %dma_wait3A_219 = arith.constant 0 : i32
        %dma_wait3A_220 = tpu.memref_slice %arg6[%dma_wait3A_219] : memref<320000xi32, #tpu.memory_space<hbm>> -> memref<128xi32, #tpu.memory_space<hbm>>
        %dma_wait3A_221 = arith.constant 0 : i32
        %dma_wait3A_222 = tpu.memref_slice %arg6[%dma_wait3A_221] : memref<320000xi32, #tpu.memory_space<hbm>> -> memref<128xi32, #tpu.memory_space<hbm>>
        tpu.wait_dma2 semaphore(%arg29 : memref<!tpu.dma_semaphore, #tpu.memory_space<semaphore_mem>>) src(%dma_wait3A_222 : memref<128xi32, #tpu.memory_space<hbm>>) dst(%arg20 : memref<128xi32, #tpu.memory_space<vmem>>)
        %dma_start3A_223 = arith.constant 0 : i32
        %dma_start3A_224 = arith.constant 0 : i32
        %dma_start3A_225 = tpu.memref_slice %arg11[%dma_start3A_223, %dma_start3A_224] : memref<10112x128xf32, #tpu.memory_space<vmem_shared>> -> memref<10112x128xf32, #tpu.memory_space<vmem_shared>>
        tpu.enqueue_indirect_dma source(%arg14 : memref<128x128xf32, #tpu.memory_space<vmem>>) target(%dma_start3A_225 : memref<10112x128xf32, #tpu.memory_space<vmem_shared>>) offsets(%arg20 : memref<128xi32, #tpu.memory_space<vmem>>) semaphore(%arg32 : memref<!tpu.dma_semaphore, #tpu.memory_space<semaphore_mem>>) {add = true}
        %add3A_226 = arith.constant 2496 : i32
        %add3A_227 = arith.addi %add3A_226, %arg1 : i32
        %mul3A_228 = arith.constant 128 : i32
        %mul3A_229 = arith.muli %add3A_227, %mul3A_228 : i32
        %eq3A_230 = arith.constant 154 : i32
        %eq3A_231 = arith.cmpi eq, %add3A_189, %eq3A_230 : i32
        %lt3A_232 = arith.constant 4 : i32
        %lt3A_233 = arith.cmpi slt, %arg1, %lt3A_232 : i32
        %and3A_234 = arith.andi %eq3A_231, %lt3A_233 : i1
        %convert_element_type3A_235 = arith.extui %and3A_234 : i1 to i32
        %cond3A_236 = arith.constant 0 : i32
        %cond3A_237 = arith.cmpi ne, %convert_element_type3A_235, %cond3A_236 : i32
        scf.if %cond3A_237 {
          %dma_start3A_246 = tpu.memref_slice %arg6[%mul3A_229] : memref<320000xi32, #tpu.memory_space<hbm>> -> memref<128xi32, #tpu.memory_space<hbm>>
          %dma_start3A_247 = tpu.memref_slice %arg6[%mul3A_229] : memref<320000xi32, #tpu.memory_space<hbm>> -> memref<128xi32, #tpu.memory_space<hbm>>
          tpu.enqueue_dma source(%dma_start3A_247 : memref<128xi32, #tpu.memory_space<hbm>>) target(%arg15 : memref<128xi32, #tpu.memory_space<vmem>>) target_semaphore(%arg24 : memref<!tpu.dma_semaphore, #tpu.memory_space<semaphore_mem>>)
          %dma_start3A_248 = tpu.memref_slice %arg7[%mul3A_229] : memref<320000xi32, #tpu.memory_space<hbm>> -> memref<128xi32, #tpu.memory_space<hbm>>
          %dma_start3A_249 = tpu.memref_slice %arg7[%mul3A_229] : memref<320000xi32, #tpu.memory_space<hbm>> -> memref<128xi32, #tpu.memory_space<hbm>>
          tpu.enqueue_dma source(%dma_start3A_249 : memref<128xi32, #tpu.memory_space<hbm>>) target(%arg18 : memref<128xi32, #tpu.memory_space<vmem>>) target_semaphore(%arg27 : memref<!tpu.dma_semaphore, #tpu.memory_space<semaphore_mem>>)
        } else {
        }
        %eq3A_238 = arith.constant 155 : i32
        %eq3A_239 = arith.cmpi eq, %add3A_189, %eq3A_238 : i32
        %lt3A_240 = arith.constant 4 : i32
        %lt3A_241 = arith.cmpi slt, %arg1, %lt3A_240 : i32
        %and3A_242 = arith.andi %eq3A_239, %lt3A_241 : i1
        %convert_element_type3A_243 = arith.extui %and3A_242 : i1 to i32
        %cond3A_244 = arith.constant 0 : i32
        %cond3A_245 = arith.cmpi ne, %convert_element_type3A_243, %cond3A_244 : i32
        scf.if %cond3A_245 {
          %dma_wait3A_246 = arith.constant 0 : i32
          %dma_wait3A_247 = tpu.memref_slice %arg6[%dma_wait3A_246] : memref<320000xi32, #tpu.memory_space<hbm>> -> memref<128xi32, #tpu.memory_space<hbm>>
          %dma_wait3A_248 = arith.constant 0 : i32
          %dma_wait3A_249 = tpu.memref_slice %arg6[%dma_wait3A_248] : memref<320000xi32, #tpu.memory_space<hbm>> -> memref<128xi32, #tpu.memory_space<hbm>>
          tpu.wait_dma2 semaphore(%arg24 : memref<!tpu.dma_semaphore, #tpu.memory_space<semaphore_mem>>) src(%dma_wait3A_249 : memref<128xi32, #tpu.memory_space<hbm>>) dst(%arg15 : memref<128xi32, #tpu.memory_space<vmem>>)
          %dma_start3A_250 = arith.constant 0 : i32
          %dma_start3A_251 = arith.constant 0 : i32
          %dma_start3A_252 = tpu.memref_slice %arg3[%dma_start3A_250, %dma_start3A_251] : memref<10000x128xf32, #tpu.memory_space<hbm>> -> memref<10000x128xf32, #tpu.memory_space<hbm>>
          tpu.enqueue_indirect_dma source(%dma_start3A_252 : memref<10000x128xf32, #tpu.memory_space<hbm>>) target(%arg12 : memref<128x128xf32, #tpu.memory_space<vmem>>) offsets(%arg15 : memref<128xi32, #tpu.memory_space<vmem>>) semaphore(%arg21 : memref<!tpu.dma_semaphore, #tpu.memory_space<semaphore_mem>>)
        } else {
        }
      }
      %scan3A_63 = arith.constant 52 : i32
      %dma_wait3A_64 = arith.constant 0 : i32
      %dma_wait3A_65 = arith.constant 0 : i32
      %dma_wait3A_66 = tpu.memref_slice %arg11[%dma_wait3A_64, %dma_wait3A_65] : memref<10112x128xf32, #tpu.memory_space<vmem_shared>> -> memref<10112x128xf32, #tpu.memory_space<vmem_shared>>
      tpu.wait_indirect_dma semaphore(%arg32 : memref<!tpu.dma_semaphore, #tpu.memory_space<semaphore_mem>>) src(%arg14 : memref<128x128xf32, #tpu.memory_space<vmem>>) dst(%dma_wait3A_66 : memref<10112x128xf32, #tpu.memory_space<vmem_shared>>)
      %lt3A = arith.constant 4 : i32
      %lt3A_67 = arith.cmpi slt, %arg1, %lt3A : i32
      %convert_element_type3A_68 = arith.extui %lt3A_67 : i1 to i32
      %cond3A_69 = arith.constant 0 : i32
      %cond3A_70 = arith.cmpi ne, %convert_element_type3A_68, %cond3A_69 : i32
      scf.if %cond3A_70 {
        %dma_wait3A_71 = arith.constant 0 : i32
        %dma_wait3A_72 = arith.constant 0 : i32
        %dma_wait3A_73 = tpu.memref_slice %arg3[%dma_wait3A_71, %dma_wait3A_72] : memref<10000x128xf32, #tpu.memory_space<hbm>> -> memref<10000x128xf32, #tpu.memory_space<hbm>>
        tpu.wait_indirect_dma semaphore(%arg21 : memref<!tpu.dma_semaphore, #tpu.memory_space<semaphore_mem>>) src(%dma_wait3A_73 : memref<10000x128xf32, #tpu.memory_space<hbm>>) dst(%arg12 : memref<128x128xf32, #tpu.memory_space<vmem>>)
        %dma_wait3A_74 = arith.constant 0 : i32
        %dma_wait3A_75 = tpu.memref_slice %arg6[%dma_wait3A_74] : memref<320000xi32, #tpu.memory_space<hbm>> -> memref<128xi32, #tpu.memory_space<hbm>>
        %dma_wait3A_76 = arith.constant 0 : i32
        %dma_wait3A_77 = tpu.memref_slice %arg6[%dma_wait3A_76] : memref<320000xi32, #tpu.memory_space<hbm>> -> memref<128xi32, #tpu.memory_space<hbm>>
        tpu.wait_dma2 semaphore(%arg27 : memref<!tpu.dma_semaphore, #tpu.memory_space<semaphore_mem>>) src(%dma_wait3A_77 : memref<128xi32, #tpu.memory_space<hbm>>) dst(%arg18 : memref<128xi32, #tpu.memory_space<vmem>>)
        "tpu.region"() ({
          %run_scoped3A = tpu.sem_alloc : memref<!tpu.dma_semaphore, #tpu.memory_space<semaphore_mem>>
          %dma_start3A_78 = arith.constant 0 : i32
          %dma_start3A_79 = arith.constant 0 : i32
          %dma_start3A_80 = tpu.memref_slice %arg11[%dma_start3A_78, %dma_start3A_79] : memref<10112x128xf32, #tpu.memory_space<vmem_shared>> -> memref<10112x128xf32, #tpu.memory_space<vmem_shared>>
          tpu.enqueue_indirect_dma source(%arg12 : memref<128x128xf32, #tpu.memory_space<vmem>>) target(%dma_start3A_80 : memref<10112x128xf32, #tpu.memory_space<vmem_shared>>) offsets(%arg18 : memref<128xi32, #tpu.memory_space<vmem>>) semaphore(%run_scoped3A : memref<!tpu.dma_semaphore, #tpu.memory_space<semaphore_mem>>) {add = true}
          %dma_wait3A_81 = arith.constant 0 : i32
          %dma_wait3A_82 = arith.constant 0 : i32
          %dma_wait3A_83 = tpu.memref_slice %arg11[%dma_wait3A_81, %dma_wait3A_82] : memref<10112x128xf32, #tpu.memory_space<vmem_shared>> -> memref<10112x128xf32, #tpu.memory_space<vmem_shared>>
          tpu.wait_indirect_dma semaphore(%run_scoped3A : memref<!tpu.dma_semaphore, #tpu.memory_space<semaphore_mem>>) src(%arg12 : memref<128x128xf32, #tpu.memory_space<vmem>>) dst(%dma_wait3A_83 : memref<10112x128xf32, #tpu.memory_space<vmem_shared>>)
          tpu.yield
        }) : () -> ()
      } else {
      }
    } else {
    }
    %barrier3A = arith.constant 0 : index
    tpu.barrier barrier_id(%barrier3A)
    %eq3A_9 = arith.constant 0 : i32
    %eq3A_10 = arith.cmpi eq, %arg0, %eq3A_9 : i32
    %convert_element_type3A_11 = arith.extui %eq3A_10 : i1 to i32
    %cond3A_12 = arith.constant 0 : i32
    %cond3A_13 = arith.cmpi ne, %convert_element_type3A_11, %cond3A_12 : i32
    scf.if %cond3A_13 {
      "tpu.region"() ({
        %run_scoped3A = tpu.sem_alloc : memref<!tpu.dma_semaphore, #tpu.memory_space<semaphore_mem>>
        %dma_start3A_19 = arith.constant 0 : i32
        %dma_start3A_20 = tpu.memref_slice %arg9[%mul3A_0, %dma_start3A_19] : memref<10112x128xf32, #tpu.memory_space<hbm>> -> memref<632x128xf32, #tpu.memory_space<hbm>>
        %dma_start3A_21 = arith.constant 0 : i32
        %dma_start3A_22 = tpu.memref_slice %arg11[%mul3A_0, %dma_start3A_21] : memref<10112x128xf32, #tpu.memory_space<vmem_shared>> -> memref<632x128xf32, #tpu.memory_space<vmem_shared>>
        tpu.enqueue_dma source(%dma_start3A_22 : memref<632x128xf32, #tpu.memory_space<vmem_shared>>) target(%dma_start3A_20 : memref<632x128xf32, #tpu.memory_space<hbm>>) target_semaphore(%run_scoped3A : memref<!tpu.dma_semaphore, #tpu.memory_space<semaphore_mem>>)
        %dma_wait3A = arith.constant 0 : i32
        %dma_wait3A_23 = tpu.memref_slice %arg9[%mul3A_0, %dma_wait3A] : memref<10112x128xf32, #tpu.memory_space<hbm>> -> memref<632x128xf32, #tpu.memory_space<hbm>>
        %dma_wait3A_24 = arith.constant 0 : i32
        %dma_wait3A_25 = tpu.memref_slice %arg11[%mul3A_0, %dma_wait3A_24] : memref<10112x128xf32, #tpu.memory_space<vmem_shared>> -> memref<632x128xf32, #tpu.memory_space<vmem_shared>>
        tpu.wait_dma2 semaphore(%run_scoped3A : memref<!tpu.dma_semaphore, #tpu.memory_space<semaphore_mem>>) src(%dma_wait3A_25 : memref<632x128xf32, #tpu.memory_space<vmem_shared>>) dst(%dma_wait3A_23 : memref<632x128xf32, #tpu.memory_space<hbm>>)
        tpu.yield
      }) : () -> ()
    } else {
    }
    %eq3A_14 = arith.constant 1 : i32
    %eq3A_15 = arith.cmpi eq, %arg0, %eq3A_14 : i32
    %convert_element_type3A_16 = arith.extui %eq3A_15 : i1 to i32
    %cond3A_17 = arith.constant 0 : i32
    %cond3A_18 = arith.cmpi ne, %convert_element_type3A_16, %cond3A_17 : i32
    scf.if %cond3A_18 {
      "tpu.region"() ({
        %run_scoped3A = tpu.sem_alloc : memref<!tpu.dma_semaphore, #tpu.memory_space<semaphore_mem>>
        %dma_start3A_19 = arith.constant 0 : i32
        %dma_start3A_20 = tpu.memref_slice %arg10[%mul3A_0, %dma_start3A_19] : memref<10112x128xf32, #tpu.memory_space<hbm>> -> memref<632x128xf32, #tpu.memory_space<hbm>>
        %dma_start3A_21 = arith.constant 0 : i32
        %dma_start3A_22 = tpu.memref_slice %arg11[%mul3A_0, %dma_start3A_21] : memref<10112x128xf32, #tpu.memory_space<vmem_shared>> -> memref<632x128xf32, #tpu.memory_space<vmem_shared>>
        tpu.enqueue_dma source(%dma_start3A_22 : memref<632x128xf32, #tpu.memory_space<vmem_shared>>) target(%dma_start3A_20 : memref<632x128xf32, #tpu.memory_space<hbm>>) target_semaphore(%run_scoped3A : memref<!tpu.dma_semaphore, #tpu.memory_space<semaphore_mem>>)
        %dma_wait3A = arith.constant 0 : i32
        %dma_wait3A_23 = tpu.memref_slice %arg10[%mul3A_0, %dma_wait3A] : memref<10112x128xf32, #tpu.memory_space<hbm>> -> memref<632x128xf32, #tpu.memory_space<hbm>>
        %dma_wait3A_24 = arith.constant 0 : i32
        %dma_wait3A_25 = tpu.memref_slice %arg11[%mul3A_0, %dma_wait3A_24] : memref<10112x128xf32, #tpu.memory_space<vmem_shared>> -> memref<632x128xf32, #tpu.memory_space<vmem_shared>>
        tpu.wait_dma2 semaphore(%run_scoped3A : memref<!tpu.dma_semaphore, #tpu.memory_space<semaphore_mem>>) src(%dma_wait3A_25 : memref<632x128xf32, #tpu.memory_space<vmem_shared>>) dst(%dma_wait3A_23 : memref<632x128xf32, #tpu.memory_space<hbm>>)
        tpu.yield
      }) : () -> ()
    } else {
    }
    return
  }
}

module attributes {stable_mosaic.version = 14 : i64} {
  func.func @_dense1_body(%arg0: i32, %arg1: memref<2000x128xf32, #tpu.memory_space<vmem>>, %arg2: memref<2000x128xf32, #tpu.memory_space<vmem>>, %arg3: memref<128x256xf32, #tpu.memory_space<vmem>>, %arg4: memref<128x256xf32, #tpu.memory_space<vmem>>, %arg5: memref<256x128xf32, #tpu.memory_space<vmem>>, %arg6: memref<256x128xf32, #tpu.memory_space<vmem>>, %arg7: memref<2000x128xf32, #tpu.memory_space<vmem>>, %arg8: memref<2000x128xf32, #tpu.memory_space<vmem>>) attributes {dimension_semantics = [#tpu.dimension_semantics<arbitrary>], iteration_bounds = array<i64: 5>, scalar_prefetch = 0 : i64, scratch_operands = 0 : i64, tpu.core_type = #tpu.core_type<tc>, window_params = [{transform_indices = @transform_0, window_bounds = array<i64: 2000, 128>}, {transform_indices = @transform_1, window_bounds = array<i64: 2000, 128>}, {pipeline_mode = #tpu.pipeline_mode<synchronous>, transform_indices = @transform_2, window_bounds = array<i64: 128, 256>}, {pipeline_mode = #tpu.pipeline_mode<synchronous>, transform_indices = @transform_3, window_bounds = array<i64: 128, 256>}, {pipeline_mode = #tpu.pipeline_mode<synchronous>, transform_indices = @transform_4, window_bounds = array<i64: 256, 128>}, {pipeline_mode = #tpu.pipeline_mode<synchronous>, transform_indices = @transform_5, window_bounds = array<i64: 256, 128>}, {transform_indices = @transform_6, window_bounds = array<i64: 2000, 128>}, {transform_indices = @transform_7, window_bounds = array<i64: 2000, 128>}]} {
    %get3A = arith.constant 0 : index
    %get3A_0 = arith.constant 0 : index
    %get3A_1 = vector.load %arg1[%get3A, %get3A_0] : memref<2000x128xf32, #tpu.memory_space<vmem>>, vector<2000x128xf32>
    %get3A_2 = arith.constant 0 : index
    %get3A_3 = arith.constant 0 : index
    %get3A_4 = vector.load %arg3[%get3A_2, %get3A_3] : memref<128x256xf32, #tpu.memory_space<vmem>>, vector<128x256xf32>
    %dot_general3A = arith.constant dense<0.000000e+00> : vector<2000x256xf32>
    %dot_general3A_5 = tpu.matmul %get3A_1, %get3A_4, %dot_general3A {dimension_numbers = #tpu.dot_dimension_numbers<[1], [0], [0], [1], [0, 0, 1, 1], [], []>, transpose_lhs_hint = false} : vector<2000x128xf32>, vector<128x256xf32>, vector<2000x256xf32> -> vector<2000x256xf32>
    %get3A_6 = arith.constant 0 : index
    %get3A_7 = arith.constant 0 : index
    %get3A_8 = vector.load %arg2[%get3A_6, %get3A_7] : memref<2000x128xf32, #tpu.memory_space<vmem>>, vector<2000x128xf32>
    %get3A_9 = arith.constant 0 : index
    %get3A_10 = arith.constant 0 : index
    %get3A_11 = vector.load %arg4[%get3A_9, %get3A_10] : memref<128x256xf32, #tpu.memory_space<vmem>>, vector<128x256xf32>
    %dot_general3A_12 = arith.constant dense<0.000000e+00> : vector<2000x256xf32>
    %dot_general3A_13 = tpu.matmul %get3A_8, %get3A_11, %dot_general3A_12 {dimension_numbers = #tpu.dot_dimension_numbers<[1], [0], [0], [1], [0, 0, 1, 1], [], []>, transpose_lhs_hint = false} : vector<2000x128xf32>, vector<128x256xf32>, vector<2000x256xf32> -> vector<2000x256xf32>
    %add3A = arith.addf %dot_general3A_5, %dot_general3A_13 : vector<2000x256xf32>
    %max3A = arith.constant 0.000000e+00 : f32
    %max3A_14 = vector.broadcast %max3A : f32 to vector<2000x256xf32>
    %max3A_15 = arith.maximumf %add3A, %max3A_14 : vector<2000x256xf32>
    %get3A_16 = arith.constant 0 : index
    %get3A_17 = arith.constant 0 : index
    %get3A_18 = vector.load %arg5[%get3A_16, %get3A_17] : memref<256x128xf32, #tpu.memory_space<vmem>>, vector<256x128xf32>
    %dot_general3A_19 = arith.constant dense<0.000000e+00> : vector<2000x128xf32>
    %dot_general3A_20 = tpu.matmul %max3A_15, %get3A_18, %dot_general3A_19 {dimension_numbers = #tpu.dot_dimension_numbers<[1], [0], [0], [1], [0, 0, 1, 1], [], []>, transpose_lhs_hint = false} : vector<2000x256xf32>, vector<256x128xf32>, vector<2000x128xf32> -> vector<2000x128xf32>
    %swap3A = arith.constant 0 : index
    %swap3A_21 = arith.constant 0 : index
    %swap3A_22 = vector.load %arg7[%swap3A, %swap3A_21] : memref<2000x128xf32, #tpu.memory_space<vmem>>, vector<2000x128xf32>
    tpu.vector_store %arg7[%swap3A, %swap3A_21], %dot_general3A_20 {strides = array<i32>} : memref<2000x128xf32, #tpu.memory_space<vmem>>, vector<2000x128xf32>,
    %get3A_23 = arith.constant 0 : index
    %get3A_24 = arith.constant 0 : index
    %get3A_25 = vector.load %arg6[%get3A_23, %get3A_24] : memref<256x128xf32, #tpu.memory_space<vmem>>, vector<256x128xf32>
    %dot_general3A_26 = arith.constant dense<0.000000e+00> : vector<2000x128xf32>
    %dot_general3A_27 = tpu.matmul %max3A_15, %get3A_25, %dot_general3A_26 {dimension_numbers = #tpu.dot_dimension_numbers<[1], [0], [0], [1], [0, 0, 1, 1], [], []>, transpose_lhs_hint = false} : vector<2000x256xf32>, vector<256x128xf32>, vector<2000x128xf32> -> vector<2000x128xf32>
    %swap3A_28 = arith.constant 0 : index
    %swap3A_29 = arith.constant 0 : index
    %swap3A_30 = vector.load %arg8[%swap3A_28, %swap3A_29] : memref<2000x128xf32, #tpu.memory_space<vmem>>, vector<2000x128xf32>
    tpu.vector_store %arg8[%swap3A_28, %swap3A_29], %dot_general3A_27 {strides = array<i32>} : memref<2000x128xf32, #tpu.memory_space<vmem>>, vector<2000x128xf32>,
    return
  }
  func.func @transform_0(%arg0: i32) -> (i32, i32) {
    %c0_i32 = arith.constant 0 : i32
    %c0_i32_0 = arith.constant 0 : i32
    return %arg0, %c0_i32 : i32, i32
  }
  func.func @transform_1(%arg0: i32) -> (i32, i32) {
    %c0_i32 = arith.constant 0 : i32
    %c0_i32_0 = arith.constant 0 : i32
    return %arg0, %c0_i32 : i32, i32
  }
  func.func @transform_2(%arg0: i32) -> (i32, i32) {
    %c0_i32 = arith.constant 0 : i32
    %c0_i32_0 = arith.constant 0 : i32
    %c0_i32_1 = arith.constant 0 : i32
    return %c0_i32, %c0_i32_0 : i32, i32
  }
  func.func @transform_3(%arg0: i32) -> (i32, i32) {
    %c0_i32 = arith.constant 0 : i32
    %c0_i32_0 = arith.constant 0 : i32
    %c0_i32_1 = arith.constant 0 : i32
    return %c0_i32, %c0_i32_0 : i32, i32
  }
  func.func @transform_4(%arg0: i32) -> (i32, i32) {
    %c0_i32 = arith.constant 0 : i32
    %c0_i32_0 = arith.constant 0 : i32
    %c0_i32_1 = arith.constant 0 : i32
    return %c0_i32, %c0_i32_0 : i32, i32
  }
  func.func @transform_5(%arg0: i32) -> (i32, i32) {
    %c0_i32 = arith.constant 0 : i32
    %c0_i32_0 = arith.constant 0 : i32
    %c0_i32_1 = arith.constant 0 : i32
    return %c0_i32, %c0_i32_0 : i32, i32
  }
  func.func @transform_6(%arg0: i32) -> (i32, i32) {
    %c0_i32 = arith.constant 0 : i32
    %c0_i32_0 = arith.constant 0 : i32
    return %arg0, %c0_i32 : i32, i32
  }
  func.func @transform_7(%arg0: i32) -> (i32, i32) {
    %c0_i32 = arith.constant 0 : i32
    %c0_i32_0 = arith.constant 0 : i32
    return %arg0, %c0_i32 : i32, i32
  }
}

module attributes {stable_mosaic.version = 14 : i64} {
  func.func @_dense2_body(%arg0: i32, %arg1: memref<2000x128xf32, #tpu.memory_space<vmem>>, %arg2: memref<2000x128xf32, #tpu.memory_space<vmem>>, %arg3: memref<1x128xf32, #tpu.memory_space<vmem>>) attributes {dimension_semantics = [#tpu.dimension_semantics<arbitrary>], iteration_bounds = array<i64: 5>, scalar_prefetch = 0 : i64, scratch_operands = 0 : i64, tpu.core_type = #tpu.core_type<tc>, window_params = [{transform_indices = @transform_0, window_bounds = array<i64: 2000, 128>}, {transform_indices = @transform_1, window_bounds = array<i64: 2000, 128>}, {pipeline_mode = #tpu.pipeline_mode<synchronous>, transform_indices = @transform_2, window_bounds = array<i64: 1, 128>}]} {
    %eq3A = arith.constant 0 : i32
    %eq3A_0 = arith.cmpi eq, %arg0, %eq3A : i32
    %convert_element_type3A = arith.extui %eq3A_0 : i1 to i32
    %cond3A = arith.constant 0 : i32
    %cond3A_1 = arith.cmpi ne, %convert_element_type3A, %cond3A : i32
    scf.if %cond3A_1 {
      %broadcast_in_dim3A_21 = arith.constant 0.000000e+00 : f32
      %broadcast_in_dim3A_22 = vector.broadcast %broadcast_in_dim3A_21 : f32 to vector<1x128xf32>
      %swap3A_23 = arith.constant 0 : index
      %swap3A_24 = arith.constant 0 : index
      %swap3A_25 = vector.load %arg3[%swap3A_23, %swap3A_24] : memref<1x128xf32, #tpu.memory_space<vmem>>, vector<1x128xf32>
      tpu.vector_store %arg3[%swap3A_23, %swap3A_24], %broadcast_in_dim3A_22 {strides = array<i32>} : memref<1x128xf32, #tpu.memory_space<vmem>>, vector<1x128xf32>,
    } else {
    }
    %get3A = arith.constant 0 : index
    %get3A_2 = arith.constant 0 : index
    %get3A_3 = vector.load %arg1[%get3A, %get3A_2] : memref<2000x128xf32, #tpu.memory_space<vmem>>, vector<2000x128xf32>
    %get3A_4 = arith.constant 0 : index
    %get3A_5 = arith.constant 0 : index
    %get3A_6 = vector.load %arg2[%get3A_4, %get3A_5] : memref<2000x128xf32, #tpu.memory_space<vmem>>, vector<2000x128xf32>
    %add3A = arith.addf %get3A_3, %get3A_6 : vector<2000x128xf32>
    %max3A = arith.constant 0.000000e+00 : f32
    %max3A_7 = vector.broadcast %max3A : f32 to vector<2000x128xf32>
    %max3A_8 = arith.maximumf %add3A, %max3A_7 : vector<2000x128xf32>
    %get3A_9 = arith.constant 0 : index
    %get3A_10 = arith.constant 0 : index
    %get3A_11 = vector.load %arg3[%get3A_9, %get3A_10] : memref<1x128xf32, #tpu.memory_space<vmem>>, vector<1x128xf32>
    %reduce_sum3A = arith.constant dense<0.000000e+00> : vector<128xf32>
    %reduce_sum3A_12 = vector.multi_reduction <add>, %max3A_8, %reduce_sum3A [0] : vector<2000x128xf32> to vector<128xf32>
    %broadcast_in_dim3A = vector.shape_cast %reduce_sum3A_12 : vector<128xf32> to vector<1x128xf32>
    %add3A_13 = arith.addf %get3A_11, %broadcast_in_dim3A : vector<1x128xf32>
    %swap3A = arith.constant 0 : index
    %swap3A_14 = arith.constant 0 : index
    %swap3A_15 = vector.load %arg3[%swap3A, %swap3A_14] : memref<1x128xf32, #tpu.memory_space<vmem>>, vector<1x128xf32>
    tpu.vector_store %arg3[%swap3A, %swap3A_14], %add3A_13 {strides = array<i32>} : memref<1x128xf32, #tpu.memory_space<vmem>>, vector<1x128xf32>,
    %eq3A_16 = arith.constant 4 : i32
    %eq3A_17 = arith.cmpi eq, %arg0, %eq3A_16 : i32
    %convert_element_type3A_18 = arith.extui %eq3A_17 : i1 to i32
    %cond3A_19 = arith.constant 0 : i32
    %cond3A_20 = arith.cmpi ne, %convert_element_type3A_18, %cond3A_19 : i32
    scf.if %cond3A_20 {
      %get3A_21 = arith.constant 0 : index
      %get3A_22 = arith.constant 0 : index
      %get3A_23 = vector.load %arg3[%get3A_21, %get3A_22] : memref<1x128xf32, #tpu.memory_space<vmem>>, vector<1x128xf32>
      %mul3A = arith.constant 9.99999974E-5 : f32
      %mul3A_24 = vector.broadcast %mul3A : f32 to vector<1x128xf32>
      %mul3A_25 = arith.mulf %get3A_23, %mul3A_24 : vector<1x128xf32>
      %swap3A_26 = arith.constant 0 : index
      %swap3A_27 = arith.constant 0 : index
      %swap3A_28 = vector.load %arg3[%swap3A_26, %swap3A_27] : memref<1x128xf32, #tpu.memory_space<vmem>>, vector<1x128xf32>
      tpu.vector_store %arg3[%swap3A_26, %swap3A_27], %mul3A_25 {strides = array<i32>} : memref<1x128xf32, #tpu.memory_space<vmem>>, vector<1x128xf32>,
    } else {
    }
    return
  }
  func.func @transform_0(%arg0: i32) -> (i32, i32) {
    %c0_i32 = arith.constant 0 : i32
    %c0_i32_0 = arith.constant 0 : i32
    return %arg0, %c0_i32 : i32, i32
  }
  func.func @transform_1(%arg0: i32) -> (i32, i32) {
    %c0_i32 = arith.constant 0 : i32
    %c0_i32_0 = arith.constant 0 : i32
    return %arg0, %c0_i32 : i32, i32
  }
  func.func @transform_2(%arg0: i32) -> (i32, i32) {
    %c0_i32 = arith.constant 0 : i32
    %c0_i32_0 = arith.constant 0 : i32
    %c0_i32_1 = arith.constant 0 : i32
    return %c0_i32, %c0_i32_0 : i32, i32
  }
}

</mosaic_0001>

<sc_bundles>
// kernel: kernel.6.cloned.1.call-start
scs
__scs_entry_jumppad:
0x0: {  	(pc) =	sbr.rel $0x88, $3  }
0x1: {  	(tag) =	ssettag $0x0;
	lr =	simm.s32 $0x1  }
0x2: {  	[smem:$0x3F9A] =	sst lr;
	_ =	strace $0xD0000000  }
0x3: {  	_ = 	snop  }
0x4: {  	_ = 	snop  }
0x5: {  	_ = 	snop  }
0x6: {  	_ = 	snop  }
0x7: {  	_ = 	snop  }
__scs_overlays_trampoline_lowered:
0x8: {  	[smem:$0x3FA9] =	sst s0  }
0x9: {  	[smem:$0x3FAA] =	sst s1  }
0xa: {  	[smem:$0x3FAB] =	sst s2  }
0xb: {  	[smem:$0x3FAC] =	sst s3  }
0xc: {  	[smem:$0x3FAD] =	sst s4  }
0xd: {  	[smem:$0x3FAE] =	sst s5  }
0xe: {  	[smem:$0x3FAF] =	sst s6  }
0xf: {  	[smem:$0x3FB0] =	sst s7  }
0x10: {  	[smem:$0x3FB1] =	sst s8  }
0x11: {  	[smem:$0x3FB2] =	sst s9;
	s0 =	simm.s32 @!p0 $0x0  }
0x12: {  	s1 =	sld [smem:$0x3F98];
	s0 =	simm.s32 @p0 $0x1  }
0x13: {  	[smem:$0x3FB3] =	sst s0;
	s0 =	simm.s32 @!p1 $0x0  }
0x14: {  	s2 =	sld [smem:$0x3F97];
	s0 =	simm.s32 @p1 $0x1  }
0x15: {  	[smem:$0x3FB4] =	sst s0;
	s0 =	simm.s32 @!p2 $0x0  }
0x16: {  	s3 =	sld [smem:$0x3FDB];
	s0 =	simm.s32 @p2 $0x1  }
0x17: {  	s4 =	simm.s32 $0x1BF5;
	[smem:$0x3FB6] =	sst s0  }
0x18: {  	s0 =	sld [smem:$0x3F99];
	_ =	swait.ge [sflag:s4], $0x0  }
0x19: {  	s7 =	sld [smem:$0x3F9A]  }
0x1a: {  	s8 =	sadd.s32 $0xFFFFE003, lr  }
0x1b: {  	s9 =	sadd.s32 $0xFFFFFEF7, lr;
	s5 =	simm.s32 $0xFFFFFFFF;
	p2 =	slt.u32 s8, $0xFFFFF086  }
0x1c: {  	p1 =	slt.u32 s9, $0xF7A;
	s5 =	simm.s32 @!p2 $0x0  }
0x1d: {  	s5 =	simm.s32 @p1 $0x1;
	p0 =	seq.s32 s7, s2  }
0x1e: {  	s7 =	smul.u32 @!p0 $0xF7A, s2;
	p2 =	seq.s32 @!p0 s5, $0x0  }
0x1f: {  	s9 =	smul.u32 $0xF7A, s1;
	s8 =	simm.s32 @!p0 $0x1BF5;
	p2 =	por !p2, p0  }
0x20: {  	[sflag:s8] =	ssyncset.s32 @!p0 $0xFFFFF086;
	s6 =	sadd.s32 @!p0 s3, s7;
	s7 =	simm.s32 @!p0 $0x108  }
0x21: {  	s3 =	sadd.s32 s3, s9;
	s6 =	sadd.s32 @!p0 $0x88, s6;
	s7 =	simm.s32 @p2 $0x1082  }
0x22: {  	[simem:s7], [sflag:s8] =	dma.local @!p0 [hbm:s6], $0xF7A  }
0x23: {  	s9 =	sor.u32 $0xD0000000, s2;
	s6 =	simm.s32 $0x108;
	_ =	swait.ge @!p0 [sflag:s8], $0x0  }
0x24: {  	s3 =	sadd.s32 $0x88, s3;
	s6 =	simm.s32 @!p1 $0x1082;
	[sflag:s4] =	ssyncset.s32 $0xFFFFF086  }
0x25: {  	[simem:s6], [sflag:s4] =	dma.local [hbm:s3], $0xF7A  }
0x26: {  	[smem:$0x3F9A] =	sst s1;
	(tag) =	ssettag s2;
	_ =	strace s9  }
0x27: {  	s1 =	sld [smem:$0x3FAA]  }
0x28: {  	s2 =	sld [smem:$0x3FAB]  }
0x29: {  	s4 =	sld [smem:$0x3FAD]  }
0x2a: {  	p0 =	seq.s32 s5, $0x0;
	s5 =	sld [smem:$0x3FAE]  }
0x2b: {  	s6 =	sld [smem:$0x3FAF]  }
0x2c: {  	s7 =	sld [smem:$0x3FB0]  }
0x2d: {  	s3 =	simm.s32 $0x108;
	s8 =	sld [smem:$0x3FB1]  }
0x2e: {  	s3 =	simm.s32 @!p0 $0x1082;
	s9 =	sld [smem:$0x3FB2]  }
0x2f: {  	lr =	sadd.s32 s0, s3;
	s0 =	sld [smem:$0x3FA9]  }
0x30: {  	s3 =	sld [smem:$0x3FAC]  }
0x31: {  	[smem:$0x3FB5] =	sst s10  }
0x32: {  	s10 =	sld [smem:$0x3FB3];
	_ =	sdelay $0x3  }
0x33: {  	p0 =	seq.s32 s10, $0x1;
	s10 =	sld [smem:$0x3FB5];
	_ =	sdelay $0x3  }
0x34: {  	[smem:$0x3FB5] =	sst s10  }
0x35: {  	s10 =	sld [smem:$0x3FB4];
	_ =	sdelay $0x3  }
0x36: {  	p1 =	seq.s32 s10, $0x1;
	s10 =	sld [smem:$0x3FB5];
	_ =	sdelay $0x3  }
0x37: {  	[smem:$0x3FB5] =	sst s10  }
0x38: {  	s10 =	sld [smem:$0x3FB6]  }
0x39: {  	_ = 	snop;
	(pc) =	sbr.ind lr, $3  }
0x3a: {  	_ = 	snop  }
0x3b: {  	_ = 	snop  }
0x3c: {  	p2 =	seq.s32 s10, $0x1;
	s10 =	sld [smem:$0x3FB5]  }
0x3d: {  	_ =	shalt  }
0x3e: {  	_ =	shalt  }
0x3f: {  	_ =	shalt  }
0x40: {  	_ =	shalt  }
0x41: {  	_ =	shalt  }
0x42: {  	_ =	shalt  }
0x43: {  	_ =	shalt  }
0x44: {  	_ =	shalt  }
0x45: {  	_ =	shalt  }
0x46: {  	_ =	shalt  }
0x47: {  	_ =	shalt  }
0x48: {  	_ =	shalt  }
0x49: {  	_ =	shalt  }
0x4a: {  	_ =	shalt  }
0x4b: {  	_ =	shalt  }
0x4c: {  	_ =	shalt  }
0x4d: {  	_ =	shalt  }
0x4e: {  	_ =	shalt  }
0x4f: {  	_ =	shalt  }
0x50: {  	_ =	shalt  }
0x51: {  	_ =	shalt  }
0x52: {  	_ =	shalt  }
0x53: {  	_ =	shalt  }
0x54: {  	_ =	shalt  }
0x55: {  	_ =	shalt  }
0x56: {  	_ =	shalt  }
0x57: {  	_ =	shalt  }
0x58: {  	_ =	shalt  }
0x59: {  	_ =	shalt  }
0x5a: {  	_ =	shalt  }
0x5b: {  	_ =	shalt  }
0x5c: {  	_ =	shalt  }
0x5d: {  	_ =	shalt  }
0x5e: {  	_ =	shalt  }
0x5f: {  	_ =	shalt  }
0x60: {  	_ =	shalt  }
0x61: {  	_ =	shalt  }
0x62: {  	_ =	shalt  }
0x63: {  	_ =	shalt  }
0x64: {  	_ =	shalt  }
0x65: {  	_ =	shalt  }
0x66: {  	_ =	shalt  }
0x67: {  	_ =	shalt  }
0x68: {  	_ =	shalt  }
0x69: {  	_ =	shalt  }
0x6a: {  	_ =	shalt  }
0x6b: {  	_ =	shalt  }
0x6c: {  	_ =	shalt  }
0x6d: {  	_ =	shalt  }
0x6e: {  	_ =	shalt  }
0x6f: {  	_ =	shalt  }
0x70: {  	_ =	shalt  }
0x71: {  	_ =	shalt  }
0x72: {  	_ =	shalt  }
0x73: {  	_ =	shalt  }
0x74: {  	_ =	shalt  }
0x75: {  	_ =	shalt  }
0x76: {  	_ =	shalt  }
0x77: {  	_ =	shalt  }
0x78: {  	_ =	shalt  }
0x79: {  	_ =	shalt  }
0x7a: {  	_ =	shalt  }
0x7b: {  	_ =	shalt  }
0x7c: {  	_ =	shalt  }
0x7d: {  	_ =	shalt  }
0x7e: {  	_ =	shalt  }
0x7f: {  	_ =	shalt  }
0x80: {  	_ =	shalt  }
0x81: {  	_ =	shalt  }
0x82: {  	_ =	shalt  }
0x83: {  	_ =	shalt  }
0x84: {  	_ =	shalt  }
0x85: {  	_ =	shalt  }
0x86: {  	_ =	shalt  }
0x87: {  	_ =	shalt  }
.Lfunc_end0:
.L_simem_size_0:
called_computation_lowered:
.L_overlay_start_0:
0x88: {  	s2 =	sld [smem:$0x3FD9]  }
0x89: {  	s3 =	sld [smem:$0x3FFE];
	_ =	sdelay $0x1  }
0x8a: {  	s1 =	srdreg.scid  }
0x8b: {  	s0 =	sand.u32 $0x1, s1  }
0x8c: {  	s17 =	sshll.u32 s0, $0xA;
	s2 =	sadd.s32 s3, s2  }
0x8d: {  	s2 =	sadd.s32 s2, s17  }
0x8e: {  	[smem:$0x3FC1] =	sst s2  }
0x8f: {  	_ = 	snop  }
0x90: {  	s2 =	sld [smem:$0x3FC9];
	(tm) =	ssettm $0x1  }
0x91: {  	s18 =	sld [smem:$0x3FFB];
	_ =	sdelay $0x3  }
0x92: {  	_ =	strace s18  }
0x93: {  	s3 =	sld [smem:$0x3FFC];
	_ =	sdelay $0x3  }
0x94: {  	_ =	strace s3  }
0x95: {  	s3 =	sld [smem:$0x3FFD];
	_ =	sdelay $0x3  }
0x96: {  	_ =	strace s3  }
0x97: {  	_ =	strace $0x8FFFFFFF  }
0x98: {  	s19 =	sld [smem:$0x3FDB];
	_ =	sdelay $0x1  }
0x99: {  	s4 =	simm.s32 $_scs_section_size  }
0x9a: {  	s5 =	simm.s32 $_size__tile_overlayer_lowered;
	s6 =	simm.s32 $_tile_overlayer_lowered  }
0x9b: {  	s22 =	simm.s32 $0x1BFF;
	s21 =	sshll.u32 s6, $0x1;
	s3 =	sadd.s32 s4, s19  }
0x9c: {  	s7 =	simm.s32 $0x0;
	s20 =	sshll.u32 s5, $0x1;
	s5 =	sadd.s32 s21, s3  }
0x9d: {  	[timem:s7], [sflag:s22] =	dma.local [hbm:s5], s20  }
0x9e: {  	_ =	swait.ge [sflag:s22], s20  }
0x9f: {  	s4 =	ssub.s32 $0x0, s20;
	[sflag:s22] =	ssyncset.done $0x0  }
0xa0: {  	[sflag:s22] =	ssyncadd.s32 s4;
	_ =	sdelay $0x1  }
0xa1: {  	s23 =	simm.s32 $0x1B8B  }
0xa2: {  	_ =	swait.ge [sflag:s23], $0x1  }
0xa3: {  	[sflag:s23] =	ssyncset.done $0x0  }
0xa4: {  	s25 =	simm.s32 $0x1B8E;
	s24 =	sld [smem:$0x3FFE];
	[sflag:s23] =	ssyncadd.s32 $0xFFFFFFFF  }
0xa5: {  	s26 =	simm.s32 $execute0_lowered;
	[smem:$0x3FD2] =	sst s25  }
0xa6: {  	s5 =	sshll.u32 s26, $0x1;
	_ =	strace $0x80000046;
	[dreg:$0x1] =	wrdreg $0xFFFFFFFF  }
0xa7: {  	s28 =	simm.s32 $_size_execute0_lowered;
	s3 =	sadd.s32 s3, s5;
	[dreg:$0x0] =	wrdreg $0x0  }
0xa8: {  	s5 =	sshll.u32 s28, $0x1;
	[dreg:$0x2] =	wrdreg s3  }
0xa9: {  	[dreg:$0x3] =	wrdreg s5  }
0xaa: {  	[dreg:$0x4] =	wrdreg $0xC0  }
0xab: {  	_ =	task [dreg:s7], $0x5FFFF  }
0xac: {  	[dreg:$0x1] =	wrdreg $0xFFFFFFFF  }
0xad: {  	[dreg:$0x0] =	wrdreg $0x60  }
0xae: {  	[dreg:$0x2] =	wrdreg s2  }
0xaf: {  	[dreg:$0x3] =	wrdreg s24  }
0xb0: {  	[dreg:$0x4] =	wrdreg $0x0  }
0xb1: {  	[dreg:$0x5] =	wrdreg $0x9  }
0xb2: {  	_ =	task.clear_ibuf [dreg:s7], $0x6FFFF;
	_ =	strace $0x90000046  }
0xb3: {  	s29 =	simm.s32 $0x9;
	_ =	strace $0x80000048  }
0xb4: {  	_ =	swait.ge [sflag:s29], $0x1  }
0xb5: {  	[sflag:s29] =	ssyncadd.s32 $0xFFFFFFFF  }
0xb6: {  	_ =	strace $0x90000048  }
0xb7: {  	_ =	sfence  }
0xb8: {  	s30 =	sld [smem:$0x0];
	_ =	sdelay $0x2  }
0xb9: {  	s31 =	sshll.u32 s1, $0xD;
	s1 =	sshrl.u32 s1, $0x2  }
0xba: {  	s3 =	sand.u32 $0x4000, s31;
	s1 =	sadd.s32 s1, s30  }
0xbb: {  	s0 =	sor.u32 s3, s0;
	s1 =	sshll.u32 s1, $0x11  }
0xbc: {  	s0 =	sor.u32 s1, s0  }
0xbd: {  	s0 =	sadd.s32 $0x8F2B, s0  }
0xbe: {  	[sflag:s0] =	ssyncadd.remote.s32 $0x1  }
0xbf: {  	_ =	sfence.sel $0xFFFF  }
0xc0: {  	[dreg:$0x0] =	wrdreg $0xFFFFFFFF;
	(pc) =	sbr.abs _section_cstart, $3  }
0xc1: {  	[dreg:$0x1] =	wrdreg $0xFFFFFFFF  }
0xc2: {  	_ =	task.clear_ibuf [dreg:s7], $0x2FFFF;
	_ =	strace $0x9FFFFFFF  }
0xc3: {  	(tm) =	ssettm $0x7FFFFFFF  }
tec
execute0_lowered:
.L_overlay_start_1:
0x0: {  	(tag) =	ssettag $0x1  }
0x1: {  	s1 =	rddreg [dreg:$0x0]  }
0x2: {  	s0 =	rddreg [dreg:$0x1]  }
0x3: {  	s2 =	rddreg [dreg:$0x2]  }
0x4: {  	s4 =	simm.s32 $0x0;
	s12 =	stileid.u32;
	s7 =	srdreg.scid  }
0x5: {  	s31 =	simm.s32 $0x2;
	[smem:$0x7FF] =	sst s4;
	s3 =	sadd.s32 $0x14E00, s0  }
0x6: {  	s13 =	sadd.s32 $0x1EC00, s0;
	s5 =	smul.u32 $0x2780, s12;
	s6 =	sadd.s32 $0xB000, s0  }
0x7: {  	s8 =	smul.u32 $0x4F000, s12;
	s14 =	sadd.s32 $0x1200, s0;
	s10 =	sadd.s32 $0x28A00, s0  }
0x8: {  	s22 =	sshll.u32 s12, $0x4;
	_ =	strace $0x80000047;
	[dreg:$0x6] =	wrdreg s10  }
0x9: {  	s9 =	sand.u32 $0x1, s7;
	s10 =	sor.u32 $0x9C00, s22;
	[dreg:$0x5] =	wrdreg s14  }
0xa: {  	s7 =	smul.u32 $0x4E00, s12;
	[dreg:$0x4] =	wrdreg s13;
	s24 =	sadd.s32 s14, s10  }
0xb: {  	s8 =	sshrl.u32 s8, $0x2;
	s26 =	sadd.s32 s6, s10;
	[dreg:$0xd] =	wrdreg s24  }
0xc: {  	s11 =	sshrl.u32 s7, $0x3;
	s8 =	sadd.s32 s8, s2;
	[dreg:$0xc] =	wrdreg s26  }
0xd: {  	s0 =	sadd.s32 s5, s0;
	s20 =	sadd.s32 s14, s11;
	[dreg:$0x7] =	wrdreg s8  }
0xe: {  	s30 =	simm.s32 $0xA;
	s17 =	sadd.s32 $0x52A00, s0;
	[dreg:$0x9] =	wrdreg s20  }
0xf: {  	p1 =	sgt.u32 s12, $0x3;
	s0 =	sadd.s32 $0x2B200, s0;
	[dreg:$0x13] =	wrdreg s17  }
0x10: {  	s16 =	sadd.s32 s6, s11;
	s21 =	sor.u32 $0x10, s11;
	[dreg:$0x14] =	wrdreg s0  }
0x11: {  	p2 =	slt.u32 s12, $0x4;
	s15 =	sadd.s32 s6, s21;
	[dreg:$0x8] =	wrdreg s16  }
0x12: {  	s18 =	ssub.s32 $0x2, s9;
	s23 =	sadd.s32 s14, s21;
	[dreg:$0xa] =	wrdreg s15  }
0x13: {  	s19 =	sshrl.u32 s18, $0x1;
	s25 =	sadd.s32 s3, s21;
	[dreg:$0xb] =	wrdreg s23  }
0x14: {  	s5 =	ssub.s32 s18, s19;
	s8 =	sadd.s32 s13, s21;
	[dreg:$0x10] =	wrdreg s25  }
0x15: {  	p0 =	sne.s32 s9, $0x0;
	s18 =	smax.u32 s5, $0x1;
	[dreg:$0x11] =	wrdreg s8  }
0x16: {  	s9 =	simm.s32 $0x1BC00;
	s24 =	sadd.s32 $0x20, s16;
	[dreg:$0x15] =	wrdreg s18  }
0x17: {  	s20 =	sadd.s32 s3, s10;
	s21 =	sadd.s32 s13, s10;
	[dreg:$0x1a] =	wrdreg s24  }
0x18: {  	s15 =	sadd.s32 s3, s11;
	s11 =	sadd.s32 s13, s11;
	[dreg:$0x12] =	wrdreg s20  }
0x19: {  	s16 =	simm.s32 $0x1;
	s23 =	sshll.u32 s12, $0x6;
	[dreg:$0xf] =	wrdreg s11  }
0x1a: {  	s8 =	simm.s32 $0x6;
	s24 =	simm.s32 $0x1FE80;
	[dreg:$0x18] =	wrdreg s23  }
0x1b: {  	s11 =	smul.u32 $0x9C0, s12;
	s0 =	sor.u32 $0x1C0D, s23;
	[dreg:$0xe] =	wrdreg s15  }
0x1c: {  	s25 =	sadd.s32 $0x20, s15;
	s12 =	simm.s32 $0x1FD80;
	[dreg:$0x19] =	wrdreg s0  }
.Ltmp0:
0x1d: {  	s23 =	simm.s32 $0x3;
	[dreg:$0x1b] =	wrdreg s25;
	(pc) =	sbr.rel .LBB2_1-.Ltmp0, $4  }
0x1e: {  	s19 =	sadd.s32 s11, s6;
	s22 =	sadd.s32 s11, s3;
	s28 =	sadd.s32 s11, s14  }
0x1f: {  	s29 =	sadd.s32 s11, s13;
	s13 =	simm.s32 $0x7;
	s3 =	simm.s32 $0xB  }
0x20: {  	s11 =	simm.s32 $0x9;
	s6 =	simm.s32 $0x0;
	[dreg:$0x16] =	wrdreg s19  }
0x21: {  	[dreg:$0x17] =	wrdreg s22;
	s22 =	simm.s32 $0x80;
	s19 =	simm.s32 $0x8  }
.LBB2_14:
0x22: {  	_ =	swait.ge [sflag:s16], $0x4000  }
0x23: {  	[sflag:s16] =	ssyncset.done $0x0  }
0x24: {  	[sflag:s16] =	ssyncadd.s32 $0xFFFFC000  }
0x25: {  	_ =	swait.ge [sflag:s13], $0x80  }
0x26: {  	[sflag:s13] =	ssyncset.done $0x0  }
0x27: {  	s0 =	simm.s32 $0x13C00;
	s25 =	simm.s32 $0xE;
	[sflag:s13] =	ssyncadd.s32 $0xFFFFFF80  }
0x28: {  	[spmem:s2] =	stream.indirect.scatter.add.f32 [tilespmem:s0], [sflag:$0xE], $0x80, s12, s22, $0xb8;
	[tilespmem:$0x1FF00] =	vst v63  }
0x29: {  	_ =	swait.ge [sflag:s25], $0x4000  }
0x2a: {  	[sflag:s25] =	ssyncset.done $0x0  }
0x2b: {  	[sflag:s25] =	ssyncadd.s32 $0xFFFFC000  }
.LBB2_15:
0x2c: {  	[bflag:$0x0] =	sbarrier.arrive $0xFFFF  }
0x2d: {  	s0 =	rddreg [dreg:$0x18]  }
0x2e: {  	s18 =	simm.s32 $0xE;
	s10 =	rddreg [dreg:$0x1d];
	s0 =	sor.u32 $0x1C0E, s0  }
0x2f: {  	[hbm:s5], [sflag:s0] =	dma.local [spmem:s10], $0x2780  }
0x30: {  	_ =	swait.ge [sflag:s18], $0x2780  }
0x31: {  	s6 =	sadd.s32 $0x1, s6;
	s25 =	rddreg [dreg:$0x15]  }
0x32: {  	p3 =	sne.s32 s6, s25  }
.Ltmp1:
0x33: {  	_ = 	snop;
	(pc) =	sbr.rel @!p3 .LBB2_16-.Ltmp1, $3  }
0x34: {  	_ =	sdelay $0x1  }
0x35: {  	[sflag:s18] =	ssyncset.done $0x0  }
0x36: {  	[sflag:s18] =	ssyncadd.s32 $0xFFFFD880  }
.LBB2_1:
0x37: {  	[dreg:$0x1c] =	wrdreg s6  }
0x38: {  	s0 =	rddreg [dreg:$0x7]  }
.Ltmp2:
0x39: {  	s25 =	rddreg [dreg:$0x6];
	(pc) =	sbr.rel @p0 .LBB2_8-.Ltmp2, $4  }
0x3a: {  	s5 =	rddreg [dreg:$0x19];
	s18 =	sshrl.u32 s0, $0x3  }
0x3b: {  	[dreg:$0x1d] =	wrdreg s18  }
0x3c: {  	[spmem:s18], [sflag:s5] =	dma.local [hbm:s25], $0x2780  }
0x3d: {  	s5 =	simm.s32 $0x0  }
0x3e: {  	s0 =	rddreg [dreg:$0xe];
	s6 =	simm.s32 $0x1FC00  }
0x3f: {  	[tilespmem:s6], [sflag:$0x4] =	stream.linear.gather [hbm4b:s0+s5], $0x80, $0x38;
	[tilespmem:$0x1FF00] =	vst v63  }
0x40: {  	s15 =	rddreg [dreg:$0xf]  }
0x41: {  	[tilespmem:s12], [sflag:$0x7] =	stream.linear.gather [hbm4b:s15+s5], $0x80, $0x38;
	[tilespmem:$0x1FF00] =	vst v63  }
0x42: {  	s17 =	rddreg [dreg:$0x10];
	s10 =	simm.s32 $0x1FC80  }
0x43: {  	[tilespmem:s10], [sflag:$0x5] =	stream.linear.gather [hbm4b:s17+s5], $0x80, $0x38;
	[tilespmem:$0x1FF00] =	vst v63  }
0x44: {  	s18 =	rddreg [dreg:$0x11];
	s14 =	simm.s32 $0x1FE00  }
0x45: {  	[tilespmem:s14], [sflag:$0x8] =	stream.linear.gather [hbm4b:s18+s5], $0x80, $0x38;
	[tilespmem:$0x1FF00] =	vst v63  }
0x46: {  	s25 =	rddreg [dreg:$0x1b];
	s26 =	simm.s32 $0x1FD00;
	s15 =	simm.s32 $0x4  }
0x47: {  	[tilespmem:s26], [sflag:$0x6] =	stream.linear.gather [hbm4b:s25+s5], $0x80, $0x38;
	[tilespmem:$0x1FF00] =	vst v63  }
0x48: {  	_ =	swait.ge [sflag:s15], $0x80  }
0x49: {  	[sflag:s15] =	ssyncset.done $0x0  }
0x4a: {  	s17 =	simm.s32 $0x13C00;
	s18 =	simm.s32 $0x5;
	[sflag:s15] =	ssyncadd.s32 $0xFFFFFF80  }
0x4b: {  	[tilespmem:s17], [sflag:$0x1] =	stream.indirect.gather [hbm4b:s1+s22], $0x80, s6, s22, $0xb8;
	[tilespmem:$0x1FF00] =	vst v63  }
0x4c: {  	_ =	swait.ge [sflag:s18], $0x80  }
0x4d: {  	[sflag:s18] =	ssyncset.done $0x0  }
0x4e: {  	s25 =	simm.s32 $0x17C00;
	s26 =	simm.s32 $0xD;
	[sflag:s18] =	ssyncadd.s32 $0xFFFFFF80  }
0x4f: {  	[tilespmem:s25], [sflag:$0x2] =	stream.indirect.gather [hbm4b:s1+s22], $0x80, s10, s22, $0xb8;
	[tilespmem:$0x1FF00] =	vst v63  }
.Ltmp3:
0x50: {  	_ =	swait.ge [sflag:s26], $0x2780;
	(pc) =	sbr.rel .LBB2_3-.Ltmp3, $4  }
0x51: {  	[sflag:s26] =	ssyncset.done $0x0  }
0x52: {  	[sflag:s26] =	ssyncadd.s32 $0xFFFFD880  }
0x53: {  	[bflag:$0x0] =	sbarrier.arrive $0xFFFF  }
0x54: {  	s6 =	simm.s32 $0x200;
	s15 =	rddreg [dreg:$0x17]  }
.LBB2_5:
0x55: {  	s0 =	simm.s32 @!p4 $0x4  }
0x56: {  	_ =	swait.ge @!p4 [sflag:s0], $0x80  }
0x57: {  	[sflag:s0] =	ssyncset.done @!p4 $0x0  }
0x58: {  	s10 =	simm.s32 @!p4 $0x13C00;
	[sflag:s0] =	ssyncadd.s32 @!p4 $0xFFFFFF80;
	s0 =	simm.s32 @!p4 $0x80  }
0x59: {  	[tilespmem:s10], [sflag:$0x1] =	stream.indirect.gather @!p4 [hbm4b:s1+s0], $0x80, s25, s0, $0xb8;
	[tilespmem:$0x1FF00] =	vst v63  }
.LBB2_6:
0x5a: {  	s5 =	sadd.s32 $0x30, s5  }
0x5b: {  	p3 =	sne.s32 s5, $0x9C0  }
.Ltmp4:
0x5c: {  	_ = 	snop;
	(pc) =	sbr.rel @!p3 .LBB2_7-.Ltmp4, $2  }
0x5d: {  	_ =	sdelay $0x2  }
0x5e: {  	s6 =	sadd.s32 $0x180, s6  }
.LBB2_3:
0x5f: {  	_ =	swait.ge [sflag:s16], $0x4000  }
0x60: {  	p3 =	seq.s32 s5, $0x0;
	[sflag:s16] =	ssyncset.done $0x0  }
0x61: {  	s25 =	simm.s32 @!p3 $0xC;
	[sflag:s16] =	ssyncadd.s32 $0xFFFFC000  }
0x62: {  	_ =	swait.ge @!p3 [sflag:s25], $0x4000  }
0x63: {  	[sflag:s25] =	ssyncset.done @!p3 $0x0  }
0x64: {  	[sflag:s25] =	ssyncadd.s32 @!p3 $0xFFFFC000  }
0x65: {  	_ =	swait.ge [sflag:s8], $0x80  }
0x66: {  	s0 =	simm.s32 $0x1FD00;
	p3 =	seq.s32 s5, $0x990;
	[sflag:s8] =	ssyncset.done $0x0  }
0x67: {  	s10 =	sadd.s32 s5, s29;
	s26 =	sadd.s32 @!p3 s5, s15;
	[sflag:s8] =	ssyncadd.s32 $0xFFFFFF80  }
0x68: {  	[tilespmem:s9], [sflag:$0x3] =	stream.indirect.gather [hbm4b:s1+s22], $0x80, s0, s22, $0xb8;
	[tilespmem:$0x1FF00] =	vst v63  }
0x69: {  	s17 =	simm.s32 @!p3 $0x0;
	s18 =	simm.s32 @!p3 $0x1FC00;
	s25 =	sadd.s32 @!p3 $0x30, s26  }
0x6a: {  	[tilespmem:s18], [sflag:$0x4] =	stream.linear.gather @!p3 [hbm4b:s25+s17], $0x80, $0x38;
	[tilespmem:$0x1FF00] =	vst v63  }
0x6b: {  	s25 =	sadd.s32 $0x20, s10  }
0x6c: {  	[tilespmem:s24], [sflag:$0x9] =	stream.linear.gather [hbm4b:s25+s4], $0x80, $0x38;
	[tilespmem:$0x1FF00] =	vst v63  }
0x6d: {  	_ =	swait.ge [sflag:s13], $0x80  }
0x6e: {  	[sflag:s13] =	ssyncset.done $0x0  }
0x6f: {  	s14 =	simm.s32 $0x13C00;
	[sflag:s13] =	ssyncadd.s32 $0xFFFFFF80  }
0x70: {  	[spmem:s2] =	stream.indirect.scatter.add.f32 [tilespmem:s14], [sflag:$0xA], $0x80, s12, s22, $0xb8;
	[tilespmem:$0x1FF00] =	vst v63  }
0x71: {  	_ =	swait.ge [sflag:s31], $0x4000  }
0x72: {  	[sflag:s31] =	ssyncset.done $0x0  }
0x73: {  	[sflag:s31] =	ssyncadd.s32 $0xFFFFC000  }
0x74: {  	_ =	swait.ge [sflag:s30], $0x4000  }
0x75: {  	[sflag:s30] =	ssyncset.done $0x0  }
0x76: {  	s25 =	simm.s32 @!p3 $0x4;
	[sflag:s30] =	ssyncadd.s32 $0xFFFFC000  }
0x77: {  	_ =	swait.ge @!p3 [sflag:s25], $0x80  }
0x78: {  	[sflag:s25] =	ssyncset.done @!p3 $0x0  }
0x79: {  	s0 =	simm.s32 @!p3 $0x80;
	[sflag:s25] =	ssyncadd.s32 @!p3 $0xFFFFFF80;
	s25 =	simm.s32 @!p3 $0x13C00  }
0x7a: {  	[tilespmem:s25], [sflag:$0x1] =	stream.indirect.gather @!p3 [hbm4b:s1+s0], $0x80, s18, s0, $0xb8;
	[tilespmem:$0x1FF00] =	vst v63  }
0x7b: {  	s10 =	simm.s32 @!p3 $0x1FC80;
	s18 =	sadd.s32 @!p3 $0x40, s26  }
0x7c: {  	[tilespmem:s10], [sflag:$0x5] =	stream.linear.gather @!p3 [hbm4b:s18+s17], $0x80, $0x38;
	[tilespmem:$0x1FF00] =	vst v63  }
0x7d: {  	s18 =	sadd.s32 @!p3 s5, s29  }
0x7e: {  	s25 =	simm.s32 @!p3 $0x1FD80;
	s18 =	sadd.s32 @!p3 $0x30, s18  }
0x7f: {  	[tilespmem:s25], [sflag:$0x7] =	stream.linear.gather @!p3 [hbm4b:s18+s17], $0x80, $0x38;
	[tilespmem:$0x1FF00] =	vst v63  }
0x80: {  	p4 =	sne.s32 @!p1 s5, $0x990;
	_ =	swait.ge [sflag:s19], $0x80  }
0x81: {  	p4 =	por p4, p1;
	[sflag:s19] =	ssyncset.done $0x0  }
0x82: {  	s14 =	simm.s32 $0x1FE00;
	s25 =	simm.s32 $0x17C00;
	[sflag:s19] =	ssyncadd.s32 $0xFFFFFF80  }
0x83: {  	[spmem:s2] =	stream.indirect.scatter.add.f32 [tilespmem:s25], [sflag:$0xB], $0x80, s14, s22, $0xb8;
	[tilespmem:$0x1FF00] =	vst v63  }
0x84: {  	s18 =	simm.s32 @!p4 $0x0;
	s25 =	simm.s32 @!p4 $0x1FC00  }
0x85: {  	[tilespmem:s25], [sflag:$0x4] =	stream.linear.gather @!p4 [hbm4b:s20+s18], $0x80, $0x38;
	[tilespmem:$0x1FF00] =	vst v63  }
0x86: {  	s14 =	simm.s32 @!p4 $0x1FD80  }
0x87: {  	[tilespmem:s14], [sflag:$0x7] =	stream.linear.gather @!p4 [hbm4b:s21+s18], $0x80, $0x38;
	[tilespmem:$0x1FF00] =	vst v63  }
0x88: {  	_ =	swait.ge [sflag:s23], $0x4000  }
0x89: {  	[sflag:s23] =	ssyncset.done $0x0  }
0x8a: {  	[sflag:s23] =	ssyncadd.s32 $0xFFFFC000  }
0x8b: {  	_ =	swait.ge [sflag:s3], $0x4000  }
0x8c: {  	[sflag:s3] =	ssyncset.done $0x0  }
0x8d: {  	s14 =	simm.s32 @!p3 $0x5;
	[sflag:s3] =	ssyncadd.s32 $0xFFFFC000  }
0x8e: {  	_ =	swait.ge @!p3 [sflag:s14], $0x80  }
0x8f: {  	[sflag:s14] =	ssyncset.done @!p3 $0x0  }
0x90: {  	[sflag:s14] =	ssyncadd.s32 @!p3 $0xFFFFFF80;
	s14 =	simm.s32 @!p3 $0x17C00  }
0x91: {  	[tilespmem:s14], [sflag:$0x2] =	stream.indirect.gather @!p3 [hbm4b:s1+s0], $0x80, s10, s0, $0xb8;
	[tilespmem:$0x1FF00] =	vst v63  }
0x92: {  	s0 =	sadd.s32 @!p3 $0x50, s26;
	s10 =	simm.s32 @!p3 $0x1FD00  }
0x93: {  	[tilespmem:s10], [sflag:$0x6] =	stream.linear.gather @!p3 [hbm4b:s0+s17], $0x80, $0x38;
	[tilespmem:$0x1FF00] =	vst v63  }
0x94: {  	s0 =	smov.u32 s6  }
0x95: {  	s0 =	simm.s32 @p3 $0x4E80  }
0x96: {  	s0 =	sadd.s32 @!p3 s7, s0  }
0x97: {  	s10 =	rddreg [dreg:$0x4];
	s0 =	sshrl.u32 @!p3 s0, $0x3  }
0x98: {  	s0 =	sadd.s32 @!p3 s10, s0;
	s10 =	simm.s32 @!p3 $0x1FE00  }
0x99: {  	[tilespmem:s10], [sflag:$0x8] =	stream.linear.gather @!p3 [hbm4b:s0+s17], $0x80, $0x38;
	[tilespmem:$0x1FF00] =	vst v63  }
0x9a: {  	p3 =	sne.s32 @!p1 s5, $0x980  }
0x9b: {  	p3 =	por p1, p3  }
.Ltmp5:
0x9c: {  	_ = 	snop;
	(pc) =	sbr.rel @p3 .LBB2_5-.Ltmp5, $4  }
0x9d: {  	_ =	swait.ge [sflag:s11], $0x80  }
0x9e: {  	[sflag:s11] =	ssyncset.done $0x0  }
0x9f: {  	[sflag:s11] =	ssyncadd.s32 $0xFFFFFF80  }
0xa0: {  	[spmem:s2] =	stream.indirect.scatter.add.f32 [tilespmem:s9], [sflag:$0xC], $0x80, s24, s22, $0xb8;
	[tilespmem:$0x1FF00] =	vst v63  }
.Ltmp6:
0xa1: {  	(pc) =	sbr.rel .LBB2_6-.Ltmp6, $4  }
0xa2: {  	s0 =	simm.s32 $0x1FC00  }
0xa3: {  	[tilespmem:s0], [sflag:$0x4] =	stream.linear.gather [hbm4b:s20+s4], $0x80, $0x38;
	[tilespmem:$0x1FF00] =	vst v63  }
0xa4: {  	_ = 	snop  }
0xa5: {  	[tilespmem:s12], [sflag:$0x7] =	stream.linear.gather [hbm4b:s21+s4], $0x80, $0x38;
	[tilespmem:$0x1FF00] =	vst v63  }
.LBB2_8:
0xa6: {  	s0 =	rddreg [dreg:$0x8];
	s6 =	simm.s32 $0x1FC00  }
0xa7: {  	[tilespmem:s6], [sflag:$0x4] =	stream.linear.gather [hbm4b:s0+s5], $0x80, $0x38;
	[tilespmem:$0x1FF00] =	vst v63  }
0xa8: {  	s15 =	rddreg [dreg:$0x9]  }
0xa9: {  	[tilespmem:s12], [sflag:$0x7] =	stream.linear.gather [hbm4b:s15+s5], $0x80, $0x38;
	[tilespmem:$0x1FF00] =	vst v63  }
0xaa: {  	s17 =	rddreg [dreg:$0xa];
	s10 =	simm.s32 $0x1FC80  }
0xab: {  	[tilespmem:s10], [sflag:$0x5] =	stream.linear.gather [hbm4b:s17+s5], $0x80, $0x38;
	[tilespmem:$0x1FF00] =	vst v63  }
0xac: {  	s18 =	rddreg [dreg:$0xb];
	s14 =	simm.s32 $0x1FE00  }
0xad: {  	[tilespmem:s14], [sflag:$0x8] =	stream.linear.gather [hbm4b:s18+s5], $0x80, $0x38;
	[tilespmem:$0x1FF00] =	vst v63  }
0xae: {  	s20 =	rddreg [dreg:$0x1a];
	s25 =	simm.s32 $0x1FD00;
	s15 =	simm.s32 $0x4  }
0xaf: {  	[tilespmem:s25], [sflag:$0x6] =	stream.linear.gather [hbm4b:s20+s5], $0x80, $0x38;
	[tilespmem:$0x1FF00] =	vst v63  }
0xb0: {  	_ =	swait.ge [sflag:s15], $0x80  }
0xb1: {  	[sflag:s15] =	ssyncset.done $0x0  }
0xb2: {  	s17 =	simm.s32 $0x13C00;
	s18 =	simm.s32 $0x5;
	[sflag:s15] =	ssyncadd.s32 $0xFFFFFF80  }
0xb3: {  	[tilespmem:s17], [sflag:$0x1] =	stream.indirect.gather [hbm4b:s1+s22], $0x80, s6, s22, $0xb8;
	[tilespmem:$0x1FF00] =	vst v63  }
0xb4: {  	_ =	swait.ge [sflag:s18], $0x80  }
0xb5: {  	[sflag:s18] =	ssyncset.done $0x0  }
0xb6: {  	s20 =	simm.s32 $0x17C00;
	s25 =	simm.s32 $0xD;
	[sflag:s18] =	ssyncadd.s32 $0xFFFFFF80  }
0xb7: {  	[tilespmem:s20], [sflag:$0x2] =	stream.indirect.gather [hbm4b:s1+s22], $0x80, s10, s22, $0xb8;
	[tilespmem:$0x1FF00] =	vst v63  }
.Ltmp7:
0xb8: {  	_ =	swait.ge [sflag:s25], $0x2780;
	(pc) =	sbr.rel .LBB2_9-.Ltmp7, $4  }
0xb9: {  	[sflag:s25] =	ssyncset.done $0x0  }
0xba: {  	[sflag:s25] =	ssyncadd.s32 $0xFFFFD880  }
0xbb: {  	[bflag:$0x0] =	sbarrier.arrive $0xFFFF  }
0xbc: {  	s6 =	simm.s32 $0x200  }
.LBB2_11:
0xbd: {  	s0 =	simm.s32 @!p4 $0x4  }
0xbe: {  	_ =	swait.ge @!p4 [sflag:s0], $0x80  }
0xbf: {  	s10 =	simm.s32 @!p4 $0x13C00;
	[sflag:s0] =	ssyncset.done @!p4 $0x0  }
0xc0: {  	s26 =	smov.u32 s15;
	[sflag:s0] =	ssyncadd.s32 @!p4 $0xFFFFFF80;
	s0 =	simm.s32 @!p4 $0x80  }
0xc1: {  	[tilespmem:s10], [sflag:$0x1] =	stream.indirect.gather @!p4 [hbm4b:s1+s0], $0x80, s25, s0, $0xb8;
	[tilespmem:$0x1FF00] =	vst v63  }
.LBB2_12:
0xc2: {  	s5 =	sadd.s32 $0x30, s5  }
0xc3: {  	p3 =	sne.s32 s5, $0x9C0  }
.Ltmp8:
0xc4: {  	_ = 	snop;
	(pc) =	sbr.rel @!p3 .LBB2_13-.Ltmp8, $2  }
0xc5: {  	_ =	sdelay $0x2  }
0xc6: {  	s6 =	sadd.s32 $0x180, s6  }
.LBB2_9:
0xc7: {  	_ =	swait.ge [sflag:s16], $0x4000  }
0xc8: {  	p3 =	seq.s32 s5, $0x0;
	[sflag:s16] =	ssyncset.done $0x0  }
0xc9: {  	s0 =	simm.s32 @!p3 $0xC;
	[sflag:s16] =	ssyncadd.s32 $0xFFFFC000  }
0xca: {  	_ =	swait.ge @!p3 [sflag:s0], $0x4000  }
0xcb: {  	[sflag:s0] =	ssyncset.done @!p3 $0x0  }
0xcc: {  	[sflag:s0] =	ssyncadd.s32 @!p3 $0xFFFFC000  }
0xcd: {  	s17 =	simm.s32 $0x1FD00;
	_ =	swait.ge [sflag:s8], $0x80  }
0xce: {  	p3 =	seq.s32 s5, $0x990;
	[sflag:s8] =	ssyncset.done $0x0;
	s0 =	rddreg [dreg:$0x16]  }
0xcf: {  	s18 =	sadd.s32 s5, s28;
	[sflag:s8] =	ssyncadd.s32 $0xFFFFFF80;
	s0 =	sadd.s32 @!p3 s5, s0  }
0xd0: {  	[tilespmem:s9], [sflag:$0x3] =	stream.indirect.gather [hbm4b:s1+s22], $0x80, s17, s22, $0xb8;
	[tilespmem:$0x1FF00] =	vst v63  }
0xd1: {  	s14 =	simm.s32 @!p3 $0x0;
	s10 =	sadd.s32 @!p3 $0x30, s0;
	s17 =	simm.s32 @!p3 $0x1FC00  }
0xd2: {  	[tilespmem:s17], [sflag:$0x4] =	stream.linear.gather @!p3 [hbm4b:s10+s14], $0x80, $0x38;
	[tilespmem:$0x1FF00] =	vst v63  }
0xd3: {  	s10 =	sadd.s32 $0x20, s18  }
0xd4: {  	[tilespmem:s24], [sflag:$0x9] =	stream.linear.gather [hbm4b:s10+s4], $0x80, $0x38;
	[tilespmem:$0x1FF00] =	vst v63  }
0xd5: {  	_ =	swait.ge [sflag:s13], $0x80  }
0xd6: {  	[sflag:s13] =	ssyncset.done $0x0  }
0xd7: {  	s20 =	simm.s32 $0x13C00;
	[sflag:s13] =	ssyncadd.s32 $0xFFFFFF80  }
0xd8: {  	[spmem:s2] =	stream.indirect.scatter.add.f32 [tilespmem:s20], [sflag:$0xA], $0x80, s12, s22, $0xb8;
	[tilespmem:$0x1FF00] =	vst v63  }
0xd9: {  	_ =	swait.ge [sflag:s31], $0x4000  }
0xda: {  	[sflag:s31] =	ssyncset.done $0x0  }
0xdb: {  	[sflag:s31] =	ssyncadd.s32 $0xFFFFC000  }
0xdc: {  	_ =	swait.ge [sflag:s30], $0x4000  }
0xdd: {  	[sflag:s30] =	ssyncset.done $0x0  }
0xde: {  	s10 =	simm.s32 @!p3 $0x4;
	[sflag:s30] =	ssyncadd.s32 $0xFFFFC000  }
0xdf: {  	_ =	swait.ge @!p3 [sflag:s10], $0x80  }
0xe0: {  	[sflag:s10] =	ssyncset.done @!p3 $0x0  }
0xe1: {  	s18 =	simm.s32 @!p3 $0x13C00;
	[sflag:s10] =	ssyncadd.s32 @!p3 $0xFFFFFF80;
	s10 =	simm.s32 @!p3 $0x80  }
0xe2: {  	[tilespmem:s18], [sflag:$0x1] =	stream.indirect.gather @!p3 [hbm4b:s1+s10], $0x80, s17, s10, $0xb8;
	[tilespmem:$0x1FF00] =	vst v63  }
0xe3: {  	s17 =	sadd.s32 @!p3 $0x40, s0;
	s18 =	simm.s32 @!p3 $0x1FC80  }
0xe4: {  	[tilespmem:s18], [sflag:$0x5] =	stream.linear.gather @!p3 [hbm4b:s17+s14], $0x80, $0x38;
	[tilespmem:$0x1FF00] =	vst v63  }
0xe5: {  	s17 =	sadd.s32 @!p3 s5, s28  }
0xe6: {  	s25 =	simm.s32 @!p3 $0x1FD80;
	s17 =	sadd.s32 @!p3 $0x30, s17  }
0xe7: {  	[tilespmem:s25], [sflag:$0x7] =	stream.linear.gather @!p3 [hbm4b:s17+s14], $0x80, $0x38;
	[tilespmem:$0x1FF00] =	vst v63  }
0xe8: {  	_ =	swait.ge [sflag:s19], $0x80  }
0xe9: {  	s15 =	simm.s32 $0x1FE00;
	p4 =	sne.s32 @!p1 s5, $0x990;
	[sflag:s19] =	ssyncset.done $0x0  }
0xea: {  	p4 =	por p4, p1;
	s25 =	simm.s32 $0x17C00;
	[sflag:s19] =	ssyncadd.s32 $0xFFFFFF80  }
0xeb: {  	[spmem:s2] =	stream.indirect.scatter.add.f32 [tilespmem:s25], [sflag:$0xB], $0x80, s15, s22, $0xb8;
	[tilespmem:$0x1FF00] =	vst v63  }
0xec: {  	s17 =	simm.s32 @!p4 $0x0;
	s25 =	simm.s32 @!p4 $0x1FC00  }
0xed: {  	[tilespmem:s25], [sflag:$0x4] =	stream.linear.gather @!p4 [hbm4b:s26+s17], $0x80, $0x38;
	[tilespmem:$0x1FF00] =	vst v63  }
0xee: {  	s20 =	rddreg [dreg:$0xd];
	s15 =	smov.u32 s26;
	s26 =	simm.s32 @!p4 $0x1FD80  }
0xef: {  	[tilespmem:s26], [sflag:$0x7] =	stream.linear.gather @!p4 [hbm4b:s20+s17], $0x80, $0x38;
	[tilespmem:$0x1FF00] =	vst v63  }
0xf0: {  	_ =	swait.ge [sflag:s23], $0x4000  }
0xf1: {  	[sflag:s23] =	ssyncset.done $0x0  }
0xf2: {  	[sflag:s23] =	ssyncadd.s32 $0xFFFFC000  }
0xf3: {  	_ =	swait.ge [sflag:s3], $0x4000  }
0xf4: {  	[sflag:s3] =	ssyncset.done $0x0  }
0xf5: {  	s17 =	simm.s32 @!p3 $0x5;
	[sflag:s3] =	ssyncadd.s32 $0xFFFFC000  }
0xf6: {  	_ =	swait.ge @!p3 [sflag:s17], $0x80  }
0xf7: {  	[sflag:s17] =	ssyncset.done @!p3 $0x0  }
0xf8: {  	[sflag:s17] =	ssyncadd.s32 @!p3 $0xFFFFFF80;
	s17 =	simm.s32 @!p3 $0x17C00  }
0xf9: {  	[tilespmem:s17], [sflag:$0x2] =	stream.indirect.gather @!p3 [hbm4b:s1+s10], $0x80, s18, s10, $0xb8;
	[tilespmem:$0x1FF00] =	vst v63  }
0xfa: {  	s0 =	sadd.s32 @!p3 $0x50, s0;
	s10 =	simm.s32 @!p3 $0x1FD00  }
0xfb: {  	[tilespmem:s10], [sflag:$0x6] =	stream.linear.gather @!p3 [hbm4b:s0+s14], $0x80, $0x38;
	[tilespmem:$0x1FF00] =	vst v63  }
0xfc: {  	s0 =	smov.u32 s6  }
0xfd: {  	s0 =	simm.s32 @p3 $0x4E80  }
0xfe: {  	s0 =	sadd.s32 @!p3 s7, s0  }
0xff: {  	s10 =	rddreg [dreg:$0x5];
	s0 =	sshrl.u32 @!p3 s0, $0x3  }
0x100: {  	s0 =	sadd.s32 @!p3 s10, s0;
	s10 =	simm.s32 @!p3 $0x1FE00  }
0x101: {  	[tilespmem:s10], [sflag:$0x8] =	stream.linear.gather @!p3 [hbm4b:s0+s14], $0x80, $0x38;
	[tilespmem:$0x1FF00] =	vst v63  }
0x102: {  	p3 =	sne.s32 @!p1 s5, $0x980  }
0x103: {  	p3 =	por p1, p3  }
.Ltmp9:
0x104: {  	_ = 	snop;
	(pc) =	sbr.rel @p3 .LBB2_11-.Ltmp9, $4  }
0x105: {  	_ =	swait.ge [sflag:s11], $0x80  }
0x106: {  	[sflag:s11] =	ssyncset.done $0x0  }
0x107: {  	[sflag:s11] =	ssyncadd.s32 $0xFFFFFF80  }
0x108: {  	[spmem:s2] =	stream.indirect.scatter.add.f32 [tilespmem:s9], [sflag:$0xC], $0x80, s24, s22, $0xb8;
	[tilespmem:$0x1FF00] =	vst v63  }
.Ltmp10:
0x109: {  	(pc) =	sbr.rel .LBB2_12-.Ltmp10, $4  }
0x10a: {  	s0 =	simm.s32 $0x1FC00  }
0x10b: {  	[tilespmem:s0], [sflag:$0x4] =	stream.linear.gather [hbm4b:s15+s4], $0x80, $0x38;
	[tilespmem:$0x1FF00] =	vst v63  }
0x10c: {  	s26 =	smov.u32 s15  }
0x10d: {  	[tilespmem:s12], [sflag:$0x7] =	stream.linear.gather [hbm4b:s20+s4], $0x80, $0x38;
	[tilespmem:$0x1FF00] =	vst v63  }
.LBB2_7:
.Ltmp11:
0x10e: {  	s0 =	simm.s32 $0xC;
	(pc) =	sbr.rel @p2 .LBB2_14-.Ltmp11, $4  }
.Ltmp12:
0x10f: {  	_ =	swait.ge [sflag:s0], $0x4000;
	(pc) =	sbr.rel @!p2 .LBB2_15-.Ltmp12, $4  }
0x110: {  	s5 =	rddreg [dreg:$0x14]  }
0x111: {  	[sflag:s0] =	ssyncset.done $0x0;
	s26 =	rddreg [dreg:$0xc]  }
0x112: {  	s6 =	rddreg [dreg:$0x1c];
	[sflag:s0] =	ssyncadd.s32 $0xFFFFC000  }
0x113: {  	_ = 	snop  }
.LBB2_13:
.Ltmp13:
0x114: {  	s0 =	simm.s32 $0xC;
	(pc) =	sbr.rel @p1 .LBB2_15-.Ltmp13, $4  }
.Ltmp14:
0x115: {  	_ =	swait.ge [sflag:s0], $0x4000;
	(pc) =	sbr.rel @!p1 .LBB2_14-.Ltmp14, $4  }
0x116: {  	s5 =	rddreg [dreg:$0x13]  }
0x117: {  	[sflag:s0] =	ssyncset.done $0x0;
	s20 =	rddreg [dreg:$0x12]  }
0x118: {  	s6 =	rddreg [dreg:$0x1c];
	[sflag:s0] =	ssyncadd.s32 $0xFFFFC000  }
0x119: {  	_ = 	snop  }
.LBB2_16:
0x11a: {  	_ =	sfence.sel $0x180000  }
0x11b: {  	[bflag:$0x0] =	sbarrier.arrive $0xFFFF  }
0x11c: {  	_ =	strace $0x90000047  }
0x11d: {  	s0 =	stileid.u32;
	[bflag:$0x2] =	sbarrier.arrive $0xFFFF  }
0x11e: {  	p0 =	sne.s32 s0, $0x0;
	s0 =	rddreg [dreg:$0x3]  }
0x11f: {  	s0 =	sadd.s32 @!p0 $0x100000, s0  }
0x120: {  	[sflag:s0] =	ssyncadd.tile.s32 @!p0 $0x1;
	_ =	shalt  }
.Lfunc_end2:
_tile_overlayer_lowered:
.L_overlay_start_2:
0x121: {  	(tag) =	ssettag $0x2  }
0x122: {  	s0 =	rddreg [dreg:$0x0];
	s2 =	stileid.u32  }
0x123: {  	s1 =	rddreg [dreg:$0x1];
	p0 =	sne.s32 s2, $0x0  }
0x124: {  	s3 =	rddreg [dreg:$0x2];
	[bflag:$0x3] =	sbarrier.arrive $0xFFFF;
	s2 =	simm.s32 @!p0 $0x1C0E  }
0x125: {  	[timem:s3], [sflag:s2] =	dma.local @!p0 [hbm:s0], s1  }
0x126: {  	s0 =	simm.s32 @!p0 $0xE  }
0x127: {  	_ =	swait.ge @!p0 [sflag:s0], s1  }
0x128: {  	s1 =	ssub.s32 @!p0 $0x0, s1;
	[sflag:s0] =	ssyncset.done @!p0 $0x0  }
0x129: {  	[sflag:s0] =	ssyncadd.s32 @!p0 s1  }
0x12a: {  	[bflag:$0x3] =	sbarrier.arrive $0xFFFF  }
0x12b: {  	_ =	shalt  }

// kernel: kernel.9.cloned.1.call-start
scs
__scs_entry_jumppad:
0x0: {  	(pc) =	sbr.rel $0x88, $3  }
0x1: {  	(tag) =	ssettag $0x0;
	lr =	simm.s32 $0x1  }
0x2: {  	[smem:$0x3F9A] =	sst lr;
	_ =	strace $0xD0000000  }
0x3: {  	_ = 	snop  }
0x4: {  	_ = 	snop  }
0x5: {  	_ = 	snop  }
0x6: {  	_ = 	snop  }
0x7: {  	_ = 	snop  }
__scs_overlays_trampoline_lowered:
0x8: {  	[smem:$0x3FA9] =	sst s0  }
0x9: {  	[smem:$0x3FAA] =	sst s1  }
0xa: {  	[smem:$0x3FAB] =	sst s2  }
0xb: {  	[smem:$0x3FAC] =	sst s3  }
0xc: {  	[smem:$0x3FAD] =	sst s4  }
0xd: {  	[smem:$0x3FAE] =	sst s5  }
0xe: {  	[smem:$0x3FAF] =	sst s6  }
0xf: {  	[smem:$0x3FB0] =	sst s7  }
0x10: {  	[smem:$0x3FB1] =	sst s8  }
0x11: {  	[smem:$0x3FB2] =	sst s9;
	s0 =	simm.s32 @!p0 $0x0  }
0x12: {  	s1 =	sld [smem:$0x3F98];
	s0 =	simm.s32 @p0 $0x1  }
0x13: {  	[smem:$0x3FB3] =	sst s0;
	s0 =	simm.s32 @!p1 $0x0  }
0x14: {  	s2 =	sld [smem:$0x3F97];
	s0 =	simm.s32 @p1 $0x1  }
0x15: {  	[smem:$0x3FB4] =	sst s0;
	s0 =	simm.s32 @!p2 $0x0  }
0x16: {  	s3 =	sld [smem:$0x3FDB];
	s0 =	simm.s32 @p2 $0x1  }
0x17: {  	s4 =	simm.s32 $0x1BF5;
	[smem:$0x3FB6] =	sst s0  }
0x18: {  	s0 =	sld [smem:$0x3F99];
	_ =	swait.ge [sflag:s4], $0x0  }
0x19: {  	s7 =	sld [smem:$0x3F9A]  }
0x1a: {  	s8 =	sadd.s32 $0xFFFFE003, lr  }
0x1b: {  	s9 =	sadd.s32 $0xFFFFFEF7, lr;
	s5 =	simm.s32 $0xFFFFFFFF;
	p2 =	slt.u32 s8, $0xFFFFF086  }
0x1c: {  	p1 =	slt.u32 s9, $0xF7A;
	s5 =	simm.s32 @!p2 $0x0  }
0x1d: {  	s5 =	simm.s32 @p1 $0x1;
	p0 =	seq.s32 s7, s2  }
0x1e: {  	s7 =	smul.u32 @!p0 $0xF7A, s2;
	p2 =	seq.s32 @!p0 s5, $0x0  }
0x1f: {  	s9 =	smul.u32 $0xF7A, s1;
	s8 =	simm.s32 @!p0 $0x1BF5;
	p2 =	por !p2, p0  }
0x20: {  	[sflag:s8] =	ssyncset.s32 @!p0 $0xFFFFF086;
	s6 =	sadd.s32 @!p0 s3, s7;
	s7 =	simm.s32 @!p0 $0x108  }
0x21: {  	s3 =	sadd.s32 s3, s9;
	s6 =	sadd.s32 @!p0 $0x88, s6;
	s7 =	simm.s32 @p2 $0x1082  }
0x22: {  	[simem:s7], [sflag:s8] =	dma.local @!p0 [hbm:s6], $0xF7A  }
0x23: {  	s9 =	sor.u32 $0xD0000000, s2;
	s6 =	simm.s32 $0x108;
	_ =	swait.ge @!p0 [sflag:s8], $0x0  }
0x24: {  	s3 =	sadd.s32 $0x88, s3;
	s6 =	simm.s32 @!p1 $0x1082;
	[sflag:s4] =	ssyncset.s32 $0xFFFFF086  }
0x25: {  	[simem:s6], [sflag:s4] =	dma.local [hbm:s3], $0xF7A  }
0x26: {  	[smem:$0x3F9A] =	sst s1;
	(tag) =	ssettag s2;
	_ =	strace s9  }
0x27: {  	s1 =	sld [smem:$0x3FAA]  }
0x28: {  	s2 =	sld [smem:$0x3FAB]  }
0x29: {  	s4 =	sld [smem:$0x3FAD]  }
0x2a: {  	p0 =	seq.s32 s5, $0x0;
	s5 =	sld [smem:$0x3FAE]  }
0x2b: {  	s6 =	sld [smem:$0x3FAF]  }
0x2c: {  	s7 =	sld [smem:$0x3FB0]  }
0x2d: {  	s3 =	simm.s32 $0x108;
	s8 =	sld [smem:$0x3FB1]  }
0x2e: {  	s3 =	simm.s32 @!p0 $0x1082;
	s9 =	sld [smem:$0x3FB2]  }
0x2f: {  	lr =	sadd.s32 s0, s3;
	s0 =	sld [smem:$0x3FA9]  }
0x30: {  	s3 =	sld [smem:$0x3FAC]  }
0x31: {  	[smem:$0x3FB5] =	sst s10  }
0x32: {  	s10 =	sld [smem:$0x3FB3];
	_ =	sdelay $0x3  }
0x33: {  	p0 =	seq.s32 s10, $0x1;
	s10 =	sld [smem:$0x3FB5];
	_ =	sdelay $0x3  }
0x34: {  	[smem:$0x3FB5] =	sst s10  }
0x35: {  	s10 =	sld [smem:$0x3FB4];
	_ =	sdelay $0x3  }
0x36: {  	p1 =	seq.s32 s10, $0x1;
	s10 =	sld [smem:$0x3FB5];
	_ =	sdelay $0x3  }
0x37: {  	[smem:$0x3FB5] =	sst s10  }
0x38: {  	s10 =	sld [smem:$0x3FB6]  }
0x39: {  	_ = 	snop;
	(pc) =	sbr.ind lr, $3  }
0x3a: {  	_ = 	snop  }
0x3b: {  	_ = 	snop  }
0x3c: {  	p2 =	seq.s32 s10, $0x1;
	s10 =	sld [smem:$0x3FB5]  }
0x3d: {  	_ =	shalt  }
0x3e: {  	_ =	shalt  }
0x3f: {  	_ =	shalt  }
0x40: {  	_ =	shalt  }
0x41: {  	_ =	shalt  }
0x42: {  	_ =	shalt  }
0x43: {  	_ =	shalt  }
0x44: {  	_ =	shalt  }
0x45: {  	_ =	shalt  }
0x46: {  	_ =	shalt  }
0x47: {  	_ =	shalt  }
0x48: {  	_ =	shalt  }
0x49: {  	_ =	shalt  }
0x4a: {  	_ =	shalt  }
0x4b: {  	_ =	shalt  }
0x4c: {  	_ =	shalt  }
0x4d: {  	_ =	shalt  }
0x4e: {  	_ =	shalt  }
0x4f: {  	_ =	shalt  }
0x50: {  	_ =	shalt  }
0x51: {  	_ =	shalt  }
0x52: {  	_ =	shalt  }
0x53: {  	_ =	shalt  }
0x54: {  	_ =	shalt  }
0x55: {  	_ =	shalt  }
0x56: {  	_ =	shalt  }
0x57: {  	_ =	shalt  }
0x58: {  	_ =	shalt  }
0x59: {  	_ =	shalt  }
0x5a: {  	_ =	shalt  }
0x5b: {  	_ =	shalt  }
0x5c: {  	_ =	shalt  }
0x5d: {  	_ =	shalt  }
0x5e: {  	_ =	shalt  }
0x5f: {  	_ =	shalt  }
0x60: {  	_ =	shalt  }
0x61: {  	_ =	shalt  }
0x62: {  	_ =	shalt  }
0x63: {  	_ =	shalt  }
0x64: {  	_ =	shalt  }
0x65: {  	_ =	shalt  }
0x66: {  	_ =	shalt  }
0x67: {  	_ =	shalt  }
0x68: {  	_ =	shalt  }
0x69: {  	_ =	shalt  }
0x6a: {  	_ =	shalt  }
0x6b: {  	_ =	shalt  }
0x6c: {  	_ =	shalt  }
0x6d: {  	_ =	shalt  }
0x6e: {  	_ =	shalt  }
0x6f: {  	_ =	shalt  }
0x70: {  	_ =	shalt  }
0x71: {  	_ =	shalt  }
0x72: {  	_ =	shalt  }
0x73: {  	_ =	shalt  }
0x74: {  	_ =	shalt  }
0x75: {  	_ =	shalt  }
0x76: {  	_ =	shalt  }
0x77: {  	_ =	shalt  }
0x78: {  	_ =	shalt  }
0x79: {  	_ =	shalt  }
0x7a: {  	_ =	shalt  }
0x7b: {  	_ =	shalt  }
0x7c: {  	_ =	shalt  }
0x7d: {  	_ =	shalt  }
0x7e: {  	_ =	shalt  }
0x7f: {  	_ =	shalt  }
0x80: {  	_ =	shalt  }
0x81: {  	_ =	shalt  }
0x82: {  	_ =	shalt  }
0x83: {  	_ =	shalt  }
0x84: {  	_ =	shalt  }
0x85: {  	_ =	shalt  }
0x86: {  	_ =	shalt  }
0x87: {  	_ =	shalt  }
.Lfunc_end0:
.L_simem_size_0:
called_computation.1_lowered:
.L_overlay_start_0:
0x88: {  	s2 =	sld [smem:$0x3FD9]  }
0x89: {  	s3 =	sld [smem:$0x3FFE];
	_ =	sdelay $0x1  }
0x8a: {  	s1 =	srdreg.scid  }
0x8b: {  	s0 =	sand.u32 $0x1, s1  }
0x8c: {  	s16 =	sshll.u32 s0, $0xA;
	s2 =	sadd.s32 s3, s2  }
0x8d: {  	s2 =	sadd.s32 s2, s16  }
0x8e: {  	[smem:$0x3FC1] =	sst s2  }
0x8f: {  	_ = 	snop  }
0x90: {  	(tm) =	ssettm $0x1  }
0x91: {  	s17 =	sld [smem:$0x3FFB];
	_ =	sdelay $0x3  }
0x92: {  	_ =	strace s17  }
0x93: {  	s2 =	sld [smem:$0x3FFC];
	_ =	sdelay $0x3  }
0x94: {  	_ =	strace s2  }
0x95: {  	s2 =	sld [smem:$0x3FFD];
	_ =	sdelay $0x3  }
0x96: {  	_ =	strace s2  }
0x97: {  	_ =	strace $0x8FFFFFFF  }
0x98: {  	s18 =	sld [smem:$0x3FDB];
	_ =	sdelay $0x1  }
0x99: {  	s19 =	simm.s32 $_scs_section_size  }
0x9a: {  	s4 =	simm.s32 $_size__tile_overlayer_lowered;
	s5 =	simm.s32 $_tile_overlayer_lowered  }
0x9b: {  	s22 =	simm.s32 $0x1BFF;
	s21 =	sshll.u32 s5, $0x1;
	s2 =	sadd.s32 s19, s18  }
0x9c: {  	s6 =	simm.s32 $0x0;
	s20 =	sshll.u32 s4, $0x1;
	s4 =	sadd.s32 s21, s2  }
0x9d: {  	[timem:s6], [sflag:s22] =	dma.local [hbm:s4], s20  }
0x9e: {  	_ =	swait.ge [sflag:s22], s20  }
0x9f: {  	s3 =	ssub.s32 $0x0, s20;
	[sflag:s22] =	ssyncset.done $0x0  }
0xa0: {  	[sflag:s22] =	ssyncadd.s32 s3;
	_ =	sdelay $0x1  }
0xa1: {  	s23 =	simm.s32 $0x1B8B  }
0xa2: {  	_ =	swait.ge [sflag:s23], $0x1  }
0xa3: {  	[sflag:s23] =	ssyncset.done $0x0  }
0xa4: {  	s25 =	simm.s32 $0x1B8E;
	s24 =	sld [smem:$0x3FFE];
	[sflag:s23] =	ssyncadd.s32 $0xFFFFFFFF  }
0xa5: {  	s26 =	simm.s32 $execute0_lowered;
	[smem:$0x3FD2] =	sst s25  }
0xa6: {  	s4 =	sshll.u32 s26, $0x1;
	_ =	strace $0x80000049;
	[dreg:$0x1] =	wrdreg $0xFFFFFFFF  }
0xa7: {  	s28 =	simm.s32 $_size_execute0_lowered;
	s2 =	sadd.s32 s2, s4;
	[dreg:$0x0] =	wrdreg $0x0  }
0xa8: {  	s4 =	sshll.u32 s28, $0x1;
	[dreg:$0x2] =	wrdreg s2  }
0xa9: {  	[dreg:$0x3] =	wrdreg s4  }
0xaa: {  	[dreg:$0x4] =	wrdreg $0xC0  }
0xab: {  	_ =	task [dreg:s6], $0x5FFFF  }
0xac: {  	[dreg:$0x1] =	wrdreg $0xFFFFFFFF  }
0xad: {  	[dreg:$0x0] =	wrdreg $0x60  }
0xae: {  	[dreg:$0x2] =	wrdreg s24  }
0xaf: {  	[dreg:$0x3] =	wrdreg $0x0  }
0xb0: {  	[dreg:$0x4] =	wrdreg $0x9  }
0xb1: {  	_ =	task.clear_ibuf [dreg:s6], $0x5FFFF;
	_ =	strace $0x90000049  }
0xb2: {  	s29 =	simm.s32 $0x9;
	_ =	strace $0x8000004B  }
0xb3: {  	_ =	swait.ge [sflag:s29], $0x1  }
0xb4: {  	[sflag:s29] =	ssyncadd.s32 $0xFFFFFFFF  }
0xb5: {  	_ =	strace $0x9000004B  }
0xb6: {  	_ =	sfence  }
0xb7: {  	s30 =	sld [smem:$0x0];
	_ =	sdelay $0x2  }
0xb8: {  	s31 =	sshll.u32 s1, $0xD;
	s1 =	sshrl.u32 s1, $0x2  }
0xb9: {  	s3 =	sand.u32 $0x4000, s31;
	s1 =	sadd.s32 s1, s30  }
0xba: {  	s0 =	sor.u32 s3, s0;
	s1 =	sshll.u32 s1, $0x11  }
0xbb: {  	s0 =	sor.u32 s1, s0  }
0xbc: {  	s0 =	sadd.s32 $0x8F2B, s0  }
0xbd: {  	[sflag:s0] =	ssyncadd.remote.s32 $0x1  }
0xbe: {  	_ =	sfence.sel $0xFFFF  }
0xbf: {  	[dreg:$0x0] =	wrdreg $0xFFFFFFFF;
	(pc) =	sbr.abs _section_cstart, $3  }
0xc0: {  	[dreg:$0x1] =	wrdreg $0xFFFFFFFF  }
0xc1: {  	_ =	task.clear_ibuf [dreg:s6], $0x2FFFF;
	_ =	strace $0x9FFFFFFF  }
0xc2: {  	(tm) =	ssettm $0x7FFFFFFF  }
0xc3: {  	_ =	shalt  }
tec
execute0_lowered:
.L_overlay_start_1:
0x0: {  	(tag) =	ssettag $0x1  }
0x1: {  	s0 =	rddreg [dreg:$0x0]  }
0x2: {  	s1 =	rddreg [dreg:$0x1]  }
0x3: {  	s2 =	simm.s32 $0x0;
	s13 =	stileid.u32;
	s8 =	srdreg.scid  }
0x4: {  	s31 =	simm.s32 $0x2;
	[smem:$0x7FF] =	sst s2;
	s4 =	sadd.s32 $0x2B200, s0  }
0x5: {  	s5 =	sadd.s32 $0x52400, s0;
	s3 =	sadd.s32 $0x14E00, s0;
	s6 =	smul.u32 $0x2780, s13  }
0x6: {  	s14 =	sadd.s32 $0x1EC00, s0;
	s7 =	sadd.s32 $0xB000, s0;
	s9 =	smul.u32 $0x4F000, s13  }
0x7: {  	s15 =	sadd.s32 $0x1200, s0;
	s10 =	sand.u32 $0x1, s8;
	s8 =	smul.u32 $0x4E00, s13  }
0x8: {  	s11 =	sadd.s32 $0x28A00, s0;
	s24 =	sshll.u32 s13, $0x4;
	s28 =	smul.u32 $0x9C0, s13  }
0x9: {  	p1 =	sgt.u32 s13, $0x3;
	_ =	strace $0x8000004A;
	[dreg:$0x5] =	wrdreg s11  }
0xa: {  	p2 =	slt.u32 s13, $0x4;
	s20 =	ssub.s32 $0x2, s10;
	[dreg:$0x4] =	wrdreg s15  }
0xb: {  	s11 =	sor.u32 $0x9C00, s24;
	[dreg:$0x3] =	wrdreg s14;
	s24 =	sadd.s32 s28, s3  }
0xc: {  	s9 =	sshrl.u32 s9, $0x2;
	s19 =	sadd.s32 s7, s11;
	[dreg:$0x17] =	wrdreg s24  }
0xd: {  	s12 =	sshrl.u32 s8, $0x3;
	s9 =	sadd.s32 s9, s1;
	[dreg:$0xb] =	wrdreg s19  }
0xe: {  	s0 =	sadd.s32 s6, s0;
	s22 =	sadd.s32 s15, s12;
	[dreg:$0x6] =	wrdreg s9  }
0xf: {  	s21 =	sshrl.u32 s20, $0x1;
	s16 =	sadd.s32 s7, s12;
	[dreg:$0x8] =	wrdreg s22  }
0x10: {  	s6 =	ssub.s32 s20, s21;
	s20 =	sadd.s32 s15, s11;
	[dreg:$0x7] =	wrdreg s16  }
0x11: {  	s23 =	sor.u32 $0x10, s12;
	s21 =	sadd.s32 s3, s11;
	[dreg:$0xc] =	wrdreg s20  }
0x12: {  	p0 =	sne.s32 s10, $0x0;
	s17 =	sadd.s32 s7, s23;
	[dreg:$0x11] =	wrdreg s21  }
0x13: {  	s10 =	simm.s32 $0x6;
	s25 =	sadd.s32 s15, s23;
	[dreg:$0x9] =	wrdreg s17  }
0x14: {  	s29 =	sadd.s32 s28, s15;
	s26 =	sadd.s32 s3, s23;
	[dreg:$0xa] =	wrdreg s25  }
0x15: {  	s30 =	sadd.s32 s28, s14;
	s9 =	sadd.s32 s14, s23;
	[dreg:$0xf] =	wrdreg s26  }
0x16: {  	s22 =	sadd.s32 s14, s11;
	s18 =	smax.u32 s6, $0x1;
	[dreg:$0x10] =	wrdreg s9  }
0x17: {  	s23 =	sadd.s32 s28, s7;
	s11 =	simm.s32 $0x80;
	[dreg:$0x15] =	wrdreg s18  }
0x18: {  	s6 =	simm.s32 $0x9;
	s15 =	simm.s32 $0x0;
	[dreg:$0x16] =	wrdreg s23  }
0x19: {  	s17 =	sadd.s32 s3, s12;
	s12 =	sadd.s32 s14, s12;
	[dreg:$0x12] =	wrdreg s22  }
0x1a: {  	s25 =	sshll.u32 s13, $0x6;
	s26 =	sadd.s32 $0x20, s16;
	[dreg:$0xe] =	wrdreg s12  }
0x1b: {  	s14 =	simm.s32 $0x1FD80;
	s9 =	simm.s32 $0x1;
	[dreg:$0x18] =	wrdreg s25  }
0x1c: {  	s18 =	simm.s32 $0x1FE80;
	s23 =	simm.s32 $0xA;
	[dreg:$0x1a] =	wrdreg s26  }
.Ltmp0:
0x1d: {  	s12 =	sadd.s32 $0xA0E00, s0;
	[dreg:$0xd] =	wrdreg s17;
	(pc) =	sbr.rel .LBB2_1-.Ltmp0, $4  }
0x1e: {  	s3 =	simm.s32 $0x8;
	s0 =	sadd.s32 $0x79600, s0;
	[dreg:$0x13] =	wrdreg s12  }
0x1f: {  	s13 =	simm.s32 $0xB;
	s28 =	sadd.s32 $0x20, s17;
	[dreg:$0x14] =	wrdreg s0  }
0x20: {  	s17 =	simm.s32 $0x3;
	s0 =	sor.u32 $0x1C0D, s25;
	[dreg:$0x1b] =	wrdreg s28  }
0x21: {  	s25 =	simm.s32 $0x1BC00;
	[dreg:$0x19] =	wrdreg s0;
	s0 =	simm.s32 $0x7  }
.LBB2_14:
0x22: {  	_ =	swait.ge [sflag:s9], $0x4000  }
0x23: {  	[sflag:s9] =	ssyncset.done $0x0  }
0x24: {  	[sflag:s9] =	ssyncadd.s32 $0xFFFFC000  }
0x25: {  	_ =	swait.ge [sflag:s0], $0x80  }
0x26: {  	[sflag:s0] =	ssyncset.done $0x0  }
0x27: {  	s12 =	simm.s32 $0x13C00;
	s28 =	simm.s32 $0xE;
	[sflag:s0] =	ssyncadd.s32 $0xFFFFFF80  }
0x28: {  	[spmem:s1] =	stream.indirect.scatter.add.f32 [tilespmem:s12], [sflag:$0xE], $0x80, s14, s11, $0xb8;
	[tilespmem:$0x1FF00] =	vst v63  }
0x29: {  	_ =	swait.ge [sflag:s28], $0x4000  }
0x2a: {  	[sflag:s28] =	ssyncset.done $0x0  }
0x2b: {  	[sflag:s28] =	ssyncadd.s32 $0xFFFFC000  }
.LBB2_15:
0x2c: {  	[bflag:$0x0] =	sbarrier.arrive $0xFFFF  }
0x2d: {  	s12 =	rddreg [dreg:$0x18]  }
0x2e: {  	s26 =	simm.s32 $0xE;
	s16 =	rddreg [dreg:$0x1d];
	s12 =	sor.u32 $0x1C0E, s12  }
0x2f: {  	[hbm:s7], [sflag:s12] =	dma.local [spmem:s16], $0x2780  }
0x30: {  	_ =	swait.ge [sflag:s26], $0x2780  }
0x31: {  	s15 =	sadd.s32 $0x1, s15;
	s28 =	rddreg [dreg:$0x15]  }
0x32: {  	p3 =	sne.s32 s15, s28  }
.Ltmp1:
0x33: {  	_ = 	snop;
	(pc) =	sbr.rel @!p3 .LBB2_16-.Ltmp1, $3  }
0x34: {  	_ =	sdelay $0x1  }
0x35: {  	[sflag:s26] =	ssyncset.done $0x0  }
0x36: {  	[sflag:s26] =	ssyncadd.s32 $0xFFFFD880  }
.LBB2_1:
0x37: {  	[dreg:$0x1c] =	wrdreg s15  }
.Ltmp2:
0x38: {  	s7 =	rddreg [dreg:$0x6];
	(pc) =	sbr.rel @p0 .LBB2_8-.Ltmp2, $4  }
0x39: {  	s28 =	rddreg [dreg:$0x5]  }
0x3a: {  	s12 =	rddreg [dreg:$0x19];
	s26 =	sshrl.u32 s7, $0x3  }
0x3b: {  	s7 =	simm.s32 $0x0;
	[dreg:$0x1d] =	wrdreg s26  }
0x3c: {  	[spmem:s26], [sflag:s12] =	dma.local [hbm:s28], $0x2780  }
0x3d: {  	s12 =	rddreg [dreg:$0xd];
	s15 =	simm.s32 $0x1FC00  }
0x3e: {  	[tilespmem:s15], [sflag:$0x4] =	stream.linear.gather [hbm4b:s12+s7], $0x80, $0x38;
	[tilespmem:$0x1FF00] =	vst v63  }
0x3f: {  	s19 =	rddreg [dreg:$0xe]  }
0x40: {  	[tilespmem:s14], [sflag:$0x7] =	stream.linear.gather [hbm4b:s19+s7], $0x80, $0x38;
	[tilespmem:$0x1FF00] =	vst v63  }
0x41: {  	s20 =	rddreg [dreg:$0xf];
	s16 =	simm.s32 $0x1FC80  }
0x42: {  	[tilespmem:s16], [sflag:$0x5] =	stream.linear.gather [hbm4b:s20+s7], $0x80, $0x38;
	[tilespmem:$0x1FF00] =	vst v63  }
0x43: {  	s24 =	rddreg [dreg:$0x10];
	s19 =	simm.s32 $0x1FE00  }
0x44: {  	[tilespmem:s19], [sflag:$0x8] =	stream.linear.gather [hbm4b:s24+s7], $0x80, $0x38;
	[tilespmem:$0x1FF00] =	vst v63  }
0x45: {  	s26 =	rddreg [dreg:$0x1b];
	s28 =	simm.s32 $0x1FD00;
	s19 =	simm.s32 $0x4  }
0x46: {  	[tilespmem:s28], [sflag:$0x6] =	stream.linear.gather [hbm4b:s26+s7], $0x80, $0x38;
	[tilespmem:$0x1FF00] =	vst v63  }
0x47: {  	_ =	swait.ge [sflag:s19], $0x80  }
0x48: {  	[sflag:s19] =	ssyncset.done $0x0  }
0x49: {  	s20 =	simm.s32 $0x13C00;
	s24 =	simm.s32 $0x5;
	[sflag:s19] =	ssyncadd.s32 $0xFFFFFF80  }
0x4a: {  	[tilespmem:s20], [sflag:$0x1] =	stream.indirect.gather [hbm4b:s4+s11], $0x80, s15, s11, $0xb8;
	[tilespmem:$0x1FF00] =	vst v63  }
0x4b: {  	_ =	swait.ge [sflag:s24], $0x80  }
0x4c: {  	[sflag:s24] =	ssyncset.done $0x0  }
0x4d: {  	s26 =	simm.s32 $0x17C00;
	s28 =	simm.s32 $0xD;
	[sflag:s24] =	ssyncadd.s32 $0xFFFFFF80  }
0x4e: {  	[tilespmem:s26], [sflag:$0x2] =	stream.indirect.gather [hbm4b:s4+s11], $0x80, s16, s11, $0xb8;
	[tilespmem:$0x1FF00] =	vst v63  }
.Ltmp3:
0x4f: {  	_ =	swait.ge [sflag:s28], $0x2780;
	(pc) =	sbr.rel .LBB2_3-.Ltmp3, $4  }
0x50: {  	[sflag:s28] =	ssyncset.done $0x0  }
0x51: {  	[sflag:s28] =	ssyncadd.s32 $0xFFFFD880  }
0x52: {  	[bflag:$0x0] =	sbarrier.arrive $0xFFFF  }
0x53: {  	s26 =	simm.s32 $0x200  }
.LBB2_5:
0x54: {  	s12 =	simm.s32 @!p4 $0x4  }
0x55: {  	_ =	swait.ge @!p4 [sflag:s12], $0x80  }
0x56: {  	[sflag:s12] =	ssyncset.done @!p4 $0x0  }
0x57: {  	s15 =	simm.s32 @!p4 $0x13C00;
	[sflag:s12] =	ssyncadd.s32 @!p4 $0xFFFFFF80;
	s12 =	simm.s32 @!p4 $0x80  }
0x58: {  	[tilespmem:s15], [sflag:$0x1] =	stream.indirect.gather @!p4 [hbm4b:s4+s12], $0x80, s28, s12, $0xb8;
	[tilespmem:$0x1FF00] =	vst v63  }
.LBB2_6:
0x59: {  	s7 =	sadd.s32 $0x30, s7  }
0x5a: {  	p3 =	sne.s32 s7, $0x9C0  }
.Ltmp4:
0x5b: {  	_ = 	snop;
	(pc) =	sbr.rel @!p3 .LBB2_7-.Ltmp4, $2  }
0x5c: {  	_ =	sdelay $0x2  }
0x5d: {  	s26 =	sadd.s32 $0x180, s26  }
.LBB2_3:
0x5e: {  	_ =	swait.ge [sflag:s9], $0x4000  }
0x5f: {  	p3 =	seq.s32 s7, $0x0;
	[sflag:s9] =	ssyncset.done $0x0  }
0x60: {  	s28 =	simm.s32 @!p3 $0xC;
	[sflag:s9] =	ssyncadd.s32 $0xFFFFC000  }
0x61: {  	_ =	swait.ge @!p3 [sflag:s28], $0x4000  }
0x62: {  	[sflag:s28] =	ssyncset.done @!p3 $0x0  }
0x63: {  	[sflag:s28] =	ssyncadd.s32 @!p3 $0xFFFFC000  }
0x64: {  	_ =	swait.ge [sflag:s10], $0x80  }
0x65: {  	[sflag:s10] =	ssyncset.done $0x0  }
0x66: {  	s12 =	simm.s32 $0x1FD00;
	[sflag:s10] =	ssyncadd.s32 $0xFFFFFF80  }
0x67: {  	[tilespmem:s25], [sflag:$0x3] =	stream.indirect.gather [hbm4b:s4+s11], $0x80, s12, s11, $0xb8;
	[tilespmem:$0x1FF00] =	vst v63  }
0x68: {  	p3 =	seq.s32 s7, $0x990;
	s12 =	rddreg [dreg:$0x17]  }
0x69: {  	s19 =	sadd.s32 @!p3 s7, s12  }
0x6a: {  	s20 =	simm.s32 @!p3 $0x0;
	s12 =	simm.s32 @!p3 $0x1FC00;
	s28 =	sadd.s32 @!p3 $0x30, s19  }
0x6b: {  	[tilespmem:s12], [sflag:$0x4] =	stream.linear.gather @!p3 [hbm4b:s28+s20], $0x80, $0x38;
	[tilespmem:$0x1FF00] =	vst v63  }
0x6c: {  	s28 =	sadd.s32 s7, s30  }
0x6d: {  	s28 =	sadd.s32 $0x20, s28  }
0x6e: {  	[tilespmem:s18], [sflag:$0x9] =	stream.linear.gather [hbm4b:s28+s2], $0x80, $0x38;
	[tilespmem:$0x1FF00] =	vst v63  }
0x6f: {  	_ =	swait.ge [sflag:s0], $0x80  }
0x70: {  	[sflag:s0] =	ssyncset.done $0x0  }
0x71: {  	s15 =	simm.s32 $0x13C00;
	[sflag:s0] =	ssyncadd.s32 $0xFFFFFF80  }
0x72: {  	[spmem:s1] =	stream.indirect.scatter.add.f32 [tilespmem:s15], [sflag:$0xA], $0x80, s14, s11, $0xb8;
	[tilespmem:$0x1FF00] =	vst v63  }
0x73: {  	_ =	swait.ge [sflag:s31], $0x4000  }
0x74: {  	[sflag:s31] =	ssyncset.done $0x0  }
0x75: {  	[sflag:s31] =	ssyncadd.s32 $0xFFFFC000  }
0x76: {  	_ =	swait.ge [sflag:s23], $0x4000  }
0x77: {  	[sflag:s23] =	ssyncset.done $0x0  }
0x78: {  	s28 =	simm.s32 @!p3 $0x4;
	[sflag:s23] =	ssyncadd.s32 $0xFFFFC000  }
0x79: {  	_ =	swait.ge @!p3 [sflag:s28], $0x80  }
0x7a: {  	[sflag:s28] =	ssyncset.done @!p3 $0x0  }
0x7b: {  	s24 =	simm.s32 @!p3 $0x80;
	[sflag:s28] =	ssyncadd.s32 @!p3 $0xFFFFFF80;
	s28 =	simm.s32 @!p3 $0x13C00  }
0x7c: {  	[tilespmem:s28], [sflag:$0x1] =	stream.indirect.gather @!p3 [hbm4b:s4+s24], $0x80, s12, s24, $0xb8;
	[tilespmem:$0x1FF00] =	vst v63  }
0x7d: {  	s15 =	simm.s32 @!p3 $0x1FC80;
	s12 =	sadd.s32 @!p3 $0x40, s19  }
0x7e: {  	[tilespmem:s15], [sflag:$0x5] =	stream.linear.gather @!p3 [hbm4b:s12+s20], $0x80, $0x38;
	[tilespmem:$0x1FF00] =	vst v63  }
0x7f: {  	s12 =	sadd.s32 @!p3 s7, s30  }
0x80: {  	s28 =	simm.s32 @!p3 $0x1FD80;
	s12 =	sadd.s32 @!p3 $0x30, s12  }
0x81: {  	[tilespmem:s28], [sflag:$0x7] =	stream.linear.gather @!p3 [hbm4b:s12+s20], $0x80, $0x38;
	[tilespmem:$0x1FF00] =	vst v63  }
0x82: {  	_ =	swait.ge [sflag:s3], $0x80  }
0x83: {  	s16 =	simm.s32 $0x17C00;
	p4 =	sne.s32 @!p1 s7, $0x990;
	[sflag:s3] =	ssyncset.done $0x0  }
0x84: {  	p4 =	por p4, p1;
	s12 =	simm.s32 $0x1FE00;
	[sflag:s3] =	ssyncadd.s32 $0xFFFFFF80  }
0x85: {  	[spmem:s1] =	stream.indirect.scatter.add.f32 [tilespmem:s16], [sflag:$0xB], $0x80, s12, s11, $0xb8;
	[tilespmem:$0x1FF00] =	vst v63  }
0x86: {  	s28 =	simm.s32 @!p4 $0x1FC00;
	s12 =	simm.s32 @!p4 $0x0  }
0x87: {  	[tilespmem:s28], [sflag:$0x4] =	stream.linear.gather @!p4 [hbm4b:s21+s12], $0x80, $0x38;
	[tilespmem:$0x1FF00] =	vst v63  }
0x88: {  	s16 =	simm.s32 @!p4 $0x1FD80  }
0x89: {  	[tilespmem:s16], [sflag:$0x7] =	stream.linear.gather @!p4 [hbm4b:s22+s12], $0x80, $0x38;
	[tilespmem:$0x1FF00] =	vst v63  }
0x8a: {  	_ =	swait.ge [sflag:s17], $0x4000  }
0x8b: {  	[sflag:s17] =	ssyncset.done $0x0  }
0x8c: {  	[sflag:s17] =	ssyncadd.s32 $0xFFFFC000  }
0x8d: {  	_ =	swait.ge [sflag:s13], $0x4000  }
0x8e: {  	[sflag:s13] =	ssyncset.done $0x0  }
0x8f: {  	s12 =	simm.s32 @!p3 $0x5;
	[sflag:s13] =	ssyncadd.s32 $0xFFFFC000  }
0x90: {  	_ =	swait.ge @!p3 [sflag:s12], $0x80  }
0x91: {  	[sflag:s12] =	ssyncset.done @!p3 $0x0  }
0x92: {  	[sflag:s12] =	ssyncadd.s32 @!p3 $0xFFFFFF80;
	s12 =	simm.s32 @!p3 $0x17C00  }
0x93: {  	[tilespmem:s12], [sflag:$0x2] =	stream.indirect.gather @!p3 [hbm4b:s4+s24], $0x80, s15, s24, $0xb8;
	[tilespmem:$0x1FF00] =	vst v63  }
0x94: {  	s12 =	sadd.s32 @!p3 $0x50, s19;
	s15 =	simm.s32 @!p3 $0x1FD00  }
0x95: {  	[tilespmem:s15], [sflag:$0x6] =	stream.linear.gather @!p3 [hbm4b:s12+s20], $0x80, $0x38;
	[tilespmem:$0x1FF00] =	vst v63  }
0x96: {  	s12 =	smov.u32 s26  }
0x97: {  	s12 =	simm.s32 @p3 $0x4E80  }
0x98: {  	s12 =	sadd.s32 @!p3 s8, s12  }
0x99: {  	s15 =	rddreg [dreg:$0x3];
	s12 =	sshrl.u32 @!p3 s12, $0x3  }
0x9a: {  	s12 =	sadd.s32 @!p3 s15, s12;
	s15 =	simm.s32 @!p3 $0x1FE00  }
0x9b: {  	[tilespmem:s15], [sflag:$0x8] =	stream.linear.gather @!p3 [hbm4b:s12+s20], $0x80, $0x38;
	[tilespmem:$0x1FF00] =	vst v63  }
0x9c: {  	p3 =	sne.s32 @!p1 s7, $0x980  }
0x9d: {  	p3 =	por p1, p3  }
.Ltmp5:
0x9e: {  	_ = 	snop;
	(pc) =	sbr.rel @p3 .LBB2_5-.Ltmp5, $4  }
0x9f: {  	_ =	swait.ge [sflag:s6], $0x80  }
0xa0: {  	[sflag:s6] =	ssyncset.done $0x0  }
0xa1: {  	[sflag:s6] =	ssyncadd.s32 $0xFFFFFF80  }
0xa2: {  	[spmem:s1] =	stream.indirect.scatter.add.f32 [tilespmem:s25], [sflag:$0xC], $0x80, s18, s11, $0xb8;
	[tilespmem:$0x1FF00] =	vst v63  }
.Ltmp6:
0xa3: {  	(pc) =	sbr.rel .LBB2_6-.Ltmp6, $4  }
0xa4: {  	s12 =	simm.s32 $0x1FC00  }
0xa5: {  	[tilespmem:s12], [sflag:$0x4] =	stream.linear.gather [hbm4b:s21+s2], $0x80, $0x38;
	[tilespmem:$0x1FF00] =	vst v63  }
0xa6: {  	_ = 	snop  }
0xa7: {  	[tilespmem:s14], [sflag:$0x7] =	stream.linear.gather [hbm4b:s22+s2], $0x80, $0x38;
	[tilespmem:$0x1FF00] =	vst v63  }
.LBB2_8:
0xa8: {  	s12 =	rddreg [dreg:$0x7];
	s15 =	simm.s32 $0x1FC00  }
0xa9: {  	[tilespmem:s15], [sflag:$0x4] =	stream.linear.gather [hbm4b:s12+s7], $0x80, $0x38;
	[tilespmem:$0x1FF00] =	vst v63  }
0xaa: {  	s24 =	rddreg [dreg:$0x8]  }
0xab: {  	[tilespmem:s14], [sflag:$0x7] =	stream.linear.gather [hbm4b:s24+s7], $0x80, $0x38;
	[tilespmem:$0x1FF00] =	vst v63  }
0xac: {  	s26 =	rddreg [dreg:$0x9];
	s16 =	simm.s32 $0x1FC80  }
0xad: {  	[tilespmem:s16], [sflag:$0x5] =	stream.linear.gather [hbm4b:s26+s7], $0x80, $0x38;
	[tilespmem:$0x1FF00] =	vst v63  }
0xae: {  	s28 =	rddreg [dreg:$0xa];
	s19 =	simm.s32 $0x1FE00  }
0xaf: {  	[tilespmem:s19], [sflag:$0x8] =	stream.linear.gather [hbm4b:s28+s7], $0x80, $0x38;
	[tilespmem:$0x1FF00] =	vst v63  }
0xb0: {  	s20 =	simm.s32 $0x1FD00;
	s21 =	simm.s32 $0x4;
	s19 =	rddreg [dreg:$0x1a]  }
0xb1: {  	[tilespmem:s20], [sflag:$0x6] =	stream.linear.gather [hbm4b:s19+s7], $0x80, $0x38;
	[tilespmem:$0x1FF00] =	vst v63  }
0xb2: {  	_ =	swait.ge [sflag:s21], $0x80  }
0xb3: {  	[sflag:s21] =	ssyncset.done $0x0  }
0xb4: {  	s22 =	simm.s32 $0x13C00;
	s24 =	simm.s32 $0x5;
	[sflag:s21] =	ssyncadd.s32 $0xFFFFFF80  }
0xb5: {  	[tilespmem:s22], [sflag:$0x1] =	stream.indirect.gather [hbm4b:s5+s11], $0x80, s15, s11, $0xb8;
	[tilespmem:$0x1FF00] =	vst v63  }
0xb6: {  	_ =	swait.ge [sflag:s24], $0x80  }
0xb7: {  	[sflag:s24] =	ssyncset.done $0x0  }
0xb8: {  	s26 =	simm.s32 $0x17C00;
	s28 =	simm.s32 $0xD;
	[sflag:s24] =	ssyncadd.s32 $0xFFFFFF80  }
0xb9: {  	[tilespmem:s26], [sflag:$0x2] =	stream.indirect.gather [hbm4b:s5+s11], $0x80, s16, s11, $0xb8;
	[tilespmem:$0x1FF00] =	vst v63  }
.Ltmp7:
0xba: {  	_ =	swait.ge [sflag:s28], $0x2780;
	(pc) =	sbr.rel .LBB2_9-.Ltmp7, $4  }
0xbb: {  	[sflag:s28] =	ssyncset.done $0x0  }
0xbc: {  	[sflag:s28] =	ssyncadd.s32 $0xFFFFD880  }
0xbd: {  	[bflag:$0x0] =	sbarrier.arrive $0xFFFF  }
0xbe: {  	s26 =	simm.s32 $0x200  }
.LBB2_11:
0xbf: {  	s12 =	simm.s32 @!p4 $0x4  }
0xc0: {  	_ =	swait.ge @!p4 [sflag:s12], $0x80  }
0xc1: {  	[sflag:s12] =	ssyncset.done @!p4 $0x0  }
0xc2: {  	s15 =	simm.s32 @!p4 $0x13C00;
	[sflag:s12] =	ssyncadd.s32 @!p4 $0xFFFFFF80;
	s12 =	simm.s32 @!p4 $0x80  }
0xc3: {  	[tilespmem:s15], [sflag:$0x1] =	stream.indirect.gather @!p4 [hbm4b:s5+s12], $0x80, s28, s12, $0xb8;
	[tilespmem:$0x1FF00] =	vst v63  }
.LBB2_12:
0xc4: {  	s7 =	sadd.s32 $0x30, s7  }
0xc5: {  	p3 =	sne.s32 s7, $0x9C0  }
.Ltmp8:
0xc6: {  	_ = 	snop;
	(pc) =	sbr.rel @!p3 .LBB2_13-.Ltmp8, $2  }
0xc7: {  	_ =	sdelay $0x2  }
0xc8: {  	s26 =	sadd.s32 $0x180, s26  }
.LBB2_9:
0xc9: {  	_ =	swait.ge [sflag:s9], $0x4000  }
0xca: {  	p3 =	seq.s32 s7, $0x0;
	[sflag:s9] =	ssyncset.done $0x0  }
0xcb: {  	s12 =	simm.s32 @!p3 $0xC;
	[sflag:s9] =	ssyncadd.s32 $0xFFFFC000  }
0xcc: {  	_ =	swait.ge @!p3 [sflag:s12], $0x4000  }
0xcd: {  	[sflag:s12] =	ssyncset.done @!p3 $0x0  }
0xce: {  	[sflag:s12] =	ssyncadd.s32 @!p3 $0xFFFFC000  }
0xcf: {  	s20 =	simm.s32 $0x1FD00;
	_ =	swait.ge [sflag:s10], $0x80  }
0xd0: {  	p3 =	seq.s32 s7, $0x990;
	[sflag:s10] =	ssyncset.done $0x0;
	s12 =	rddreg [dreg:$0x16]  }
0xd1: {  	s21 =	sadd.s32 s7, s29;
	[sflag:s10] =	ssyncadd.s32 $0xFFFFFF80;
	s12 =	sadd.s32 @!p3 s7, s12  }
0xd2: {  	[tilespmem:s25], [sflag:$0x3] =	stream.indirect.gather [hbm4b:s5+s11], $0x80, s20, s11, $0xb8;
	[tilespmem:$0x1FF00] =	vst v63  }
0xd3: {  	s16 =	simm.s32 @!p3 $0x0;
	s19 =	simm.s32 @!p3 $0x1FC00;
	s15 =	sadd.s32 @!p3 $0x30, s12  }
0xd4: {  	[tilespmem:s19], [sflag:$0x4] =	stream.linear.gather @!p3 [hbm4b:s15+s16], $0x80, $0x38;
	[tilespmem:$0x1FF00] =	vst v63  }
0xd5: {  	s15 =	sadd.s32 $0x20, s21  }
0xd6: {  	[tilespmem:s18], [sflag:$0x9] =	stream.linear.gather [hbm4b:s15+s2], $0x80, $0x38;
	[tilespmem:$0x1FF00] =	vst v63  }
0xd7: {  	_ =	swait.ge [sflag:s0], $0x80  }
0xd8: {  	[sflag:s0] =	ssyncset.done $0x0  }
0xd9: {  	s22 =	simm.s32 $0x13C00;
	[sflag:s0] =	ssyncadd.s32 $0xFFFFFF80  }
0xda: {  	[spmem:s1] =	stream.indirect.scatter.add.f32 [tilespmem:s22], [sflag:$0xA], $0x80, s14, s11, $0xb8;
	[tilespmem:$0x1FF00] =	vst v63  }
0xdb: {  	_ =	swait.ge [sflag:s31], $0x4000  }
0xdc: {  	[sflag:s31] =	ssyncset.done $0x0  }
0xdd: {  	[sflag:s31] =	ssyncadd.s32 $0xFFFFC000  }
0xde: {  	_ =	swait.ge [sflag:s23], $0x4000  }
0xdf: {  	[sflag:s23] =	ssyncset.done $0x0  }
0xe0: {  	s15 =	simm.s32 @!p3 $0x4;
	[sflag:s23] =	ssyncadd.s32 $0xFFFFC000  }
0xe1: {  	_ =	swait.ge @!p3 [sflag:s15], $0x80  }
0xe2: {  	[sflag:s15] =	ssyncset.done @!p3 $0x0  }
0xe3: {  	s20 =	simm.s32 @!p3 $0x13C00;
	[sflag:s15] =	ssyncadd.s32 @!p3 $0xFFFFFF80;
	s15 =	simm.s32 @!p3 $0x80  }
0xe4: {  	[tilespmem:s20], [sflag:$0x1] =	stream.indirect.gather @!p3 [hbm4b:s5+s15], $0x80, s19, s15, $0xb8;
	[tilespmem:$0x1FF00] =	vst v63  }
0xe5: {  	s19 =	sadd.s32 @!p3 $0x40, s12;
	s20 =	simm.s32 @!p3 $0x1FC80  }
0xe6: {  	[tilespmem:s20], [sflag:$0x5] =	stream.linear.gather @!p3 [hbm4b:s19+s16], $0x80, $0x38;
	[tilespmem:$0x1FF00] =	vst v63  }
0xe7: {  	s19 =	sadd.s32 @!p3 s7, s29  }
0xe8: {  	s24 =	simm.s32 @!p3 $0x1FD80;
	s19 =	sadd.s32 @!p3 $0x30, s19  }
0xe9: {  	[tilespmem:s24], [sflag:$0x7] =	stream.linear.gather @!p3 [hbm4b:s19+s16], $0x80, $0x38;
	[tilespmem:$0x1FF00] =	vst v63  }
0xea: {  	p4 =	sne.s32 @!p1 s7, $0x990;
	_ =	swait.ge [sflag:s3], $0x80  }
0xeb: {  	p4 =	por p4, p1;
	[sflag:s3] =	ssyncset.done $0x0  }
0xec: {  	s21 =	simm.s32 $0x17C00;
	s24 =	simm.s32 $0x1FE00;
	[sflag:s3] =	ssyncadd.s32 $0xFFFFFF80  }
0xed: {  	[spmem:s1] =	stream.indirect.scatter.add.f32 [tilespmem:s21], [sflag:$0xB], $0x80, s24, s11, $0xb8;
	[tilespmem:$0x1FF00] =	vst v63  }
0xee: {  	s28 =	simm.s32 @!p4 $0x1FC00;
	s19 =	simm.s32 @!p4 $0x0;
	s21 =	rddreg [dreg:$0xb]  }
0xef: {  	[tilespmem:s28], [sflag:$0x4] =	stream.linear.gather @!p4 [hbm4b:s21+s19], $0x80, $0x38;
	[tilespmem:$0x1FF00] =	vst v63  }
0xf0: {  	s22 =	rddreg [dreg:$0xc];
	s24 =	simm.s32 @!p4 $0x1FD80  }
0xf1: {  	[tilespmem:s24], [sflag:$0x7] =	stream.linear.gather @!p4 [hbm4b:s22+s19], $0x80, $0x38;
	[tilespmem:$0x1FF00] =	vst v63  }
0xf2: {  	_ =	swait.ge [sflag:s17], $0x4000  }
0xf3: {  	[sflag:s17] =	ssyncset.done $0x0  }
0xf4: {  	[sflag:s17] =	ssyncadd.s32 $0xFFFFC000  }
0xf5: {  	_ =	swait.ge [sflag:s13], $0x4000  }
0xf6: {  	[sflag:s13] =	ssyncset.done $0x0  }
0xf7: {  	s19 =	simm.s32 @!p3 $0x5;
	[sflag:s13] =	ssyncadd.s32 $0xFFFFC000  }
0xf8: {  	_ =	swait.ge @!p3 [sflag:s19], $0x80  }
0xf9: {  	[sflag:s19] =	ssyncset.done @!p3 $0x0  }
0xfa: {  	[sflag:s19] =	ssyncadd.s32 @!p3 $0xFFFFFF80;
	s19 =	simm.s32 @!p3 $0x17C00  }
0xfb: {  	[tilespmem:s19], [sflag:$0x2] =	stream.indirect.gather @!p3 [hbm4b:s5+s15], $0x80, s20, s15, $0xb8;
	[tilespmem:$0x1FF00] =	vst v63  }
0xfc: {  	s12 =	sadd.s32 @!p3 $0x50, s12;
	s15 =	simm.s32 @!p3 $0x1FD00  }
0xfd: {  	[tilespmem:s15], [sflag:$0x6] =	stream.linear.gather @!p3 [hbm4b:s12+s16], $0x80, $0x38;
	[tilespmem:$0x1FF00] =	vst v63  }
0xfe: {  	s12 =	smov.u32 s26  }
0xff: {  	s12 =	simm.s32 @p3 $0x4E80  }
0x100: {  	s12 =	sadd.s32 @!p3 s8, s12  }
0x101: {  	s15 =	rddreg [dreg:$0x4];
	s12 =	sshrl.u32 @!p3 s12, $0x3  }
0x102: {  	s12 =	sadd.s32 @!p3 s15, s12;
	s15 =	simm.s32 @!p3 $0x1FE00  }
0x103: {  	[tilespmem:s15], [sflag:$0x8] =	stream.linear.gather @!p3 [hbm4b:s12+s16], $0x80, $0x38;
	[tilespmem:$0x1FF00] =	vst v63  }
0x104: {  	p3 =	sne.s32 @!p1 s7, $0x980  }
0x105: {  	p3 =	por p1, p3  }
.Ltmp9:
0x106: {  	_ = 	snop;
	(pc) =	sbr.rel @p3 .LBB2_11-.Ltmp9, $4  }
0x107: {  	_ =	swait.ge [sflag:s6], $0x80  }
0x108: {  	[sflag:s6] =	ssyncset.done $0x0  }
0x109: {  	[sflag:s6] =	ssyncadd.s32 $0xFFFFFF80  }
0x10a: {  	[spmem:s1] =	stream.indirect.scatter.add.f32 [tilespmem:s25], [sflag:$0xC], $0x80, s18, s11, $0xb8;
	[tilespmem:$0x1FF00] =	vst v63  }
.Ltmp10:
0x10b: {  	(pc) =	sbr.rel .LBB2_12-.Ltmp10, $4  }
0x10c: {  	s12 =	simm.s32 $0x1FC00  }
0x10d: {  	[tilespmem:s12], [sflag:$0x4] =	stream.linear.gather [hbm4b:s21+s2], $0x80, $0x38;
	[tilespmem:$0x1FF00] =	vst v63  }
0x10e: {  	_ = 	snop  }
0x10f: {  	[tilespmem:s14], [sflag:$0x7] =	stream.linear.gather [hbm4b:s22+s2], $0x80, $0x38;
	[tilespmem:$0x1FF00] =	vst v63  }
.LBB2_7:
.Ltmp11:
0x110: {  	(pc) =	sbr.rel @p2 .LBB2_14-.Ltmp11, $4  }
.Ltmp12:
0x111: {  	s7 =	simm.s32 $0xC;
	(pc) =	sbr.rel @!p2 .LBB2_15-.Ltmp12, $4  }
0x112: {  	_ =	swait.ge [sflag:s7], $0x4000  }
0x113: {  	[sflag:s7] =	ssyncset.done $0x0;
	s15 =	rddreg [dreg:$0x1c]  }
0x114: {  	[sflag:s7] =	ssyncadd.s32 $0xFFFFC000;
	s7 =	rddreg [dreg:$0x14]  }
0x115: {  	_ = 	snop  }
.LBB2_13:
0x116: {  	s7 =	simm.s32 $0xC  }
.Ltmp13:
0x117: {  	_ =	swait.ge [sflag:s7], $0x4000;
	(pc) =	sbr.rel @p1 .LBB2_15-.Ltmp13, $4  }
.Ltmp14:
0x118: {  	s21 =	rddreg [dreg:$0x11];
	(pc) =	sbr.rel @!p1 .LBB2_14-.Ltmp14, $4  }
0x119: {  	s22 =	rddreg [dreg:$0x12]  }
0x11a: {  	[sflag:s7] =	ssyncset.done $0x0;
	s15 =	rddreg [dreg:$0x1c]  }
0x11b: {  	[sflag:s7] =	ssyncadd.s32 $0xFFFFC000;
	s7 =	rddreg [dreg:$0x13]  }
0x11c: {  	_ = 	snop  }
.LBB2_16:
0x11d: {  	_ =	sfence.sel $0x180000  }
0x11e: {  	[bflag:$0x0] =	sbarrier.arrive $0xFFFF  }
0x11f: {  	_ =	strace $0x9000004A  }
0x120: {  	s0 =	stileid.u32;
	[bflag:$0x2] =	sbarrier.arrive $0xFFFF  }
0x121: {  	p0 =	sne.s32 s0, $0x0;
	s0 =	rddreg [dreg:$0x2]  }
0x122: {  	s0 =	sadd.s32 @!p0 $0x100000, s0  }
0x123: {  	[sflag:s0] =	ssyncadd.tile.s32 @!p0 $0x1;
	_ =	shalt  }
.Lfunc_end2:
_tile_overlayer_lowered:
.L_overlay_start_2:
0x124: {  	(tag) =	ssettag $0x2  }
0x125: {  	s0 =	rddreg [dreg:$0x0];
	s2 =	stileid.u32  }
0x126: {  	s1 =	rddreg [dreg:$0x1];
	p0 =	sne.s32 s2, $0x0  }
0x127: {  	s3 =	rddreg [dreg:$0x2];
	[bflag:$0x3] =	sbarrier.arrive $0xFFFF;
	s2 =	simm.s32 @!p0 $0x1C0E  }
0x128: {  	[timem:s3], [sflag:s2] =	dma.local @!p0 [hbm:s0], s1  }
0x129: {  	s0 =	simm.s32 @!p0 $0xE  }
0x12a: {  	_ =	swait.ge @!p0 [sflag:s0], s1  }
0x12b: {  	s1 =	ssub.s32 @!p0 $0x0, s1;
	[sflag:s0] =	ssyncset.done @!p0 $0x0  }
0x12c: {  	[sflag:s0] =	ssyncadd.s32 @!p0 s1  }
0x12d: {  	[bflag:$0x3] =	sbarrier.arrive $0xFFFF  }
0x12e: {  	_ =	shalt  }

</sc_bundles>
